<compile_context>
chip_gen: v7x
topology: tpu7x:2x2x1
jax: 0.10.2.dev20260603
libtpu: 0.0.44.dev20260713+nightly
codegen_flags: <defaults>
</compile_context>

<pallas_src>
import functools

import jax
import jax.numpy as jnp
from jax import lax
from jax.experimental import pallas as pl
from jax.experimental.pallas import tpu as pltpu
from jax.experimental.pallas import tpu_sc as plsc

D = 128
N_ACT = 9
N_GRID = 64
ROW = 128
CHUNK = 160
BLK = 20
NBUF = 5
LAG = 3


def _build_tables_and_fuse(a_tab, x_tab, y_tab, at, x, y):
    b, t = at.shape
    blk = b // 8

    def body(a_ref, x_ref, y_ref, ai_ref, xi_ref, yi_ref, tab_ref, idx_ref):
        @pl.when(pl.program_id(0) == 0)
        def _tab():
            av = a_ref[...]
            xv = x_ref[...]
            yv = y_ref[...]
            tab_ref[...] = ((av[:, None, None, :] + xv[None, :, None, :])
                            + yv[None, None, :, :])

        idx_ref[...] = ((ai_ref[...] << 12) | (xi_ref[...] << 6)
                        | yi_ref[...])

    tspec = pl.BlockSpec((N_ACT, D), lambda i: (0, 0))
    gspec = pl.BlockSpec((N_GRID, D), lambda i: (0, 0))
    ispec = pl.BlockSpec((blk, t), lambda i: (i, 0))
    tab, idx = pl.pallas_call(
        body,
        grid=(8,),
        in_specs=[tspec, gspec, gspec, ispec, ispec, ispec],
        out_specs=[
            pl.BlockSpec((N_ACT, N_GRID, N_GRID, D), lambda i: (0, 0, 0, 0)),
            ispec,
        ],
        out_shape=[
            jax.ShapeDtypeStruct((N_ACT, N_GRID, N_GRID, D), jnp.float32),
            jax.ShapeDtypeStruct((b, t), jnp.int32),
        ],
    )(a_tab, x_tab, y_tab, at, x, y)
    return tab.reshape(N_ACT * N_GRID * N_GRID, D), idx


def _sc_lookup(fused_idx, axy):
    nrows = fused_idx.shape[0] // ROW
    info = plsc.get_sparse_core_info()
    nw = info.num_cores * info.num_subcores
    assert nrows % (nw * CHUNK) == 0, (nrows, nw)
    assert CHUNK % BLK == 0 and BLK % NBUF == 0 and LAG < NBUF
    rows_per_w = nrows // nw
    steps = rows_per_w // CHUNK

    mesh = plsc.VectorSubcoreMesh(core_axis_name="c", subcore_axis_name="s")

    @functools.partial(
        pl.kernel,
        out_type=jax.ShapeDtypeStruct((nrows * ROW, D), jnp.float32),
        mesh=mesh,
        scratch_types=[
            pltpu.VMEM((CHUNK * ROW,), jnp.int32),
            pltpu.VMEM((NBUF, ROW, D), jnp.float32),
            pltpu.SemaphoreType.DMA,
            pltpu.SemaphoreType.DMA,
        ],
    )
    def k(idx_hbm, axy_hbm, out_hbm, idx_v, rows_v, sem_g, sem_w):
        wid = lax.axis_index("s") * info.num_cores + lax.axis_index("c")
        row_base = wid * rows_per_w

        def _wait_write():
            pltpu.make_async_copy(
                rows_v.at[0], out_hbm.at[pl.ds(0, ROW)], sem_w).wait()

        def _wait_gather():
            pltpu.make_async_copy(
                axy_hbm.at[pl.ds(0, ROW)], rows_v.at[0], sem_g).wait()

        @pl.loop(0, steps)
        def _step(i):
            row0 = row_base + i * CHUNK

            @pl.when(i > 0)
            def _boundary():
                for t in range(LAG):
                    _wait_gather()
                    pltpu.async_copy(
                        rows_v.at[(CHUNK - LAG + t) % NBUF],
                        out_hbm.at[pl.ds((row0 - LAG + t) * ROW, ROW)],
                        sem_w)

            pltpu.sync_copy(
                idx_hbm.at[pl.ds(row0 * ROW, CHUNK * ROW)], idx_v)

            @pl.loop(0, CHUNK // BLK)
            def _block(m):
                grow = row0 + m * BLK
                for j in range(BLK):
                    if j >= NBUF:
                        _wait_write()
                    else:
                        pl.when((i > 0) | (m > 0))(_wait_write)
                    pltpu.async_copy(
                        axy_hbm.at[idx_v.at[pl.ds((m * BLK + j) * ROW, ROW)]],
                        rows_v.at[j % NBUF], sem_g)
                    def _retire(j=j):
                        _wait_gather()
                        pltpu.async_copy(
                            rows_v.at[(j - LAG) % NBUF],
                            out_hbm.at[pl.ds((grow + j - LAG) * ROW, ROW)],
                            sem_w)
                    if j >= LAG:
                        _retire()
                    else:
                        pl.when(m > 0)(_retire)

        for t in range(LAG):
            _wait_gather()
            last_row = row_base + rows_per_w - LAG + t
            pltpu.async_copy(
                rows_v.at[(CHUNK - LAG + t) % NBUF],
                out_hbm.at[pl.ds(last_row * ROW, ROW)], sem_w)
        for _ in range(NBUF):
            _wait_write()

    return k(fused_idx, axy)


def kernel(action_type, x, y, action_type_table, x_table, y_table):
    B, T = action_type.shape
    n = B * T
    assert n % ROW == 0
    axy, fused = _build_tables_and_fuse(
        action_type_table, x_table, y_table,
        action_type.astype(jnp.int32), x.astype(jnp.int32),
        y.astype(jnp.int32))
    out = _sc_lookup(fused.reshape(n), axy)
    return out.reshape(B, T, D)

# --- scband reference (transcript-rebuilt; emitter-appended) ---
"""Pipeline reference for scband-action-embedding-88699664597061 (READ-ONLY COPY).

The authoritative reference and input builder live on the scoring server;
editing this copy changes nothing except your own understanding.
"""

import jax, jax.numpy as jnp
import numpy as np

D_MODEL = 128
NUM_ACTIONS = 9
GRID_SIZE = 64

def setup_inputs(seed: int = 0) -> dict:
    key = jax.random.key(seed)
    k1, k2, k3, k4, k5, k6 = jax.random.split(key, 6)
    action_type = jax.random.randint(k1, (16384, 200), 0, NUM_ACTIONS, dtype=jnp.int64 if jax.config.jax_enable_x64 else jnp.int32)
    x = jax.random.randint(k2, (16384, 200), 0, GRID_SIZE, dtype=jnp.int64 if jax.config.jax_enable_x64 else jnp.int32)
    y = jax.random.randint(k3, (16384, 200), 0, GRID_SIZE, dtype=jnp.int64 if jax.config.jax_enable_x64 else jnp.int32)
    action_type_table = jax.random.normal(k4, (NUM_ACTIONS, D_MODEL), dtype=jnp.float32)
    x_table = jax.random.normal(k5, (GRID_SIZE, D_MODEL), dtype=jnp.float32)
    y_table = jax.random.normal(k6, (GRID_SIZE, D_MODEL), dtype=jnp.float32)
    return {
        "action_type": action_type,
        "x": x,
        "y": y,
        "action_type_table": action_type_table,
        "x_table": x_table,
        "y_table": y_table,
    }

def reference(action_type, x, y, action_type_table, x_table, y_table):
    # z_a = ActionEmbed(action_type) + XEmbed(x) + YEmbed(y)
    za = jnp.take(action_type_table, action_type, axis=0)
    zx = jnp.take(x_table, x, axis=0)
    zy = jnp.take(y_table, y, axis=0)
    return za + zx + zy

if __name__ == "__main__":
    import jax
    _d = setup_inputs()
    print(jax.jit(kernel)(*tuple(_d.values())))

</pallas_src>

<mosaic_0001>
#map = affine_map<(d0, d1) -> (0)>
#map1 = affine_map<(d0, d1) -> (0, 0)>
module attributes {stable_mosaic.version = 14 : i64} {
  func.func @k(%arg0: i32, %arg1: i32, %arg2: memref<3276800xi32, #tpu.memory_space<hbm>>, %arg3: memref<36864x128xf32, #tpu.memory_space<hbm>>, %arg4: memref<3276800x128xf32, #tpu.memory_space<hbm>>, %arg5: memref<20480xi32, #tpu.memory_space<vmem>>, %arg6: memref<5x128x128xf32, #tpu.memory_space<vmem>>, %arg7: memref<!tpu.dma_semaphore, #tpu.memory_space<semaphore_mem>>, %arg8: memref<!tpu.dma_semaphore, #tpu.memory_space<semaphore_mem>>) attributes {dimension_semantics = [#tpu.dimension_semantics<core_parallel>, #tpu.dimension_semantics<subcore_parallel>], iteration_bounds = array<i64: 2, 16>, scalar_prefetch = 0 : i64, scratch_operands = 4 : i64, tpu.core_type = #tpu.core_type<sc_vector_subcore>, window_params = [{transform_indices = #map}, {transform_indices = #map1}, {transform_indices = #map1}]} {
    %mul3A = arith.constant 2 : i32
    %mul3A_0 = arith.muli %arg1, %mul3A : i32
    %add3A = arith.addi %mul3A_0, %arg0 : i32
    %mul3A_1 = arith.constant 800 : i32
    %mul3A_2 = arith.muli %add3A, %mul3A_1 : i32
    %scan3A = arith.constant 0 : i32
    %scan3A_3 = arith.constant 5 : i32
    %scan3A_4 = arith.addi %scan3A, %scan3A_3 : i32
    %scan3A_5 = arith.constant 1 : i32
    scf.for %scan3A_187 = %scan3A to %scan3A_4 step %scan3A_5  : i32 {
      %mul3A_188 = arith.constant 1 : i32
      %mul3A_189 = arith.muli %scan3A_187, %mul3A_188 : i32
      %add3A_190 = arith.constant 0 : i32
      %add3A_191 = arith.addi %add3A_190, %mul3A_189 : i32
      %mul3A_192 = arith.constant 160 : i32
      %mul3A_193 = arith.muli %add3A_191, %mul3A_192 : i32
      %add3A_194 = arith.addi %mul3A_2, %mul3A_193 : i32
      %gt3A = arith.constant 0 : i32
      %gt3A_195 = arith.cmpi sgt, %add3A_191, %gt3A : i32
      %convert_element_type3A = arith.extui %gt3A_195 : i1 to i32
      %cond3A = arith.constant 0 : i32
      %cond3A_196 = arith.cmpi ne, %convert_element_type3A, %cond3A : i32
      scf.if %cond3A_196 {
        %dma_wait3A_204 = arith.constant 0 : i32
        %dma_wait3A_205 = arith.constant 0 : i32
        %dma_wait3A_206 = arith.constant 0 : i32
        %dma_wait3A_207 = tpu.memref_slice %arg6[%dma_wait3A_204, %dma_wait3A_205, %dma_wait3A_206] : memref<5x128x128xf32, #tpu.memory_space<vmem>> -> memref<1x128x128xf32, #tpu.memory_space<vmem>>
        %dma_wait3A_208 = tpu.memref_squeeze %dma_wait3A_207 : memref<1x128x128xf32, #tpu.memory_space<vmem>> -> memref<128x128xf32, #tpu.memory_space<vmem>>
        %dma_wait3A_209 = arith.constant 0 : i32
        %dma_wait3A_210 = arith.constant 0 : i32
        %dma_wait3A_211 = tpu.memref_slice %arg3[%dma_wait3A_209, %dma_wait3A_210] : memref<36864x128xf32, #tpu.memory_space<hbm>> -> memref<128x128xf32, #tpu.memory_space<hbm>>
        %dma_wait3A_212 = arith.constant 0 : i32
        %dma_wait3A_213 = arith.constant 0 : i32
        %dma_wait3A_214 = tpu.memref_slice %arg6[%dma_wait3A_204, %dma_wait3A_212, %dma_wait3A_213] : memref<5x128x128xf32, #tpu.memory_space<vmem>> -> memref<1x128x128xf32, #tpu.memory_space<vmem>>
        %dma_wait3A_215 = tpu.memref_squeeze %dma_wait3A_214 : memref<1x128x128xf32, #tpu.memory_space<vmem>> -> memref<128x128xf32, #tpu.memory_space<vmem>>
        %dma_wait3A_216 = arith.constant 0 : i32
        %dma_wait3A_217 = arith.constant 0 : i32
        %dma_wait3A_218 = tpu.memref_slice %arg3[%dma_wait3A_216, %dma_wait3A_217] : memref<36864x128xf32, #tpu.memory_space<hbm>> -> memref<128x128xf32, #tpu.memory_space<hbm>>
        tpu.wait_dma2 semaphore(%arg7 : memref<!tpu.dma_semaphore, #tpu.memory_space<semaphore_mem>>) src(%dma_wait3A_218 : memref<128x128xf32, #tpu.memory_space<hbm>>) dst(%dma_wait3A_215 : memref<128x128xf32, #tpu.memory_space<vmem>>)
        %sub3A_219 = arith.constant 3 : i32
        %sub3A_220 = arith.subi %add3A_194, %sub3A_219 : i32
        %add3A_221 = arith.constant 0 : i32
        %add3A_222 = arith.addi %sub3A_220, %add3A_221 : i32
        %mul3A_223 = arith.constant 128 : i32
        %mul3A_224 = arith.muli %add3A_222, %mul3A_223 : i32
        %dma_start3A_225 = arith.constant 2 : i32
        %dma_start3A_226 = arith.constant 0 : i32
        %dma_start3A_227 = arith.constant 0 : i32
        %dma_start3A_228 = tpu.memref_slice %arg6[%dma_start3A_225, %dma_start3A_226, %dma_start3A_227] : memref<5x128x128xf32, #tpu.memory_space<vmem>> -> memref<1x128x128xf32, #tpu.memory_space<vmem>>
        %dma_start3A_229 = tpu.memref_squeeze %dma_start3A_228 : memref<1x128x128xf32, #tpu.memory_space<vmem>> -> memref<128x128xf32, #tpu.memory_space<vmem>>
        %dma_start3A_230 = arith.constant 0 : i32
        %dma_start3A_231 = tpu.memref_slice %arg4[%mul3A_224, %dma_start3A_230] : memref<3276800x128xf32, #tpu.memory_space<hbm>> -> memref<128x128xf32, #tpu.memory_space<hbm>>
        %dma_start3A_232 = arith.constant 0 : i32
        %dma_start3A_233 = tpu.memref_slice %arg4[%mul3A_224, %dma_start3A_232] : memref<3276800x128xf32, #tpu.memory_space<hbm>> -> memref<128x128xf32, #tpu.memory_space<hbm>>
        %dma_start3A_234 = arith.constant 0 : i32
        %dma_start3A_235 = arith.constant 0 : i32
        %dma_start3A_236 = tpu.memref_slice %arg6[%dma_start3A_225, %dma_start3A_234, %dma_start3A_235] : memref<5x128x128xf32, #tpu.memory_space<vmem>> -> memref<1x128x128xf32, #tpu.memory_space<vmem>>
        %dma_start3A_237 = tpu.memref_squeeze %dma_start3A_236 : memref<1x128x128xf32, #tpu.memory_space<vmem>> -> memref<128x128xf32, #tpu.memory_space<vmem>>
        tpu.enqueue_dma source(%dma_start3A_237 : memref<128x128xf32, #tpu.memory_space<vmem>>) target(%dma_start3A_233 : memref<128x128xf32, #tpu.memory_space<hbm>>) target_semaphore(%arg8 : memref<!tpu.dma_semaphore, #tpu.memory_space<semaphore_mem>>)
        %dma_wait3A_238 = arith.constant 0 : i32
        %dma_wait3A_239 = arith.constant 0 : i32
        %dma_wait3A_240 = arith.constant 0 : i32
        %dma_wait3A_241 = tpu.memref_slice %arg6[%dma_wait3A_238, %dma_wait3A_239, %dma_wait3A_240] : memref<5x128x128xf32, #tpu.memory_space<vmem>> -> memref<1x128x128xf32, #tpu.memory_space<vmem>>
        %dma_wait3A_242 = tpu.memref_squeeze %dma_wait3A_241 : memref<1x128x128xf32, #tpu.memory_space<vmem>> -> memref<128x128xf32, #tpu.memory_space<vmem>>
        %dma_wait3A_243 = arith.constant 0 : i32
        %dma_wait3A_244 = arith.constant 0 : i32
        %dma_wait3A_245 = tpu.memref_slice %arg3[%dma_wait3A_243, %dma_wait3A_244] : memref<36864x128xf32, #tpu.memory_space<hbm>> -> memref<128x128xf32, #tpu.memory_space<hbm>>
        %dma_wait3A_246 = arith.constant 0 : i32
        %dma_wait3A_247 = arith.constant 0 : i32
        %dma_wait3A_248 = tpu.memref_slice %arg6[%dma_wait3A_238, %dma_wait3A_246, %dma_wait3A_247] : memref<5x128x128xf32, #tpu.memory_space<vmem>> -> memref<1x128x128xf32, #tpu.memory_space<vmem>>
        %dma_wait3A_249 = tpu.memref_squeeze %dma_wait3A_248 : memref<1x128x128xf32, #tpu.memory_space<vmem>> -> memref<128x128xf32, #tpu.memory_space<vmem>>
        %dma_wait3A_250 = arith.constant 0 : i32
        %dma_wait3A_251 = arith.constant 0 : i32
        %dma_wait3A_252 = tpu.memref_slice %arg3[%dma_wait3A_250, %dma_wait3A_251] : memref<36864x128xf32, #tpu.memory_space<hbm>> -> memref<128x128xf32, #tpu.memory_space<hbm>>
        tpu.wait_dma2 semaphore(%arg7 : memref<!tpu.dma_semaphore, #tpu.memory_space<semaphore_mem>>) src(%dma_wait3A_252 : memref<128x128xf32, #tpu.memory_space<hbm>>) dst(%dma_wait3A_249 : memref<128x128xf32, #tpu.memory_space<vmem>>)
        %sub3A_253 = arith.constant 3 : i32
        %sub3A_254 = arith.subi %add3A_194, %sub3A_253 : i32
        %add3A_255 = arith.constant 1 : i32
        %add3A_256 = arith.addi %sub3A_254, %add3A_255 : i32
        %mul3A_257 = arith.constant 128 : i32
        %mul3A_258 = arith.muli %add3A_256, %mul3A_257 : i32
        %dma_start3A_259 = arith.constant 3 : i32
        %dma_start3A_260 = arith.constant 0 : i32
        %dma_start3A_261 = arith.constant 0 : i32
        %dma_start3A_262 = tpu.memref_slice %arg6[%dma_start3A_259, %dma_start3A_260, %dma_start3A_261] : memref<5x128x128xf32, #tpu.memory_space<vmem>> -> memref<1x128x128xf32, #tpu.memory_space<vmem>>
        %dma_start3A_263 = tpu.memref_squeeze %dma_start3A_262 : memref<1x128x128xf32, #tpu.memory_space<vmem>> -> memref<128x128xf32, #tpu.memory_space<vmem>>
        %dma_start3A_264 = arith.constant 0 : i32
        %dma_start3A_265 = tpu.memref_slice %arg4[%mul3A_258, %dma_start3A_264] : memref<3276800x128xf32, #tpu.memory_space<hbm>> -> memref<128x128xf32, #tpu.memory_space<hbm>>
        %dma_start3A_266 = arith.constant 0 : i32
        %dma_start3A_267 = tpu.memref_slice %arg4[%mul3A_258, %dma_start3A_266] : memref<3276800x128xf32, #tpu.memory_space<hbm>> -> memref<128x128xf32, #tpu.memory_space<hbm>>
        %dma_start3A_268 = arith.constant 0 : i32
        %dma_start3A_269 = arith.constant 0 : i32
        %dma_start3A_270 = tpu.memref_slice %arg6[%dma_start3A_259, %dma_start3A_268, %dma_start3A_269] : memref<5x128x128xf32, #tpu.memory_space<vmem>> -> memref<1x128x128xf32, #tpu.memory_space<vmem>>
        %dma_start3A_271 = tpu.memref_squeeze %dma_start3A_270 : memref<1x128x128xf32, #tpu.memory_space<vmem>> -> memref<128x128xf32, #tpu.memory_space<vmem>>
        tpu.enqueue_dma source(%dma_start3A_271 : memref<128x128xf32, #tpu.memory_space<vmem>>) target(%dma_start3A_267 : memref<128x128xf32, #tpu.memory_space<hbm>>) target_semaphore(%arg8 : memref<!tpu.dma_semaphore, #tpu.memory_space<semaphore_mem>>)
        %dma_wait3A_272 = arith.constant 0 : i32
        %dma_wait3A_273 = arith.constant 0 : i32
        %dma_wait3A_274 = arith.constant 0 : i32
        %dma_wait3A_275 = tpu.memref_slice %arg6[%dma_wait3A_272, %dma_wait3A_273, %dma_wait3A_274] : memref<5x128x128xf32, #tpu.memory_space<vmem>> -> memref<1x128x128xf32, #tpu.memory_space<vmem>>
        %dma_wait3A_276 = tpu.memref_squeeze %dma_wait3A_275 : memref<1x128x128xf32, #tpu.memory_space<vmem>> -> memref<128x128xf32, #tpu.memory_space<vmem>>
        %dma_wait3A_277 = arith.constant 0 : i32
        %dma_wait3A_278 = arith.constant 0 : i32
        %dma_wait3A_279 = tpu.memref_slice %arg3[%dma_wait3A_277, %dma_wait3A_278] : memref<36864x128xf32, #tpu.memory_space<hbm>> -> memref<128x128xf32, #tpu.memory_space<hbm>>
        %dma_wait3A_280 = arith.constant 0 : i32
        %dma_wait3A_281 = arith.constant 0 : i32
        %dma_wait3A_282 = tpu.memref_slice %arg6[%dma_wait3A_272, %dma_wait3A_280, %dma_wait3A_281] : memref<5x128x128xf32, #tpu.memory_space<vmem>> -> memref<1x128x128xf32, #tpu.memory_space<vmem>>
        %dma_wait3A_283 = tpu.memref_squeeze %dma_wait3A_282 : memref<1x128x128xf32, #tpu.memory_space<vmem>> -> memref<128x128xf32, #tpu.memory_space<vmem>>
        %dma_wait3A_284 = arith.constant 0 : i32
        %dma_wait3A_285 = arith.constant 0 : i32
        %dma_wait3A_286 = tpu.memref_slice %arg3[%dma_wait3A_284, %dma_wait3A_285] : memref<36864x128xf32, #tpu.memory_space<hbm>> -> memref<128x128xf32, #tpu.memory_space<hbm>>
        tpu.wait_dma2 semaphore(%arg7 : memref<!tpu.dma_semaphore, #tpu.memory_space<semaphore_mem>>) src(%dma_wait3A_286 : memref<128x128xf32, #tpu.memory_space<hbm>>) dst(%dma_wait3A_283 : memref<128x128xf32, #tpu.memory_space<vmem>>)
        %sub3A_287 = arith.constant 3 : i32
        %sub3A_288 = arith.subi %add3A_194, %sub3A_287 : i32
        %add3A_289 = arith.constant 2 : i32
        %add3A_290 = arith.addi %sub3A_288, %add3A_289 : i32
        %mul3A_291 = arith.constant 128 : i32
        %mul3A_292 = arith.muli %add3A_290, %mul3A_291 : i32
        %dma_start3A_293 = arith.constant 4 : i32
        %dma_start3A_294 = arith.constant 0 : i32
        %dma_start3A_295 = arith.constant 0 : i32
        %dma_start3A_296 = tpu.memref_slice %arg6[%dma_start3A_293, %dma_start3A_294, %dma_start3A_295] : memref<5x128x128xf32, #tpu.memory_space<vmem>> -> memref<1x128x128xf32, #tpu.memory_space<vmem>>
        %dma_start3A_297 = tpu.memref_squeeze %dma_start3A_296 : memref<1x128x128xf32, #tpu.memory_space<vmem>> -> memref<128x128xf32, #tpu.memory_space<vmem>>
        %dma_start3A_298 = arith.constant 0 : i32
        %dma_start3A_299 = tpu.memref_slice %arg4[%mul3A_292, %dma_start3A_298] : memref<3276800x128xf32, #tpu.memory_space<hbm>> -> memref<128x128xf32, #tpu.memory_space<hbm>>
        %dma_start3A_300 = arith.constant 0 : i32
        %dma_start3A_301 = tpu.memref_slice %arg4[%mul3A_292, %dma_start3A_300] : memref<3276800x128xf32, #tpu.memory_space<hbm>> -> memref<128x128xf32, #tpu.memory_space<hbm>>
        %dma_start3A_302 = arith.constant 0 : i32
        %dma_start3A_303 = arith.constant 0 : i32
        %dma_start3A_304 = tpu.memref_slice %arg6[%dma_start3A_293, %dma_start3A_302, %dma_start3A_303] : memref<5x128x128xf32, #tpu.memory_space<vmem>> -> memref<1x128x128xf32, #tpu.memory_space<vmem>>
        %dma_start3A_305 = tpu.memref_squeeze %dma_start3A_304 : memref<1x128x128xf32, #tpu.memory_space<vmem>> -> memref<128x128xf32, #tpu.memory_space<vmem>>
        tpu.enqueue_dma source(%dma_start3A_305 : memref<128x128xf32, #tpu.memory_space<vmem>>) target(%dma_start3A_301 : memref<128x128xf32, #tpu.memory_space<hbm>>) target_semaphore(%arg8 : memref<!tpu.dma_semaphore, #tpu.memory_space<semaphore_mem>>)
      } else {
      }
      %mul3A_197 = arith.constant 128 : i32
      %mul3A_198 = arith.muli %add3A_194, %mul3A_197 : i32
      "tpu.region"() ({
        %run_scoped3A = tpu.sem_alloc : memref<!tpu.dma_semaphore, #tpu.memory_space<semaphore_mem>>
        %dma_start3A_204 = tpu.memref_slice %arg2[%mul3A_198] : memref<3276800xi32, #tpu.memory_space<hbm>> -> memref<20480xi32, #tpu.memory_space<hbm>>
        %dma_start3A_205 = tpu.memref_slice %arg2[%mul3A_198] : memref<3276800xi32, #tpu.memory_space<hbm>> -> memref<20480xi32, #tpu.memory_space<hbm>>
        tpu.enqueue_dma source(%dma_start3A_205 : memref<20480xi32, #tpu.memory_space<hbm>>) target(%arg5 : memref<20480xi32, #tpu.memory_space<vmem>>) target_semaphore(%run_scoped3A : memref<!tpu.dma_semaphore, #tpu.memory_space<semaphore_mem>>)
        %dma_wait3A_206 = tpu.memref_slice %arg2[%mul3A_198] : memref<3276800xi32, #tpu.memory_space<hbm>> -> memref<20480xi32, #tpu.memory_space<hbm>>
        %dma_wait3A_207 = tpu.memref_slice %arg2[%mul3A_198] : memref<3276800xi32, #tpu.memory_space<hbm>> -> memref<20480xi32, #tpu.memory_space<hbm>>
        tpu.wait_dma2 semaphore(%run_scoped3A : memref<!tpu.dma_semaphore, #tpu.memory_space<semaphore_mem>>) src(%dma_wait3A_207 : memref<20480xi32, #tpu.memory_space<hbm>>) dst(%arg5 : memref<20480xi32, #tpu.memory_space<vmem>>)
        tpu.yield
      }) : () -> ()
      %scan3A_199 = arith.constant 0 : i32
      %scan3A_200 = arith.constant 8 : i32
      %scan3A_201 = arith.addi %scan3A_199, %scan3A_200 : i32
      %scan3A_202 = arith.constant 1 : i32
      scf.for %scan3A_204 = %scan3A_199 to %scan3A_201 step %scan3A_202  : i32 {
        %mul3A_205 = arith.constant 1 : i32
        %mul3A_206 = arith.muli %scan3A_204, %mul3A_205 : i32
        %add3A_207 = arith.constant 0 : i32
        %add3A_208 = arith.addi %add3A_207, %mul3A_206 : i32
        %mul3A_209 = arith.constant 20 : i32
        %mul3A_210 = arith.muli %add3A_208, %mul3A_209 : i32
        %add3A_211 = arith.addi %add3A_194, %mul3A_210 : i32
        %gt3A_212 = arith.constant 0 : i32
        %gt3A_213 = arith.cmpi sgt, %add3A_191, %gt3A_212 : i32
        %gt3A_214 = arith.constant 0 : i32
        %gt3A_215 = arith.cmpi sgt, %add3A_208, %gt3A_214 : i32
        %or3A = arith.ori %gt3A_213, %gt3A_215 : i1
        %convert_element_type3A_216 = arith.extui %or3A : i1 to i32
        %cond3A_217 = arith.constant 0 : i32
        %cond3A_218 = arith.cmpi ne, %convert_element_type3A_216, %cond3A_217 : i32
        scf.if %cond3A_218 {
          %dma_wait3A_1369 = arith.constant 0 : i32
          %dma_wait3A_1370 = arith.constant 0 : i32
          %dma_wait3A_1371 = arith.constant 0 : i32
          %dma_wait3A_1372 = tpu.memref_slice %arg6[%dma_wait3A_1369, %dma_wait3A_1370, %dma_wait3A_1371] : memref<5x128x128xf32, #tpu.memory_space<vmem>> -> memref<1x128x128xf32, #tpu.memory_space<vmem>>
          %dma_wait3A_1373 = tpu.memref_squeeze %dma_wait3A_1372 : memref<1x128x128xf32, #tpu.memory_space<vmem>> -> memref<128x128xf32, #tpu.memory_space<vmem>>
          %dma_wait3A_1374 = arith.constant 0 : i32
          %dma_wait3A_1375 = arith.constant 0 : i32
          %dma_wait3A_1376 = tpu.memref_slice %arg4[%dma_wait3A_1374, %dma_wait3A_1375] : memref<3276800x128xf32, #tpu.memory_space<hbm>> -> memref<128x128xf32, #tpu.memory_space<hbm>>
          %dma_wait3A_1377 = arith.constant 0 : i32
          %dma_wait3A_1378 = arith.constant 0 : i32
          %dma_wait3A_1379 = tpu.memref_slice %arg4[%dma_wait3A_1377, %dma_wait3A_1378] : memref<3276800x128xf32, #tpu.memory_space<hbm>> -> memref<128x128xf32, #tpu.memory_space<hbm>>
          %dma_wait3A_1380 = arith.constant 0 : i32
          %dma_wait3A_1381 = arith.constant 0 : i32
          %dma_wait3A_1382 = tpu.memref_slice %arg6[%dma_wait3A_1369, %dma_wait3A_1380, %dma_wait3A_1381] : memref<5x128x128xf32, #tpu.memory_space<vmem>> -> memref<1x128x128xf32, #tpu.memory_space<vmem>>
          %dma_wait3A_1383 = tpu.memref_squeeze %dma_wait3A_1382 : memref<1x128x128xf32, #tpu.memory_space<vmem>> -> memref<128x128xf32, #tpu.memory_space<vmem>>
          tpu.wait_dma2 semaphore(%arg8 : memref<!tpu.dma_semaphore, #tpu.memory_space<semaphore_mem>>) src(%dma_wait3A_1383 : memref<128x128xf32, #tpu.memory_space<vmem>>) dst(%dma_wait3A_1379 : memref<128x128xf32, #tpu.memory_space<hbm>>)
        } else {
        }
        %mul3A_219 = arith.constant 20 : i32
        %mul3A_220 = arith.muli %add3A_208, %mul3A_219 : i32
        %add3A_221 = arith.constant 0 : i32
        %add3A_222 = arith.addi %mul3A_220, %add3A_221 : i32
        %mul3A_223 = arith.constant 128 : i32
        %mul3A_224 = arith.muli %add3A_222, %mul3A_223 : i32
        %dma_start3A_225 = arith.constant 0 : i32
        %dma_start3A_226 = arith.constant 0 : i32
        %dma_start3A_227 = arith.constant 0 : i32
        %dma_start3A_228 = tpu.memref_slice %arg6[%dma_start3A_225, %dma_start3A_226, %dma_start3A_227] : memref<5x128x128xf32, #tpu.memory_space<vmem>> -> memref<1x128x128xf32, #tpu.memory_space<vmem>>
        %dma_start3A_229 = tpu.memref_squeeze %dma_start3A_228 : memref<1x128x128xf32, #tpu.memory_space<vmem>> -> memref<128x128xf32, #tpu.memory_space<vmem>>
        %dma_start3A_230 = tpu.memref_slice %arg5[%mul3A_224] : memref<20480xi32, #tpu.memory_space<vmem>> -> memref<128xi32, #tpu.memory_space<vmem>>
        %dma_start3A_231 = arith.constant 0 : i32
        %dma_start3A_232 = arith.constant 0 : i32
        %dma_start3A_233 = tpu.memref_slice %arg3[%dma_start3A_231, %dma_start3A_232] : memref<36864x128xf32, #tpu.memory_space<hbm>> -> memref<36864x128xf32, #tpu.memory_space<hbm>>
        tpu.enqueue_indirect_dma source(%dma_start3A_233 : memref<36864x128xf32, #tpu.memory_space<hbm>>) target(%dma_start3A_229 : memref<128x128xf32, #tpu.memory_space<vmem>>) offsets(%dma_start3A_230 : memref<128xi32, #tpu.memory_space<vmem>>) semaphore(%arg7 : memref<!tpu.dma_semaphore, #tpu.memory_space<semaphore_mem>>)
        %gt3A_234 = arith.constant 0 : i32
        %gt3A_235 = arith.cmpi sgt, %add3A_208, %gt3A_234 : i32
        %convert_element_type3A_236 = arith.extui %gt3A_235 : i1 to i32
        %cond3A_237 = arith.constant 0 : i32
        %cond3A_238 = arith.cmpi ne, %convert_element_type3A_236, %cond3A_237 : i32
        scf.if %cond3A_238 {
          %dma_wait3A_1369 = arith.constant 0 : i32
          %dma_wait3A_1370 = arith.constant 0 : i32
          %dma_wait3A_1371 = arith.constant 0 : i32
          %dma_wait3A_1372 = tpu.memref_slice %arg6[%dma_wait3A_1369, %dma_wait3A_1370, %dma_wait3A_1371] : memref<5x128x128xf32, #tpu.memory_space<vmem>> -> memref<1x128x128xf32, #tpu.memory_space<vmem>>
          %dma_wait3A_1373 = tpu.memref_squeeze %dma_wait3A_1372 : memref<1x128x128xf32, #tpu.memory_space<vmem>> -> memref<128x128xf32, #tpu.memory_space<vmem>>
          %dma_wait3A_1374 = arith.constant 0 : i32
          %dma_wait3A_1375 = arith.constant 0 : i32
          %dma_wait3A_1376 = tpu.memref_slice %arg3[%dma_wait3A_1374, %dma_wait3A_1375] : memref<36864x128xf32, #tpu.memory_space<hbm>> -> memref<128x128xf32, #tpu.memory_space<hbm>>
          %dma_wait3A_1377 = arith.constant 0 : i32
          %dma_wait3A_1378 = arith.constant 0 : i32
          %dma_wait3A_1379 = tpu.memref_slice %arg6[%dma_wait3A_1369, %dma_wait3A_1377, %dma_wait3A_1378] : memref<5x128x128xf32, #tpu.memory_space<vmem>> -> memref<1x128x128xf32, #tpu.memory_space<vmem>>
          %dma_wait3A_1380 = tpu.memref_squeeze %dma_wait3A_1379 : memref<1x128x128xf32, #tpu.memory_space<vmem>> -> memref<128x128xf32, #tpu.memory_space<vmem>>
          %dma_wait3A_1381 = arith.constant 0 : i32
          %dma_wait3A_1382 = arith.constant 0 : i32
          %dma_wait3A_1383 = tpu.memref_slice %arg3[%dma_wait3A_1381, %dma_wait3A_1382] : memref<36864x128xf32, #tpu.memory_space<hbm>> -> memref<128x128xf32, #tpu.memory_space<hbm>>
          tpu.wait_dma2 semaphore(%arg7 : memref<!tpu.dma_semaphore, #tpu.memory_space<semaphore_mem>>) src(%dma_wait3A_1383 : memref<128x128xf32, #tpu.memory_space<hbm>>) dst(%dma_wait3A_1380 : memref<128x128xf32, #tpu.memory_space<vmem>>)
          %add3A_1384 = arith.constant 0 : i32
          %add3A_1385 = arith.addi %add3A_211, %add3A_1384 : i32
          %sub3A_1386 = arith.constant 3 : i32
          %sub3A_1387 = arith.subi %add3A_1385, %sub3A_1386 : i32
          %mul3A_1388 = arith.constant 128 : i32
          %mul3A_1389 = arith.muli %sub3A_1387, %mul3A_1388 : i32
          %dma_start3A_1390 = arith.constant 2 : i32
          %dma_start3A_1391 = arith.constant 0 : i32
          %dma_start3A_1392 = arith.constant 0 : i32
          %dma_start3A_1393 = tpu.memref_slice %arg6[%dma_start3A_1390, %dma_start3A_1391, %dma_start3A_1392] : memref<5x128x128xf32, #tpu.memory_space<vmem>> -> memref<1x128x128xf32, #tpu.memory_space<vmem>>
          %dma_start3A_1394 = tpu.memref_squeeze %dma_start3A_1393 : memref<1x128x128xf32, #tpu.memory_space<vmem>> -> memref<128x128xf32, #tpu.memory_space<vmem>>
          %dma_start3A_1395 = arith.constant 0 : i32
          %dma_start3A_1396 = tpu.memref_slice %arg4[%mul3A_1389, %dma_start3A_1395] : memref<3276800x128xf32, #tpu.memory_space<hbm>> -> memref<128x128xf32, #tpu.memory_space<hbm>>
          %dma_start3A_1397 = arith.constant 0 : i32
          %dma_start3A_1398 = tpu.memref_slice %arg4[%mul3A_1389, %dma_start3A_1397] : memref<3276800x128xf32, #tpu.memory_space<hbm>> -> memref<128x128xf32, #tpu.memory_space<hbm>>
          %dma_start3A_1399 = arith.constant 0 : i32
          %dma_start3A_1400 = arith.constant 0 : i32
          %dma_start3A_1401 = tpu.memref_slice %arg6[%dma_start3A_1390, %dma_start3A_1399, %dma_start3A_1400] : memref<5x128x128xf32, #tpu.memory_space<vmem>> -> memref<1x128x128xf32, #tpu.memory_space<vmem>>
          %dma_start3A_1402 = tpu.memref_squeeze %dma_start3A_1401 : memref<1x128x128xf32, #tpu.memory_space<vmem>> -> memref<128x128xf32, #tpu.memory_space<vmem>>
          tpu.enqueue_dma source(%dma_start3A_1402 : memref<128x128xf32, #tpu.memory_space<vmem>>) target(%dma_start3A_1398 : memref<128x128xf32, #tpu.memory_space<hbm>>) target_semaphore(%arg8 : memref<!tpu.dma_semaphore, #tpu.memory_space<semaphore_mem>>)
        } else {
        }
        %gt3A_239 = arith.constant 0 : i32
        %gt3A_240 = arith.cmpi sgt, %add3A_191, %gt3A_239 : i32
        %gt3A_241 = arith.constant 0 : i32
        %gt3A_242 = arith.cmpi sgt, %add3A_208, %gt3A_241 : i32
        %or3A_243 = arith.ori %gt3A_240, %gt3A_242 : i1
        %convert_element_type3A_244 = arith.extui %or3A_243 : i1 to i32
        %cond3A_245 = arith.constant 0 : i32
        %cond3A_246 = arith.cmpi ne, %convert_element_type3A_244, %cond3A_245 : i32
        scf.if %cond3A_246 {
          %dma_wait3A_1369 = arith.constant 0 : i32
          %dma_wait3A_1370 = arith.constant 0 : i32
          %dma_wait3A_1371 = arith.constant 0 : i32
          %dma_wait3A_1372 = tpu.memref_slice %arg6[%dma_wait3A_1369, %dma_wait3A_1370, %dma_wait3A_1371] : memref<5x128x128xf32, #tpu.memory_space<vmem>> -> memref<1x128x128xf32, #tpu.memory_space<vmem>>
          %dma_wait3A_1373 = tpu.memref_squeeze %dma_wait3A_1372 : memref<1x128x128xf32, #tpu.memory_space<vmem>> -> memref<128x128xf32, #tpu.memory_space<vmem>>
          %dma_wait3A_1374 = arith.constant 0 : i32
          %dma_wait3A_1375 = arith.constant 0 : i32
          %dma_wait3A_1376 = tpu.memref_slice %arg4[%dma_wait3A_1374, %dma_wait3A_1375] : memref<3276800x128xf32, #tpu.memory_space<hbm>> -> memref<128x128xf32, #tpu.memory_space<hbm>>
          %dma_wait3A_1377 = arith.constant 0 : i32
          %dma_wait3A_1378 = arith.constant 0 : i32
          %dma_wait3A_1379 = tpu.memref_slice %arg4[%dma_wait3A_1377, %dma_wait3A_1378] : memref<3276800x128xf32, #tpu.memory_space<hbm>> -> memref<128x128xf32, #tpu.memory_space<hbm>>
          %dma_wait3A_1380 = arith.constant 0 : i32
          %dma_wait3A_1381 = arith.constant 0 : i32
          %dma_wait3A_1382 = tpu.memref_slice %arg6[%dma_wait3A_1369, %dma_wait3A_1380, %dma_wait3A_1381] : memref<5x128x128xf32, #tpu.memory_space<vmem>> -> memref<1x128x128xf32, #tpu.memory_space<vmem>>
          %dma_wait3A_1383 = tpu.memref_squeeze %dma_wait3A_1382 : memref<1x128x128xf32, #tpu.memory_space<vmem>> -> memref<128x128xf32, #tpu.memory_space<vmem>>
          tpu.wait_dma2 semaphore(%arg8 : memref<!tpu.dma_semaphore, #tpu.memory_space<semaphore_mem>>) src(%dma_wait3A_1383 : memref<128x128xf32, #tpu.memory_space<vmem>>) dst(%dma_wait3A_1379 : memref<128x128xf32, #tpu.memory_space<hbm>>)
        } else {
        }
        %mul3A_247 = arith.constant 20 : i32
        %mul3A_248 = arith.muli %add3A_208, %mul3A_247 : i32
        %add3A_249 = arith.constant 1 : i32
        %add3A_250 = arith.addi %mul3A_248, %add3A_249 : i32
        %mul3A_251 = arith.constant 128 : i32
        %mul3A_252 = arith.muli %add3A_250, %mul3A_251 : i32
        %dma_start3A_253 = arith.constant 1 : i32
        %dma_start3A_254 = arith.constant 0 : i32
        %dma_start3A_255 = arith.constant 0 : i32
        %dma_start3A_256 = tpu.memref_slice %arg6[%dma_start3A_253, %dma_start3A_254, %dma_start3A_255] : memref<5x128x128xf32, #tpu.memory_space<vmem>> -> memref<1x128x128xf32, #tpu.memory_space<vmem>>
        %dma_start3A_257 = tpu.memref_squeeze %dma_start3A_256 : memref<1x128x128xf32, #tpu.memory_space<vmem>> -> memref<128x128xf32, #tpu.memory_space<vmem>>
        %dma_start3A_258 = tpu.memref_slice %arg5[%mul3A_252] : memref<20480xi32, #tpu.memory_space<vmem>> -> memref<128xi32, #tpu.memory_space<vmem>>
        %dma_start3A_259 = arith.constant 0 : i32
        %dma_start3A_260 = arith.constant 0 : i32
        %dma_start3A_261 = tpu.memref_slice %arg3[%dma_start3A_259, %dma_start3A_260] : memref<36864x128xf32, #tpu.memory_space<hbm>> -> memref<36864x128xf32, #tpu.memory_space<hbm>>
        tpu.enqueue_indirect_dma source(%dma_start3A_261 : memref<36864x128xf32, #tpu.memory_space<hbm>>) target(%dma_start3A_257 : memref<128x128xf32, #tpu.memory_space<vmem>>) offsets(%dma_start3A_258 : memref<128xi32, #tpu.memory_space<vmem>>) semaphore(%arg7 : memref<!tpu.dma_semaphore, #tpu.memory_space<semaphore_mem>>)
        %gt3A_262 = arith.constant 0 : i32
        %gt3A_263 = arith.cmpi sgt, %add3A_208, %gt3A_262 : i32
        %convert_element_type3A_264 = arith.extui %gt3A_263 : i1 to i32
        %cond3A_265 = arith.constant 0 : i32
        %cond3A_266 = arith.cmpi ne, %convert_element_type3A_264, %cond3A_265 : i32
        scf.if %cond3A_266 {
          %dma_wait3A_1369 = arith.constant 0 : i32
          %dma_wait3A_1370 = arith.constant 0 : i32
          %dma_wait3A_1371 = arith.constant 0 : i32
          %dma_wait3A_1372 = tpu.memref_slice %arg6[%dma_wait3A_1369, %dma_wait3A_1370, %dma_wait3A_1371] : memref<5x128x128xf32, #tpu.memory_space<vmem>> -> memref<1x128x128xf32, #tpu.memory_space<vmem>>
          %dma_wait3A_1373 = tpu.memref_squeeze %dma_wait3A_1372 : memref<1x128x128xf32, #tpu.memory_space<vmem>> -> memref<128x128xf32, #tpu.memory_space<vmem>>
          %dma_wait3A_1374 = arith.constant 0 : i32
          %dma_wait3A_1375 = arith.constant 0 : i32
          %dma_wait3A_1376 = tpu.memref_slice %arg3[%dma_wait3A_1374, %dma_wait3A_1375] : memref<36864x128xf32, #tpu.memory_space<hbm>> -> memref<128x128xf32, #tpu.memory_space<hbm>>
          %dma_wait3A_1377 = arith.constant 0 : i32
          %dma_wait3A_1378 = arith.constant 0 : i32
          %dma_wait3A_1379 = tpu.memref_slice %arg6[%dma_wait3A_1369, %dma_wait3A_1377, %dma_wait3A_1378] : memref<5x128x128xf32, #tpu.memory_space<vmem>> -> memref<1x128x128xf32, #tpu.memory_space<vmem>>
          %dma_wait3A_1380 = tpu.memref_squeeze %dma_wait3A_1379 : memref<1x128x128xf32, #tpu.memory_space<vmem>> -> memref<128x128xf32, #tpu.memory_space<vmem>>
          %dma_wait3A_1381 = arith.constant 0 : i32
          %dma_wait3A_1382 = arith.constant 0 : i32
          %dma_wait3A_1383 = tpu.memref_slice %arg3[%dma_wait3A_1381, %dma_wait3A_1382] : memref<36864x128xf32, #tpu.memory_space<hbm>> -> memref<128x128xf32, #tpu.memory_space<hbm>>
          tpu.wait_dma2 semaphore(%arg7 : memref<!tpu.dma_semaphore, #tpu.memory_space<semaphore_mem>>) src(%dma_wait3A_1383 : memref<128x128xf32, #tpu.memory_space<hbm>>) dst(%dma_wait3A_1380 : memref<128x128xf32, #tpu.memory_space<vmem>>)
          %add3A_1384 = arith.constant 1 : i32
          %add3A_1385 = arith.addi %add3A_211, %add3A_1384 : i32
          %sub3A_1386 = arith.constant 3 : i32
          %sub3A_1387 = arith.subi %add3A_1385, %sub3A_1386 : i32
          %mul3A_1388 = arith.constant 128 : i32
          %mul3A_1389 = arith.muli %sub3A_1387, %mul3A_1388 : i32
          %dma_start3A_1390 = arith.constant 3 : i32
          %dma_start3A_1391 = arith.constant 0 : i32
          %dma_start3A_1392 = arith.constant 0 : i32
          %dma_start3A_1393 = tpu.memref_slice %arg6[%dma_start3A_1390, %dma_start3A_1391, %dma_start3A_1392] : memref<5x128x128xf32, #tpu.memory_space<vmem>> -> memref<1x128x128xf32, #tpu.memory_space<vmem>>
          %dma_start3A_1394 = tpu.memref_squeeze %dma_start3A_1393 : memref<1x128x128xf32, #tpu.memory_space<vmem>> -> memref<128x128xf32, #tpu.memory_space<vmem>>
          %dma_start3A_1395 = arith.constant 0 : i32
          %dma_start3A_1396 = tpu.memref_slice %arg4[%mul3A_1389, %dma_start3A_1395] : memref<3276800x128xf32, #tpu.memory_space<hbm>> -> memref<128x128xf32, #tpu.memory_space<hbm>>
          %dma_start3A_1397 = arith.constant 0 : i32
          %dma_start3A_1398 = tpu.memref_slice %arg4[%mul3A_1389, %dma_start3A_1397] : memref<3276800x128xf32, #tpu.memory_space<hbm>> -> memref<128x128xf32, #tpu.memory_space<hbm>>
          %dma_start3A_1399 = arith.constant 0 : i32
          %dma_start3A_1400 = arith.constant 0 : i32
          %dma_start3A_1401 = tpu.memref_slice %arg6[%dma_start3A_1390, %dma_start3A_1399, %dma_start3A_1400] : memref<5x128x128xf32, #tpu.memory_space<vmem>> -> memref<1x128x128xf32, #tpu.memory_space<vmem>>
          %dma_start3A_1402 = tpu.memref_squeeze %dma_start3A_1401 : memref<1x128x128xf32, #tpu.memory_space<vmem>> -> memref<128x128xf32, #tpu.memory_space<vmem>>
          tpu.enqueue_dma source(%dma_start3A_1402 : memref<128x128xf32, #tpu.memory_space<vmem>>) target(%dma_start3A_1398 : memref<128x128xf32, #tpu.memory_space<hbm>>) target_semaphore(%arg8 : memref<!tpu.dma_semaphore, #tpu.memory_space<semaphore_mem>>)
        } else {
        }
        %gt3A_267 = arith.constant 0 : i32
        %gt3A_268 = arith.cmpi sgt, %add3A_191, %gt3A_267 : i32
        %gt3A_269 = arith.constant 0 : i32
        %gt3A_270 = arith.cmpi sgt, %add3A_208, %gt3A_269 : i32
        %or3A_271 = arith.ori %gt3A_268, %gt3A_270 : i1
        %convert_element_type3A_272 = arith.extui %or3A_271 : i1 to i32
        %cond3A_273 = arith.constant 0 : i32
        %cond3A_274 = arith.cmpi ne, %convert_element_type3A_272, %cond3A_273 : i32
        scf.if %cond3A_274 {
          %dma_wait3A_1369 = arith.constant 0 : i32
          %dma_wait3A_1370 = arith.constant 0 : i32
          %dma_wait3A_1371 = arith.constant 0 : i32
          %dma_wait3A_1372 = tpu.memref_slice %arg6[%dma_wait3A_1369, %dma_wait3A_1370, %dma_wait3A_1371] : memref<5x128x128xf32, #tpu.memory_space<vmem>> -> memref<1x128x128xf32, #tpu.memory_space<vmem>>
          %dma_wait3A_1373 = tpu.memref_squeeze %dma_wait3A_1372 : memref<1x128x128xf32, #tpu.memory_space<vmem>> -> memref<128x128xf32, #tpu.memory_space<vmem>>
          %dma_wait3A_1374 = arith.constant 0 : i32
          %dma_wait3A_1375 = arith.constant 0 : i32
          %dma_wait3A_1376 = tpu.memref_slice %arg4[%dma_wait3A_1374, %dma_wait3A_1375] : memref<3276800x128xf32, #tpu.memory_space<hbm>> -> memref<128x128xf32, #tpu.memory_space<hbm>>
          %dma_wait3A_1377 = arith.constant 0 : i32
          %dma_wait3A_1378 = arith.constant 0 : i32
          %dma_wait3A_1379 = tpu.memref_slice %arg4[%dma_wait3A_1377, %dma_wait3A_1378] : memref<3276800x128xf32, #tpu.memory_space<hbm>> -> memref<128x128xf32, #tpu.memory_space<hbm>>
          %dma_wait3A_1380 = arith.constant 0 : i32
          %dma_wait3A_1381 = arith.constant 0 : i32
          %dma_wait3A_1382 = tpu.memref_slice %arg6[%dma_wait3A_1369, %dma_wait3A_1380, %dma_wait3A_1381] : memref<5x128x128xf32, #tpu.memory_space<vmem>> -> memref<1x128x128xf32, #tpu.memory_space<vmem>>
          %dma_wait3A_1383 = tpu.memref_squeeze %dma_wait3A_1382 : memref<1x128x128xf32, #tpu.memory_space<vmem>> -> memref<128x128xf32, #tpu.memory_space<vmem>>
          tpu.wait_dma2 semaphore(%arg8 : memref<!tpu.dma_semaphore, #tpu.memory_space<semaphore_mem>>) src(%dma_wait3A_1383 : memref<128x128xf32, #tpu.memory_space<vmem>>) dst(%dma_wait3A_1379 : memref<128x128xf32, #tpu.memory_space<hbm>>)
        } else {
        }
        %mul3A_275 = arith.constant 20 : i32
        %mul3A_276 = arith.muli %add3A_208, %mul3A_275 : i32
        %add3A_277 = arith.constant 2 : i32
        %add3A_278 = arith.addi %mul3A_276, %add3A_277 : i32
        %mul3A_279 = arith.constant 128 : i32
        %mul3A_280 = arith.muli %add3A_278, %mul3A_279 : i32
        %dma_start3A_281 = arith.constant 2 : i32
        %dma_start3A_282 = arith.constant 0 : i32
        %dma_start3A_283 = arith.constant 0 : i32
        %dma_start3A_284 = tpu.memref_slice %arg6[%dma_start3A_281, %dma_start3A_282, %dma_start3A_283] : memref<5x128x128xf32, #tpu.memory_space<vmem>> -> memref<1x128x128xf32, #tpu.memory_space<vmem>>
        %dma_start3A_285 = tpu.memref_squeeze %dma_start3A_284 : memref<1x128x128xf32, #tpu.memory_space<vmem>> -> memref<128x128xf32, #tpu.memory_space<vmem>>
        %dma_start3A_286 = tpu.memref_slice %arg5[%mul3A_280] : memref<20480xi32, #tpu.memory_space<vmem>> -> memref<128xi32, #tpu.memory_space<vmem>>
        %dma_start3A_287 = arith.constant 0 : i32
        %dma_start3A_288 = arith.constant 0 : i32
        %dma_start3A_289 = tpu.memref_slice %arg3[%dma_start3A_287, %dma_start3A_288] : memref<36864x128xf32, #tpu.memory_space<hbm>> -> memref<36864x128xf32, #tpu.memory_space<hbm>>
        tpu.enqueue_indirect_dma source(%dma_start3A_289 : memref<36864x128xf32, #tpu.memory_space<hbm>>) target(%dma_start3A_285 : memref<128x128xf32, #tpu.memory_space<vmem>>) offsets(%dma_start3A_286 : memref<128xi32, #tpu.memory_space<vmem>>) semaphore(%arg7 : memref<!tpu.dma_semaphore, #tpu.memory_space<semaphore_mem>>)
        %gt3A_290 = arith.constant 0 : i32
        %gt3A_291 = arith.cmpi sgt, %add3A_208, %gt3A_290 : i32
        %convert_element_type3A_292 = arith.extui %gt3A_291 : i1 to i32
        %cond3A_293 = arith.constant 0 : i32
        %cond3A_294 = arith.cmpi ne, %convert_element_type3A_292, %cond3A_293 : i32
        scf.if %cond3A_294 {
          %dma_wait3A_1369 = arith.constant 0 : i32
          %dma_wait3A_1370 = arith.constant 0 : i32
          %dma_wait3A_1371 = arith.constant 0 : i32
          %dma_wait3A_1372 = tpu.memref_slice %arg6[%dma_wait3A_1369, %dma_wait3A_1370, %dma_wait3A_1371] : memref<5x128x128xf32, #tpu.memory_space<vmem>> -> memref<1x128x128xf32, #tpu.memory_space<vmem>>
          %dma_wait3A_1373 = tpu.memref_squeeze %dma_wait3A_1372 : memref<1x128x128xf32, #tpu.memory_space<vmem>> -> memref<128x128xf32, #tpu.memory_space<vmem>>
          %dma_wait3A_1374 = arith.constant 0 : i32
          %dma_wait3A_1375 = arith.constant 0 : i32
          %dma_wait3A_1376 = tpu.memref_slice %arg3[%dma_wait3A_1374, %dma_wait3A_1375] : memref<36864x128xf32, #tpu.memory_space<hbm>> -> memref<128x128xf32, #tpu.memory_space<hbm>>
          %dma_wait3A_1377 = arith.constant 0 : i32
          %dma_wait3A_1378 = arith.constant 0 : i32
          %dma_wait3A_1379 = tpu.memref_slice %arg6[%dma_wait3A_1369, %dma_wait3A_1377, %dma_wait3A_1378] : memref<5x128x128xf32, #tpu.memory_space<vmem>> -> memref<1x128x128xf32, #tpu.memory_space<vmem>>
          %dma_wait3A_1380 = tpu.memref_squeeze %dma_wait3A_1379 : memref<1x128x128xf32, #tpu.memory_space<vmem>> -> memref<128x128xf32, #tpu.memory_space<vmem>>
          %dma_wait3A_1381 = arith.constant 0 : i32
          %dma_wait3A_1382 = arith.constant 0 : i32
          %dma_wait3A_1383 = tpu.memref_slice %arg3[%dma_wait3A_1381, %dma_wait3A_1382] : memref<36864x128xf32, #tpu.memory_space<hbm>> -> memref<128x128xf32, #tpu.memory_space<hbm>>
          tpu.wait_dma2 semaphore(%arg7 : memref<!tpu.dma_semaphore, #tpu.memory_space<semaphore_mem>>) src(%dma_wait3A_1383 : memref<128x128xf32, #tpu.memory_space<hbm>>) dst(%dma_wait3A_1380 : memref<128x128xf32, #tpu.memory_space<vmem>>)
          %add3A_1384 = arith.constant 2 : i32
          %add3A_1385 = arith.addi %add3A_211, %add3A_1384 : i32
          %sub3A_1386 = arith.constant 3 : i32
          %sub3A_1387 = arith.subi %add3A_1385, %sub3A_1386 : i32
          %mul3A_1388 = arith.constant 128 : i32
          %mul3A_1389 = arith.muli %sub3A_1387, %mul3A_1388 : i32
          %dma_start3A_1390 = arith.constant 4 : i32
          %dma_start3A_1391 = arith.constant 0 : i32
          %dma_start3A_1392 = arith.constant 0 : i32
          %dma_start3A_1393 = tpu.memref_slice %arg6[%dma_start3A_1390, %dma_start3A_1391, %dma_start3A_1392] : memref<5x128x128xf32, #tpu.memory_space<vmem>> -> memref<1x128x128xf32, #tpu.memory_space<vmem>>
          %dma_start3A_1394 = tpu.memref_squeeze %dma_start3A_1393 : memref<1x128x128xf32, #tpu.memory_space<vmem>> -> memref<128x128xf32, #tpu.memory_space<vmem>>
          %dma_start3A_1395 = arith.constant 0 : i32
          %dma_start3A_1396 = tpu.memref_slice %arg4[%mul3A_1389, %dma_start3A_1395] : memref<3276800x128xf32, #tpu.memory_space<hbm>> -> memref<128x128xf32, #tpu.memory_space<hbm>>
          %dma_start3A_1397 = arith.constant 0 : i32
          %dma_start3A_1398 = tpu.memref_slice %arg4[%mul3A_1389, %dma_start3A_1397] : memref<3276800x128xf32, #tpu.memory_space<hbm>> -> memref<128x128xf32, #tpu.memory_space<hbm>>
          %dma_start3A_1399 = arith.constant 0 : i32
          %dma_start3A_1400 = arith.constant 0 : i32
          %dma_start3A_1401 = tpu.memref_slice %arg6[%dma_start3A_1390, %dma_start3A_1399, %dma_start3A_1400] : memref<5x128x128xf32, #tpu.memory_space<vmem>> -> memref<1x128x128xf32, #tpu.memory_space<vmem>>
          %dma_start3A_1402 = tpu.memref_squeeze %dma_start3A_1401 : memref<1x128x128xf32, #tpu.memory_space<vmem>> -> memref<128x128xf32, #tpu.memory_space<vmem>>
          tpu.enqueue_dma source(%dma_start3A_1402 : memref<128x128xf32, #tpu.memory_space<vmem>>) target(%dma_start3A_1398 : memref<128x128xf32, #tpu.memory_space<hbm>>) target_semaphore(%arg8 : memref<!tpu.dma_semaphore, #tpu.memory_space<semaphore_mem>>)
        } else {
        }
        %gt3A_295 = arith.constant 0 : i32
        %gt3A_296 = arith.cmpi sgt, %add3A_191, %gt3A_295 : i32
        %gt3A_297 = arith.constant 0 : i32
        %gt3A_298 = arith.cmpi sgt, %add3A_208, %gt3A_297 : i32
        %or3A_299 = arith.ori %gt3A_296, %gt3A_298 : i1
        %convert_element_type3A_300 = arith.extui %or3A_299 : i1 to i32
        %cond3A_301 = arith.constant 0 : i32
        %cond3A_302 = arith.cmpi ne, %convert_element_type3A_300, %cond3A_301 : i32
        scf.if %cond3A_302 {
          %dma_wait3A_1369 = arith.constant 0 : i32
          %dma_wait3A_1370 = arith.constant 0 : i32
          %dma_wait3A_1371 = arith.constant 0 : i32
          %dma_wait3A_1372 = tpu.memref_slice %arg6[%dma_wait3A_1369, %dma_wait3A_1370, %dma_wait3A_1371] : memref<5x128x128xf32, #tpu.memory_space<vmem>> -> memref<1x128x128xf32, #tpu.memory_space<vmem>>
          %dma_wait3A_1373 = tpu.memref_squeeze %dma_wait3A_1372 : memref<1x128x128xf32, #tpu.memory_space<vmem>> -> memref<128x128xf32, #tpu.memory_space<vmem>>
          %dma_wait3A_1374 = arith.constant 0 : i32
          %dma_wait3A_1375 = arith.constant 0 : i32
          %dma_wait3A_1376 = tpu.memref_slice %arg4[%dma_wait3A_1374, %dma_wait3A_1375] : memref<3276800x128xf32, #tpu.memory_space<hbm>> -> memref<128x128xf32, #tpu.memory_space<hbm>>
          %dma_wait3A_1377 = arith.constant 0 : i32
          %dma_wait3A_1378 = arith.constant 0 : i32
          %dma_wait3A_1379 = tpu.memref_slice %arg4[%dma_wait3A_1377, %dma_wait3A_1378] : memref<3276800x128xf32, #tpu.memory_space<hbm>> -> memref<128x128xf32, #tpu.memory_space<hbm>>
          %dma_wait3A_1380 = arith.constant 0 : i32
          %dma_wait3A_1381 = arith.constant 0 : i32
          %dma_wait3A_1382 = tpu.memref_slice %arg6[%dma_wait3A_1369, %dma_wait3A_1380, %dma_wait3A_1381] : memref<5x128x128xf32, #tpu.memory_space<vmem>> -> memref<1x128x128xf32, #tpu.memory_space<vmem>>
          %dma_wait3A_1383 = tpu.memref_squeeze %dma_wait3A_1382 : memref<1x128x128xf32, #tpu.memory_space<vmem>> -> memref<128x128xf32, #tpu.memory_space<vmem>>
          tpu.wait_dma2 semaphore(%arg8 : memref<!tpu.dma_semaphore, #tpu.memory_space<semaphore_mem>>) src(%dma_wait3A_1383 : memref<128x128xf32, #tpu.memory_space<vmem>>) dst(%dma_wait3A_1379 : memref<128x128xf32, #tpu.memory_space<hbm>>)
        } else {
        }
        %mul3A_303 = arith.constant 20 : i32
        %mul3A_304 = arith.muli %add3A_208, %mul3A_303 : i32
        %add3A_305 = arith.constant 3 : i32
        %add3A_306 = arith.addi %mul3A_304, %add3A_305 : i32
        %mul3A_307 = arith.constant 128 : i32
        %mul3A_308 = arith.muli %add3A_306, %mul3A_307 : i32
        %dma_start3A_309 = arith.constant 3 : i32
        %dma_start3A_310 = arith.constant 0 : i32
        %dma_start3A_311 = arith.constant 0 : i32
        %dma_start3A_312 = tpu.memref_slice %arg6[%dma_start3A_309, %dma_start3A_310, %dma_start3A_311] : memref<5x128x128xf32, #tpu.memory_space<vmem>> -> memref<1x128x128xf32, #tpu.memory_space<vmem>>
        %dma_start3A_313 = tpu.memref_squeeze %dma_start3A_312 : memref<1x128x128xf32, #tpu.memory_space<vmem>> -> memref<128x128xf32, #tpu.memory_space<vmem>>
        %dma_start3A_314 = tpu.memref_slice %arg5[%mul3A_308] : memref<20480xi32, #tpu.memory_space<vmem>> -> memref<128xi32, #tpu.memory_space<vmem>>
        %dma_start3A_315 = arith.constant 0 : i32
        %dma_start3A_316 = arith.constant 0 : i32
        %dma_start3A_317 = tpu.memref_slice %arg3[%dma_start3A_315, %dma_start3A_316] : memref<36864x128xf32, #tpu.memory_space<hbm>> -> memref<36864x128xf32, #tpu.memory_space<hbm>>
        tpu.enqueue_indirect_dma source(%dma_start3A_317 : memref<36864x128xf32, #tpu.memory_space<hbm>>) target(%dma_start3A_313 : memref<128x128xf32, #tpu.memory_space<vmem>>) offsets(%dma_start3A_314 : memref<128xi32, #tpu.memory_space<vmem>>) semaphore(%arg7 : memref<!tpu.dma_semaphore, #tpu.memory_space<semaphore_mem>>)
        %dma_wait3A_318 = arith.constant 0 : i32
        %dma_wait3A_319 = arith.constant 0 : i32
        %dma_wait3A_320 = arith.constant 0 : i32
        %dma_wait3A_321 = tpu.memref_slice %arg6[%dma_wait3A_318, %dma_wait3A_319, %dma_wait3A_320] : memref<5x128x128xf32, #tpu.memory_space<vmem>> -> memref<1x128x128xf32, #tpu.memory_space<vmem>>
        %dma_wait3A_322 = tpu.memref_squeeze %dma_wait3A_321 : memref<1x128x128xf32, #tpu.memory_space<vmem>> -> memref<128x128xf32, #tpu.memory_space<vmem>>
        %dma_wait3A_323 = arith.constant 0 : i32
        %dma_wait3A_324 = arith.constant 0 : i32
        %dma_wait3A_325 = tpu.memref_slice %arg3[%dma_wait3A_323, %dma_wait3A_324] : memref<36864x128xf32, #tpu.memory_space<hbm>> -> memref<128x128xf32, #tpu.memory_space<hbm>>
        %dma_wait3A_326 = arith.constant 0 : i32
        %dma_wait3A_327 = arith.constant 0 : i32
        %dma_wait3A_328 = tpu.memref_slice %arg6[%dma_wait3A_318, %dma_wait3A_326, %dma_wait3A_327] : memref<5x128x128xf32, #tpu.memory_space<vmem>> -> memref<1x128x128xf32, #tpu.memory_space<vmem>>
        %dma_wait3A_329 = tpu.memref_squeeze %dma_wait3A_328 : memref<1x128x128xf32, #tpu.memory_space<vmem>> -> memref<128x128xf32, #tpu.memory_space<vmem>>
        %dma_wait3A_330 = arith.constant 0 : i32
        %dma_wait3A_331 = arith.constant 0 : i32
        %dma_wait3A_332 = tpu.memref_slice %arg3[%dma_wait3A_330, %dma_wait3A_331] : memref<36864x128xf32, #tpu.memory_space<hbm>> -> memref<128x128xf32, #tpu.memory_space<hbm>>
        tpu.wait_dma2 semaphore(%arg7 : memref<!tpu.dma_semaphore, #tpu.memory_space<semaphore_mem>>) src(%dma_wait3A_332 : memref<128x128xf32, #tpu.memory_space<hbm>>) dst(%dma_wait3A_329 : memref<128x128xf32, #tpu.memory_space<vmem>>)
        %add3A_333 = arith.constant 3 : i32
        %add3A_334 = arith.addi %add3A_211, %add3A_333 : i32
        %sub3A_335 = arith.constant 3 : i32
        %sub3A_336 = arith.subi %add3A_334, %sub3A_335 : i32
        %mul3A_337 = arith.constant 128 : i32
        %mul3A_338 = arith.muli %sub3A_336, %mul3A_337 : i32
        %dma_start3A_339 = arith.constant 0 : i32
        %dma_start3A_340 = arith.constant 0 : i32
        %dma_start3A_341 = arith.constant 0 : i32
        %dma_start3A_342 = tpu.memref_slice %arg6[%dma_start3A_339, %dma_start3A_340, %dma_start3A_341] : memref<5x128x128xf32, #tpu.memory_space<vmem>> -> memref<1x128x128xf32, #tpu.memory_space<vmem>>
        %dma_start3A_343 = tpu.memref_squeeze %dma_start3A_342 : memref<1x128x128xf32, #tpu.memory_space<vmem>> -> memref<128x128xf32, #tpu.memory_space<vmem>>
        %dma_start3A_344 = arith.constant 0 : i32
        %dma_start3A_345 = tpu.memref_slice %arg4[%mul3A_338, %dma_start3A_344] : memref<3276800x128xf32, #tpu.memory_space<hbm>> -> memref<128x128xf32, #tpu.memory_space<hbm>>
        %dma_start3A_346 = arith.constant 0 : i32
        %dma_start3A_347 = tpu.memref_slice %arg4[%mul3A_338, %dma_start3A_346] : memref<3276800x128xf32, #tpu.memory_space<hbm>> -> memref<128x128xf32, #tpu.memory_space<hbm>>
        %dma_start3A_348 = arith.constant 0 : i32
        %dma_start3A_349 = arith.constant 0 : i32
        %dma_start3A_350 = tpu.memref_slice %arg6[%dma_start3A_339, %dma_start3A_348, %dma_start3A_349] : memref<5x128x128xf32, #tpu.memory_space<vmem>> -> memref<1x128x128xf32, #tpu.memory_space<vmem>>
        %dma_start3A_351 = tpu.memref_squeeze %dma_start3A_350 : memref<1x128x128xf32, #tpu.memory_space<vmem>> -> memref<128x128xf32, #tpu.memory_space<vmem>>
        tpu.enqueue_dma source(%dma_start3A_351 : memref<128x128xf32, #tpu.memory_space<vmem>>) target(%dma_start3A_347 : memref<128x128xf32, #tpu.memory_space<hbm>>) target_semaphore(%arg8 : memref<!tpu.dma_semaphore, #tpu.memory_space<semaphore_mem>>)
        %gt3A_352 = arith.constant 0 : i32
        %gt3A_353 = arith.cmpi sgt, %add3A_191, %gt3A_352 : i32
        %gt3A_354 = arith.constant 0 : i32
        %gt3A_355 = arith.cmpi sgt, %add3A_208, %gt3A_354 : i32
        %or3A_356 = arith.ori %gt3A_353, %gt3A_355 : i1
        %convert_element_type3A_357 = arith.extui %or3A_356 : i1 to i32
        %cond3A_358 = arith.constant 0 : i32
        %cond3A_359 = arith.cmpi ne, %convert_element_type3A_357, %cond3A_358 : i32
        scf.if %cond3A_359 {
          %dma_wait3A_1369 = arith.constant 0 : i32
          %dma_wait3A_1370 = arith.constant 0 : i32
          %dma_wait3A_1371 = arith.constant 0 : i32
          %dma_wait3A_1372 = tpu.memref_slice %arg6[%dma_wait3A_1369, %dma_wait3A_1370, %dma_wait3A_1371] : memref<5x128x128xf32, #tpu.memory_space<vmem>> -> memref<1x128x128xf32, #tpu.memory_space<vmem>>
          %dma_wait3A_1373 = tpu.memref_squeeze %dma_wait3A_1372 : memref<1x128x128xf32, #tpu.memory_space<vmem>> -> memref<128x128xf32, #tpu.memory_space<vmem>>
          %dma_wait3A_1374 = arith.constant 0 : i32
          %dma_wait3A_1375 = arith.constant 0 : i32
          %dma_wait3A_1376 = tpu.memref_slice %arg4[%dma_wait3A_1374, %dma_wait3A_1375] : memref<3276800x128xf32, #tpu.memory_space<hbm>> -> memref<128x128xf32, #tpu.memory_space<hbm>>
          %dma_wait3A_1377 = arith.constant 0 : i32
          %dma_wait3A_1378 = arith.constant 0 : i32
          %dma_wait3A_1379 = tpu.memref_slice %arg4[%dma_wait3A_1377, %dma_wait3A_1378] : memref<3276800x128xf32, #tpu.memory_space<hbm>> -> memref<128x128xf32, #tpu.memory_space<hbm>>
          %dma_wait3A_1380 = arith.constant 0 : i32
          %dma_wait3A_1381 = arith.constant 0 : i32
          %dma_wait3A_1382 = tpu.memref_slice %arg6[%dma_wait3A_1369, %dma_wait3A_1380, %dma_wait3A_1381] : memref<5x128x128xf32, #tpu.memory_space<vmem>> -> memref<1x128x128xf32, #tpu.memory_space<vmem>>
          %dma_wait3A_1383 = tpu.memref_squeeze %dma_wait3A_1382 : memref<1x128x128xf32, #tpu.memory_space<vmem>> -> memref<128x128xf32, #tpu.memory_space<vmem>>
          tpu.wait_dma2 semaphore(%arg8 : memref<!tpu.dma_semaphore, #tpu.memory_space<semaphore_mem>>) src(%dma_wait3A_1383 : memref<128x128xf32, #tpu.memory_space<vmem>>) dst(%dma_wait3A_1379 : memref<128x128xf32, #tpu.memory_space<hbm>>)
        } else {
        }
        %mul3A_360 = arith.constant 20 : i32
        %mul3A_361 = arith.muli %add3A_208, %mul3A_360 : i32
        %add3A_362 = arith.constant 4 : i32
        %add3A_363 = arith.addi %mul3A_361, %add3A_362 : i32
        %mul3A_364 = arith.constant 128 : i32
        %mul3A_365 = arith.muli %add3A_363, %mul3A_364 : i32
        %dma_start3A_366 = arith.constant 4 : i32
        %dma_start3A_367 = arith.constant 0 : i32
        %dma_start3A_368 = arith.constant 0 : i32
        %dma_start3A_369 = tpu.memref_slice %arg6[%dma_start3A_366, %dma_start3A_367, %dma_start3A_368] : memref<5x128x128xf32, #tpu.memory_space<vmem>> -> memref<1x128x128xf32, #tpu.memory_space<vmem>>
        %dma_start3A_370 = tpu.memref_squeeze %dma_start3A_369 : memref<1x128x128xf32, #tpu.memory_space<vmem>> -> memref<128x128xf32, #tpu.memory_space<vmem>>
        %dma_start3A_371 = tpu.memref_slice %arg5[%mul3A_365] : memref<20480xi32, #tpu.memory_space<vmem>> -> memref<128xi32, #tpu.memory_space<vmem>>
        %dma_start3A_372 = arith.constant 0 : i32
        %dma_start3A_373 = arith.constant 0 : i32
        %dma_start3A_374 = tpu.memref_slice %arg3[%dma_start3A_372, %dma_start3A_373] : memref<36864x128xf32, #tpu.memory_space<hbm>> -> memref<36864x128xf32, #tpu.memory_space<hbm>>
        tpu.enqueue_indirect_dma source(%dma_start3A_374 : memref<36864x128xf32, #tpu.memory_space<hbm>>) target(%dma_start3A_370 : memref<128x128xf32, #tpu.memory_space<vmem>>) offsets(%dma_start3A_371 : memref<128xi32, #tpu.memory_space<vmem>>) semaphore(%arg7 : memref<!tpu.dma_semaphore, #tpu.memory_space<semaphore_mem>>)
        %dma_wait3A_375 = arith.constant 0 : i32
        %dma_wait3A_376 = arith.constant 0 : i32
        %dma_wait3A_377 = arith.constant 0 : i32
        %dma_wait3A_378 = tpu.memref_slice %arg6[%dma_wait3A_375, %dma_wait3A_376, %dma_wait3A_377] : memref<5x128x128xf32, #tpu.memory_space<vmem>> -> memref<1x128x128xf32, #tpu.memory_space<vmem>>
        %dma_wait3A_379 = tpu.memref_squeeze %dma_wait3A_378 : memref<1x128x128xf32, #tpu.memory_space<vmem>> -> memref<128x128xf32, #tpu.memory_space<vmem>>
        %dma_wait3A_380 = arith.constant 0 : i32
        %dma_wait3A_381 = arith.constant 0 : i32
        %dma_wait3A_382 = tpu.memref_slice %arg3[%dma_wait3A_380, %dma_wait3A_381] : memref<36864x128xf32, #tpu.memory_space<hbm>> -> memref<128x128xf32, #tpu.memory_space<hbm>>
        %dma_wait3A_383 = arith.constant 0 : i32
        %dma_wait3A_384 = arith.constant 0 : i32
        %dma_wait3A_385 = tpu.memref_slice %arg6[%dma_wait3A_375, %dma_wait3A_383, %dma_wait3A_384] : memref<5x128x128xf32, #tpu.memory_space<vmem>> -> memref<1x128x128xf32, #tpu.memory_space<vmem>>
        %dma_wait3A_386 = tpu.memref_squeeze %dma_wait3A_385 : memref<1x128x128xf32, #tpu.memory_space<vmem>> -> memref<128x128xf32, #tpu.memory_space<vmem>>
        %dma_wait3A_387 = arith.constant 0 : i32
        %dma_wait3A_388 = arith.constant 0 : i32
        %dma_wait3A_389 = tpu.memref_slice %arg3[%dma_wait3A_387, %dma_wait3A_388] : memref<36864x128xf32, #tpu.memory_space<hbm>> -> memref<128x128xf32, #tpu.memory_space<hbm>>
        tpu.wait_dma2 semaphore(%arg7 : memref<!tpu.dma_semaphore, #tpu.memory_space<semaphore_mem>>) src(%dma_wait3A_389 : memref<128x128xf32, #tpu.memory_space<hbm>>) dst(%dma_wait3A_386 : memref<128x128xf32, #tpu.memory_space<vmem>>)
        %add3A_390 = arith.constant 4 : i32
        %add3A_391 = arith.addi %add3A_211, %add3A_390 : i32
        %sub3A_392 = arith.constant 3 : i32
        %sub3A_393 = arith.subi %add3A_391, %sub3A_392 : i32
        %mul3A_394 = arith.constant 128 : i32
        %mul3A_395 = arith.muli %sub3A_393, %mul3A_394 : i32
        %dma_start3A_396 = arith.constant 1 : i32
        %dma_start3A_397 = arith.constant 0 : i32
        %dma_start3A_398 = arith.constant 0 : i32
        %dma_start3A_399 = tpu.memref_slice %arg6[%dma_start3A_396, %dma_start3A_397, %dma_start3A_398] : memref<5x128x128xf32, #tpu.memory_space<vmem>> -> memref<1x128x128xf32, #tpu.memory_space<vmem>>
        %dma_start3A_400 = tpu.memref_squeeze %dma_start3A_399 : memref<1x128x128xf32, #tpu.memory_space<vmem>> -> memref<128x128xf32, #tpu.memory_space<vmem>>
        %dma_start3A_401 = arith.constant 0 : i32
        %dma_start3A_402 = tpu.memref_slice %arg4[%mul3A_395, %dma_start3A_401] : memref<3276800x128xf32, #tpu.memory_space<hbm>> -> memref<128x128xf32, #tpu.memory_space<hbm>>
        %dma_start3A_403 = arith.constant 0 : i32
        %dma_start3A_404 = tpu.memref_slice %arg4[%mul3A_395, %dma_start3A_403] : memref<3276800x128xf32, #tpu.memory_space<hbm>> -> memref<128x128xf32, #tpu.memory_space<hbm>>
        %dma_start3A_405 = arith.constant 0 : i32
        %dma_start3A_406 = arith.constant 0 : i32
        %dma_start3A_407 = tpu.memref_slice %arg6[%dma_start3A_396, %dma_start3A_405, %dma_start3A_406] : memref<5x128x128xf32, #tpu.memory_space<vmem>> -> memref<1x128x128xf32, #tpu.memory_space<vmem>>
        %dma_start3A_408 = tpu.memref_squeeze %dma_start3A_407 : memref<1x128x128xf32, #tpu.memory_space<vmem>> -> memref<128x128xf32, #tpu.memory_space<vmem>>
        tpu.enqueue_dma source(%dma_start3A_408 : memref<128x128xf32, #tpu.memory_space<vmem>>) target(%dma_start3A_404 : memref<128x128xf32, #tpu.memory_space<hbm>>) target_semaphore(%arg8 : memref<!tpu.dma_semaphore, #tpu.memory_space<semaphore_mem>>)
        %dma_wait3A_409 = arith.constant 0 : i32
        %dma_wait3A_410 = arith.constant 0 : i32
        %dma_wait3A_411 = arith.constant 0 : i32
        %dma_wait3A_412 = tpu.memref_slice %arg6[%dma_wait3A_409, %dma_wait3A_410, %dma_wait3A_411] : memref<5x128x128xf32, #tpu.memory_space<vmem>> -> memref<1x128x128xf32, #tpu.memory_space<vmem>>
        %dma_wait3A_413 = tpu.memref_squeeze %dma_wait3A_412 : memref<1x128x128xf32, #tpu.memory_space<vmem>> -> memref<128x128xf32, #tpu.memory_space<vmem>>
        %dma_wait3A_414 = arith.constant 0 : i32
        %dma_wait3A_415 = arith.constant 0 : i32
        %dma_wait3A_416 = tpu.memref_slice %arg4[%dma_wait3A_414, %dma_wait3A_415] : memref<3276800x128xf32, #tpu.memory_space<hbm>> -> memref<128x128xf32, #tpu.memory_space<hbm>>
        %dma_wait3A_417 = arith.constant 0 : i32
        %dma_wait3A_418 = arith.constant 0 : i32
        %dma_wait3A_419 = tpu.memref_slice %arg4[%dma_wait3A_417, %dma_wait3A_418] : memref<3276800x128xf32, #tpu.memory_space<hbm>> -> memref<128x128xf32, #tpu.memory_space<hbm>>
        %dma_wait3A_420 = arith.constant 0 : i32
        %dma_wait3A_421 = arith.constant 0 : i32
        %dma_wait3A_422 = tpu.memref_slice %arg6[%dma_wait3A_409, %dma_wait3A_420, %dma_wait3A_421] : memref<5x128x128xf32, #tpu.memory_space<vmem>> -> memref<1x128x128xf32, #tpu.memory_space<vmem>>
        %dma_wait3A_423 = tpu.memref_squeeze %dma_wait3A_422 : memref<1x128x128xf32, #tpu.memory_space<vmem>> -> memref<128x128xf32, #tpu.memory_space<vmem>>
        tpu.wait_dma2 semaphore(%arg8 : memref<!tpu.dma_semaphore, #tpu.memory_space<semaphore_mem>>) src(%dma_wait3A_423 : memref<128x128xf32, #tpu.memory_space<vmem>>) dst(%dma_wait3A_419 : memref<128x128xf32, #tpu.memory_space<hbm>>)
        %mul3A_424 = arith.constant 20 : i32
        %mul3A_425 = arith.muli %add3A_208, %mul3A_424 : i32
        %add3A_426 = arith.constant 5 : i32
        %add3A_427 = arith.addi %mul3A_425, %add3A_426 : i32
        %mul3A_428 = arith.constant 128 : i32
        %mul3A_429 = arith.muli %add3A_427, %mul3A_428 : i32
        %dma_start3A_430 = arith.constant 0 : i32
        %dma_start3A_431 = arith.constant 0 : i32
        %dma_start3A_432 = arith.constant 0 : i32
        %dma_start3A_433 = tpu.memref_slice %arg6[%dma_start3A_430, %dma_start3A_431, %dma_start3A_432] : memref<5x128x128xf32, #tpu.memory_space<vmem>> -> memref<1x128x128xf32, #tpu.memory_space<vmem>>
        %dma_start3A_434 = tpu.memref_squeeze %dma_start3A_433 : memref<1x128x128xf32, #tpu.memory_space<vmem>> -> memref<128x128xf32, #tpu.memory_space<vmem>>
        %dma_start3A_435 = tpu.memref_slice %arg5[%mul3A_429] : memref<20480xi32, #tpu.memory_space<vmem>> -> memref<128xi32, #tpu.memory_space<vmem>>
        %dma_start3A_436 = arith.constant 0 : i32
        %dma_start3A_437 = arith.constant 0 : i32
        %dma_start3A_438 = tpu.memref_slice %arg3[%dma_start3A_436, %dma_start3A_437] : memref<36864x128xf32, #tpu.memory_space<hbm>> -> memref<36864x128xf32, #tpu.memory_space<hbm>>
        tpu.enqueue_indirect_dma source(%dma_start3A_438 : memref<36864x128xf32, #tpu.memory_space<hbm>>) target(%dma_start3A_434 : memref<128x128xf32, #tpu.memory_space<vmem>>) offsets(%dma_start3A_435 : memref<128xi32, #tpu.memory_space<vmem>>) semaphore(%arg7 : memref<!tpu.dma_semaphore, #tpu.memory_space<semaphore_mem>>)
        %dma_wait3A_439 = arith.constant 0 : i32
        %dma_wait3A_440 = arith.constant 0 : i32
        %dma_wait3A_441 = arith.constant 0 : i32
        %dma_wait3A_442 = tpu.memref_slice %arg6[%dma_wait3A_439, %dma_wait3A_440, %dma_wait3A_441] : memref<5x128x128xf32, #tpu.memory_space<vmem>> -> memref<1x128x128xf32, #tpu.memory_space<vmem>>
        %dma_wait3A_443 = tpu.memref_squeeze %dma_wait3A_442 : memref<1x128x128xf32, #tpu.memory_space<vmem>> -> memref<128x128xf32, #tpu.memory_space<vmem>>
        %dma_wait3A_444 = arith.constant 0 : i32
        %dma_wait3A_445 = arith.constant 0 : i32
        %dma_wait3A_446 = tpu.memref_slice %arg3[%dma_wait3A_444, %dma_wait3A_445] : memref<36864x128xf32, #tpu.memory_space<hbm>> -> memref<128x128xf32, #tpu.memory_space<hbm>>
        %dma_wait3A_447 = arith.constant 0 : i32
        %dma_wait3A_448 = arith.constant 0 : i32
        %dma_wait3A_449 = tpu.memref_slice %arg6[%dma_wait3A_439, %dma_wait3A_447, %dma_wait3A_448] : memref<5x128x128xf32, #tpu.memory_space<vmem>> -> memref<1x128x128xf32, #tpu.memory_space<vmem>>
        %dma_wait3A_450 = tpu.memref_squeeze %dma_wait3A_449 : memref<1x128x128xf32, #tpu.memory_space<vmem>> -> memref<128x128xf32, #tpu.memory_space<vmem>>
        %dma_wait3A_451 = arith.constant 0 : i32
        %dma_wait3A_452 = arith.constant 0 : i32
        %dma_wait3A_453 = tpu.memref_slice %arg3[%dma_wait3A_451, %dma_wait3A_452] : memref<36864x128xf32, #tpu.memory_space<hbm>> -> memref<128x128xf32, #tpu.memory_space<hbm>>
        tpu.wait_dma2 semaphore(%arg7 : memref<!tpu.dma_semaphore, #tpu.memory_space<semaphore_mem>>) src(%dma_wait3A_453 : memref<128x128xf32, #tpu.memory_space<hbm>>) dst(%dma_wait3A_450 : memref<128x128xf32, #tpu.memory_space<vmem>>)
        %add3A_454 = arith.constant 5 : i32
        %add3A_455 = arith.addi %add3A_211, %add3A_454 : i32
        %sub3A_456 = arith.constant 3 : i32
        %sub3A_457 = arith.subi %add3A_455, %sub3A_456 : i32
        %mul3A_458 = arith.constant 128 : i32
        %mul3A_459 = arith.muli %sub3A_457, %mul3A_458 : i32
        %dma_start3A_460 = arith.constant 2 : i32
        %dma_start3A_461 = arith.constant 0 : i32
        %dma_start3A_462 = arith.constant 0 : i32
        %dma_start3A_463 = tpu.memref_slice %arg6[%dma_start3A_460, %dma_start3A_461, %dma_start3A_462] : memref<5x128x128xf32, #tpu.memory_space<vmem>> -> memref<1x128x128xf32, #tpu.memory_space<vmem>>
        %dma_start3A_464 = tpu.memref_squeeze %dma_start3A_463 : memref<1x128x128xf32, #tpu.memory_space<vmem>> -> memref<128x128xf32, #tpu.memory_space<vmem>>
        %dma_start3A_465 = arith.constant 0 : i32
        %dma_start3A_466 = tpu.memref_slice %arg4[%mul3A_459, %dma_start3A_465] : memref<3276800x128xf32, #tpu.memory_space<hbm>> -> memref<128x128xf32, #tpu.memory_space<hbm>>
        %dma_start3A_467 = arith.constant 0 : i32
        %dma_start3A_468 = tpu.memref_slice %arg4[%mul3A_459, %dma_start3A_467] : memref<3276800x128xf32, #tpu.memory_space<hbm>> -> memref<128x128xf32, #tpu.memory_space<hbm>>
        %dma_start3A_469 = arith.constant 0 : i32
        %dma_start3A_470 = arith.constant 0 : i32
        %dma_start3A_471 = tpu.memref_slice %arg6[%dma_start3A_460, %dma_start3A_469, %dma_start3A_470] : memref<5x128x128xf32, #tpu.memory_space<vmem>> -> memref<1x128x128xf32, #tpu.memory_space<vmem>>
        %dma_start3A_472 = tpu.memref_squeeze %dma_start3A_471 : memref<1x128x128xf32, #tpu.memory_space<vmem>> -> memref<128x128xf32, #tpu.memory_space<vmem>>
        tpu.enqueue_dma source(%dma_start3A_472 : memref<128x128xf32, #tpu.memory_space<vmem>>) target(%dma_start3A_468 : memref<128x128xf32, #tpu.memory_space<hbm>>) target_semaphore(%arg8 : memref<!tpu.dma_semaphore, #tpu.memory_space<semaphore_mem>>)
        %dma_wait3A_473 = arith.constant 0 : i32
        %dma_wait3A_474 = arith.constant 0 : i32
        %dma_wait3A_475 = arith.constant 0 : i32
        %dma_wait3A_476 = tpu.memref_slice %arg6[%dma_wait3A_473, %dma_wait3A_474, %dma_wait3A_475] : memref<5x128x128xf32, #tpu.memory_space<vmem>> -> memref<1x128x128xf32, #tpu.memory_space<vmem>>
        %dma_wait3A_477 = tpu.memref_squeeze %dma_wait3A_476 : memref<1x128x128xf32, #tpu.memory_space<vmem>> -> memref<128x128xf32, #tpu.memory_space<vmem>>
        %dma_wait3A_478 = arith.constant 0 : i32
        %dma_wait3A_479 = arith.constant 0 : i32
        %dma_wait3A_480 = tpu.memref_slice %arg4[%dma_wait3A_478, %dma_wait3A_479] : memref<3276800x128xf32, #tpu.memory_space<hbm>> -> memref<128x128xf32, #tpu.memory_space<hbm>>
        %dma_wait3A_481 = arith.constant 0 : i32
        %dma_wait3A_482 = arith.constant 0 : i32
        %dma_wait3A_483 = tpu.memref_slice %arg4[%dma_wait3A_481, %dma_wait3A_482] : memref<3276800x128xf32, #tpu.memory_space<hbm>> -> memref<128x128xf32, #tpu.memory_space<hbm>>
        %dma_wait3A_484 = arith.constant 0 : i32
        %dma_wait3A_485 = arith.constant 0 : i32
        %dma_wait3A_486 = tpu.memref_slice %arg6[%dma_wait3A_473, %dma_wait3A_484, %dma_wait3A_485] : memref<5x128x128xf32, #tpu.memory_space<vmem>> -> memref<1x128x128xf32, #tpu.memory_space<vmem>>
        %dma_wait3A_487 = tpu.memref_squeeze %dma_wait3A_486 : memref<1x128x128xf32, #tpu.memory_space<vmem>> -> memref<128x128xf32, #tpu.memory_space<vmem>>
        tpu.wait_dma2 semaphore(%arg8 : memref<!tpu.dma_semaphore, #tpu.memory_space<semaphore_mem>>) src(%dma_wait3A_487 : memref<128x128xf32, #tpu.memory_space<vmem>>) dst(%dma_wait3A_483 : memref<128x128xf32, #tpu.memory_space<hbm>>)
        %mul3A_488 = arith.constant 20 : i32
        %mul3A_489 = arith.muli %add3A_208, %mul3A_488 : i32
        %add3A_490 = arith.constant 6 : i32
        %add3A_491 = arith.addi %mul3A_489, %add3A_490 : i32
        %mul3A_492 = arith.constant 128 : i32
        %mul3A_493 = arith.muli %add3A_491, %mul3A_492 : i32
        %dma_start3A_494 = arith.constant 1 : i32
        %dma_start3A_495 = arith.constant 0 : i32
        %dma_start3A_496 = arith.constant 0 : i32
        %dma_start3A_497 = tpu.memref_slice %arg6[%dma_start3A_494, %dma_start3A_495, %dma_start3A_496] : memref<5x128x128xf32, #tpu.memory_space<vmem>> -> memref<1x128x128xf32, #tpu.memory_space<vmem>>
        %dma_start3A_498 = tpu.memref_squeeze %dma_start3A_497 : memref<1x128x128xf32, #tpu.memory_space<vmem>> -> memref<128x128xf32, #tpu.memory_space<vmem>>
        %dma_start3A_499 = tpu.memref_slice %arg5[%mul3A_493] : memref<20480xi32, #tpu.memory_space<vmem>> -> memref<128xi32, #tpu.memory_space<vmem>>
        %dma_start3A_500 = arith.constant 0 : i32
        %dma_start3A_501 = arith.constant 0 : i32
        %dma_start3A_502 = tpu.memref_slice %arg3[%dma_start3A_500, %dma_start3A_501] : memref<36864x128xf32, #tpu.memory_space<hbm>> -> memref<36864x128xf32, #tpu.memory_space<hbm>>
        tpu.enqueue_indirect_dma source(%dma_start3A_502 : memref<36864x128xf32, #tpu.memory_space<hbm>>) target(%dma_start3A_498 : memref<128x128xf32, #tpu.memory_space<vmem>>) offsets(%dma_start3A_499 : memref<128xi32, #tpu.memory_space<vmem>>) semaphore(%arg7 : memref<!tpu.dma_semaphore, #tpu.memory_space<semaphore_mem>>)
        %dma_wait3A_503 = arith.constant 0 : i32
        %dma_wait3A_504 = arith.constant 0 : i32
        %dma_wait3A_505 = arith.constant 0 : i32
        %dma_wait3A_506 = tpu.memref_slice %arg6[%dma_wait3A_503, %dma_wait3A_504, %dma_wait3A_505] : memref<5x128x128xf32, #tpu.memory_space<vmem>> -> memref<1x128x128xf32, #tpu.memory_space<vmem>>
        %dma_wait3A_507 = tpu.memref_squeeze %dma_wait3A_506 : memref<1x128x128xf32, #tpu.memory_space<vmem>> -> memref<128x128xf32, #tpu.memory_space<vmem>>
        %dma_wait3A_508 = arith.constant 0 : i32
        %dma_wait3A_509 = arith.constant 0 : i32
        %dma_wait3A_510 = tpu.memref_slice %arg3[%dma_wait3A_508, %dma_wait3A_509] : memref<36864x128xf32, #tpu.memory_space<hbm>> -> memref<128x128xf32, #tpu.memory_space<hbm>>
        %dma_wait3A_511 = arith.constant 0 : i32
        %dma_wait3A_512 = arith.constant 0 : i32
        %dma_wait3A_513 = tpu.memref_slice %arg6[%dma_wait3A_503, %dma_wait3A_511, %dma_wait3A_512] : memref<5x128x128xf32, #tpu.memory_space<vmem>> -> memref<1x128x128xf32, #tpu.memory_space<vmem>>
        %dma_wait3A_514 = tpu.memref_squeeze %dma_wait3A_513 : memref<1x128x128xf32, #tpu.memory_space<vmem>> -> memref<128x128xf32, #tpu.memory_space<vmem>>
        %dma_wait3A_515 = arith.constant 0 : i32
        %dma_wait3A_516 = arith.constant 0 : i32
        %dma_wait3A_517 = tpu.memref_slice %arg3[%dma_wait3A_515, %dma_wait3A_516] : memref<36864x128xf32, #tpu.memory_space<hbm>> -> memref<128x128xf32, #tpu.memory_space<hbm>>
        tpu.wait_dma2 semaphore(%arg7 : memref<!tpu.dma_semaphore, #tpu.memory_space<semaphore_mem>>) src(%dma_wait3A_517 : memref<128x128xf32, #tpu.memory_space<hbm>>) dst(%dma_wait3A_514 : memref<128x128xf32, #tpu.memory_space<vmem>>)
        %add3A_518 = arith.constant 6 : i32
        %add3A_519 = arith.addi %add3A_211, %add3A_518 : i32
        %sub3A_520 = arith.constant 3 : i32
        %sub3A_521 = arith.subi %add3A_519, %sub3A_520 : i32
        %mul3A_522 = arith.constant 128 : i32
        %mul3A_523 = arith.muli %sub3A_521, %mul3A_522 : i32
        %dma_start3A_524 = arith.constant 3 : i32
        %dma_start3A_525 = arith.constant 0 : i32
        %dma_start3A_526 = arith.constant 0 : i32
        %dma_start3A_527 = tpu.memref_slice %arg6[%dma_start3A_524, %dma_start3A_525, %dma_start3A_526] : memref<5x128x128xf32, #tpu.memory_space<vmem>> -> memref<1x128x128xf32, #tpu.memory_space<vmem>>
        %dma_start3A_528 = tpu.memref_squeeze %dma_start3A_527 : memref<1x128x128xf32, #tpu.memory_space<vmem>> -> memref<128x128xf32, #tpu.memory_space<vmem>>
        %dma_start3A_529 = arith.constant 0 : i32
        %dma_start3A_530 = tpu.memref_slice %arg4[%mul3A_523, %dma_start3A_529] : memref<3276800x128xf32, #tpu.memory_space<hbm>> -> memref<128x128xf32, #tpu.memory_space<hbm>>
        %dma_start3A_531 = arith.constant 0 : i32
        %dma_start3A_532 = tpu.memref_slice %arg4[%mul3A_523, %dma_start3A_531] : memref<3276800x128xf32, #tpu.memory_space<hbm>> -> memref<128x128xf32, #tpu.memory_space<hbm>>
        %dma_start3A_533 = arith.constant 0 : i32
        %dma_start3A_534 = arith.constant 0 : i32
        %dma_start3A_535 = tpu.memref_slice %arg6[%dma_start3A_524, %dma_start3A_533, %dma_start3A_534] : memref<5x128x128xf32, #tpu.memory_space<vmem>> -> memref<1x128x128xf32, #tpu.memory_space<vmem>>
        %dma_start3A_536 = tpu.memref_squeeze %dma_start3A_535 : memref<1x128x128xf32, #tpu.memory_space<vmem>> -> memref<128x128xf32, #tpu.memory_space<vmem>>
        tpu.enqueue_dma source(%dma_start3A_536 : memref<128x128xf32, #tpu.memory_space<vmem>>) target(%dma_start3A_532 : memref<128x128xf32, #tpu.memory_space<hbm>>) target_semaphore(%arg8 : memref<!tpu.dma_semaphore, #tpu.memory_space<semaphore_mem>>)
        %dma_wait3A_537 = arith.constant 0 : i32
        %dma_wait3A_538 = arith.constant 0 : i32
        %dma_wait3A_539 = arith.constant 0 : i32
        %dma_wait3A_540 = tpu.memref_slice %arg6[%dma_wait3A_537, %dma_wait3A_538, %dma_wait3A_539] : memref<5x128x128xf32, #tpu.memory_space<vmem>> -> memref<1x128x128xf32, #tpu.memory_space<vmem>>
        %dma_wait3A_541 = tpu.memref_squeeze %dma_wait3A_540 : memref<1x128x128xf32, #tpu.memory_space<vmem>> -> memref<128x128xf32, #tpu.memory_space<vmem>>
        %dma_wait3A_542 = arith.constant 0 : i32
        %dma_wait3A_543 = arith.constant 0 : i32
        %dma_wait3A_544 = tpu.memref_slice %arg4[%dma_wait3A_542, %dma_wait3A_543] : memref<3276800x128xf32, #tpu.memory_space<hbm>> -> memref<128x128xf32, #tpu.memory_space<hbm>>
        %dma_wait3A_545 = arith.constant 0 : i32
        %dma_wait3A_546 = arith.constant 0 : i32
        %dma_wait3A_547 = tpu.memref_slice %arg4[%dma_wait3A_545, %dma_wait3A_546] : memref<3276800x128xf32, #tpu.memory_space<hbm>> -> memref<128x128xf32, #tpu.memory_space<hbm>>
        %dma_wait3A_548 = arith.constant 0 : i32
        %dma_wait3A_549 = arith.constant 0 : i32
        %dma_wait3A_550 = tpu.memref_slice %arg6[%dma_wait3A_537, %dma_wait3A_548, %dma_wait3A_549] : memref<5x128x128xf32, #tpu.memory_space<vmem>> -> memref<1x128x128xf32, #tpu.memory_space<vmem>>
        %dma_wait3A_551 = tpu.memref_squeeze %dma_wait3A_550 : memref<1x128x128xf32, #tpu.memory_space<vmem>> -> memref<128x128xf32, #tpu.memory_space<vmem>>
        tpu.wait_dma2 semaphore(%arg8 : memref<!tpu.dma_semaphore, #tpu.memory_space<semaphore_mem>>) src(%dma_wait3A_551 : memref<128x128xf32, #tpu.memory_space<vmem>>) dst(%dma_wait3A_547 : memref<128x128xf32, #tpu.memory_space<hbm>>)
        %mul3A_552 = arith.constant 20 : i32
        %mul3A_553 = arith.muli %add3A_208, %mul3A_552 : i32
        %add3A_554 = arith.constant 7 : i32
        %add3A_555 = arith.addi %mul3A_553, %add3A_554 : i32
        %mul3A_556 = arith.constant 128 : i32
        %mul3A_557 = arith.muli %add3A_555, %mul3A_556 : i32
        %dma_start3A_558 = arith.constant 2 : i32
        %dma_start3A_559 = arith.constant 0 : i32
        %dma_start3A_560 = arith.constant 0 : i32
        %dma_start3A_561 = tpu.memref_slice %arg6[%dma_start3A_558, %dma_start3A_559, %dma_start3A_560] : memref<5x128x128xf32, #tpu.memory_space<vmem>> -> memref<1x128x128xf32, #tpu.memory_space<vmem>>
        %dma_start3A_562 = tpu.memref_squeeze %dma_start3A_561 : memref<1x128x128xf32, #tpu.memory_space<vmem>> -> memref<128x128xf32, #tpu.memory_space<vmem>>
        %dma_start3A_563 = tpu.memref_slice %arg5[%mul3A_557] : memref<20480xi32, #tpu.memory_space<vmem>> -> memref<128xi32, #tpu.memory_space<vmem>>
        %dma_start3A_564 = arith.constant 0 : i32
        %dma_start3A_565 = arith.constant 0 : i32
        %dma_start3A_566 = tpu.memref_slice %arg3[%dma_start3A_564, %dma_start3A_565] : memref<36864x128xf32, #tpu.memory_space<hbm>> -> memref<36864x128xf32, #tpu.memory_space<hbm>>
        tpu.enqueue_indirect_dma source(%dma_start3A_566 : memref<36864x128xf32, #tpu.memory_space<hbm>>) target(%dma_start3A_562 : memref<128x128xf32, #tpu.memory_space<vmem>>) offsets(%dma_start3A_563 : memref<128xi32, #tpu.memory_space<vmem>>) semaphore(%arg7 : memref<!tpu.dma_semaphore, #tpu.memory_space<semaphore_mem>>)
        %dma_wait3A_567 = arith.constant 0 : i32
        %dma_wait3A_568 = arith.constant 0 : i32
        %dma_wait3A_569 = arith.constant 0 : i32
        %dma_wait3A_570 = tpu.memref_slice %arg6[%dma_wait3A_567, %dma_wait3A_568, %dma_wait3A_569] : memref<5x128x128xf32, #tpu.memory_space<vmem>> -> memref<1x128x128xf32, #tpu.memory_space<vmem>>
        %dma_wait3A_571 = tpu.memref_squeeze %dma_wait3A_570 : memref<1x128x128xf32, #tpu.memory_space<vmem>> -> memref<128x128xf32, #tpu.memory_space<vmem>>
        %dma_wait3A_572 = arith.constant 0 : i32
        %dma_wait3A_573 = arith.constant 0 : i32
        %dma_wait3A_574 = tpu.memref_slice %arg3[%dma_wait3A_572, %dma_wait3A_573] : memref<36864x128xf32, #tpu.memory_space<hbm>> -> memref<128x128xf32, #tpu.memory_space<hbm>>
        %dma_wait3A_575 = arith.constant 0 : i32
        %dma_wait3A_576 = arith.constant 0 : i32
        %dma_wait3A_577 = tpu.memref_slice %arg6[%dma_wait3A_567, %dma_wait3A_575, %dma_wait3A_576] : memref<5x128x128xf32, #tpu.memory_space<vmem>> -> memref<1x128x128xf32, #tpu.memory_space<vmem>>
        %dma_wait3A_578 = tpu.memref_squeeze %dma_wait3A_577 : memref<1x128x128xf32, #tpu.memory_space<vmem>> -> memref<128x128xf32, #tpu.memory_space<vmem>>
        %dma_wait3A_579 = arith.constant 0 : i32
        %dma_wait3A_580 = arith.constant 0 : i32
        %dma_wait3A_581 = tpu.memref_slice %arg3[%dma_wait3A_579, %dma_wait3A_580] : memref<36864x128xf32, #tpu.memory_space<hbm>> -> memref<128x128xf32, #tpu.memory_space<hbm>>
        tpu.wait_dma2 semaphore(%arg7 : memref<!tpu.dma_semaphore, #tpu.memory_space<semaphore_mem>>) src(%dma_wait3A_581 : memref<128x128xf32, #tpu.memory_space<hbm>>) dst(%dma_wait3A_578 : memref<128x128xf32, #tpu.memory_space<vmem>>)
        %add3A_582 = arith.constant 7 : i32
        %add3A_583 = arith.addi %add3A_211, %add3A_582 : i32
        %sub3A_584 = arith.constant 3 : i32
        %sub3A_585 = arith.subi %add3A_583, %sub3A_584 : i32
        %mul3A_586 = arith.constant 128 : i32
        %mul3A_587 = arith.muli %sub3A_585, %mul3A_586 : i32
        %dma_start3A_588 = arith.constant 4 : i32
        %dma_start3A_589 = arith.constant 0 : i32
        %dma_start3A_590 = arith.constant 0 : i32
        %dma_start3A_591 = tpu.memref_slice %arg6[%dma_start3A_588, %dma_start3A_589, %dma_start3A_590] : memref<5x128x128xf32, #tpu.memory_space<vmem>> -> memref<1x128x128xf32, #tpu.memory_space<vmem>>
        %dma_start3A_592 = tpu.memref_squeeze %dma_start3A_591 : memref<1x128x128xf32, #tpu.memory_space<vmem>> -> memref<128x128xf32, #tpu.memory_space<vmem>>
        %dma_start3A_593 = arith.constant 0 : i32
        %dma_start3A_594 = tpu.memref_slice %arg4[%mul3A_587, %dma_start3A_593] : memref<3276800x128xf32, #tpu.memory_space<hbm>> -> memref<128x128xf32, #tpu.memory_space<hbm>>
        %dma_start3A_595 = arith.constant 0 : i32
        %dma_start3A_596 = tpu.memref_slice %arg4[%mul3A_587, %dma_start3A_595] : memref<3276800x128xf32, #tpu.memory_space<hbm>> -> memref<128x128xf32, #tpu.memory_space<hbm>>
        %dma_start3A_597 = arith.constant 0 : i32
        %dma_start3A_598 = arith.constant 0 : i32
        %dma_start3A_599 = tpu.memref_slice %arg6[%dma_start3A_588, %dma_start3A_597, %dma_start3A_598] : memref<5x128x128xf32, #tpu.memory_space<vmem>> -> memref<1x128x128xf32, #tpu.memory_space<vmem>>
        %dma_start3A_600 = tpu.memref_squeeze %dma_start3A_599 : memref<1x128x128xf32, #tpu.memory_space<vmem>> -> memref<128x128xf32, #tpu.memory_space<vmem>>
        tpu.enqueue_dma source(%dma_start3A_600 : memref<128x128xf32, #tpu.memory_space<vmem>>) target(%dma_start3A_596 : memref<128x128xf32, #tpu.memory_space<hbm>>) target_semaphore(%arg8 : memref<!tpu.dma_semaphore, #tpu.memory_space<semaphore_mem>>)
        %dma_wait3A_601 = arith.constant 0 : i32
        %dma_wait3A_602 = arith.constant 0 : i32
        %dma_wait3A_603 = arith.constant 0 : i32
        %dma_wait3A_604 = tpu.memref_slice %arg6[%dma_wait3A_601, %dma_wait3A_602, %dma_wait3A_603] : memref<5x128x128xf32, #tpu.memory_space<vmem>> -> memref<1x128x128xf32, #tpu.memory_space<vmem>>
        %dma_wait3A_605 = tpu.memref_squeeze %dma_wait3A_604 : memref<1x128x128xf32, #tpu.memory_space<vmem>> -> memref<128x128xf32, #tpu.memory_space<vmem>>
        %dma_wait3A_606 = arith.constant 0 : i32
        %dma_wait3A_607 = arith.constant 0 : i32
        %dma_wait3A_608 = tpu.memref_slice %arg4[%dma_wait3A_606, %dma_wait3A_607] : memref<3276800x128xf32, #tpu.memory_space<hbm>> -> memref<128x128xf32, #tpu.memory_space<hbm>>
        %dma_wait3A_609 = arith.constant 0 : i32
        %dma_wait3A_610 = arith.constant 0 : i32
        %dma_wait3A_611 = tpu.memref_slice %arg4[%dma_wait3A_609, %dma_wait3A_610] : memref<3276800x128xf32, #tpu.memory_space<hbm>> -> memref<128x128xf32, #tpu.memory_space<hbm>>
        %dma_wait3A_612 = arith.constant 0 : i32
        %dma_wait3A_613 = arith.constant 0 : i32
        %dma_wait3A_614 = tpu.memref_slice %arg6[%dma_wait3A_601, %dma_wait3A_612, %dma_wait3A_613] : memref<5x128x128xf32, #tpu.memory_space<vmem>> -> memref<1x128x128xf32, #tpu.memory_space<vmem>>
        %dma_wait3A_615 = tpu.memref_squeeze %dma_wait3A_614 : memref<1x128x128xf32, #tpu.memory_space<vmem>> -> memref<128x128xf32, #tpu.memory_space<vmem>>
        tpu.wait_dma2 semaphore(%arg8 : memref<!tpu.dma_semaphore, #tpu.memory_space<semaphore_mem>>) src(%dma_wait3A_615 : memref<128x128xf32, #tpu.memory_space<vmem>>) dst(%dma_wait3A_611 : memref<128x128xf32, #tpu.memory_space<hbm>>)
        %mul3A_616 = arith.constant 20 : i32
        %mul3A_617 = arith.muli %add3A_208, %mul3A_616 : i32
        %add3A_618 = arith.constant 8 : i32
        %add3A_619 = arith.addi %mul3A_617, %add3A_618 : i32
        %mul3A_620 = arith.constant 128 : i32
        %mul3A_621 = arith.muli %add3A_619, %mul3A_620 : i32
        %dma_start3A_622 = arith.constant 3 : i32
        %dma_start3A_623 = arith.constant 0 : i32
        %dma_start3A_624 = arith.constant 0 : i32
        %dma_start3A_625 = tpu.memref_slice %arg6[%dma_start3A_622, %dma_start3A_623, %dma_start3A_624] : memref<5x128x128xf32, #tpu.memory_space<vmem>> -> memref<1x128x128xf32, #tpu.memory_space<vmem>>
        %dma_start3A_626 = tpu.memref_squeeze %dma_start3A_625 : memref<1x128x128xf32, #tpu.memory_space<vmem>> -> memref<128x128xf32, #tpu.memory_space<vmem>>
        %dma_start3A_627 = tpu.memref_slice %arg5[%mul3A_621] : memref<20480xi32, #tpu.memory_space<vmem>> -> memref<128xi32, #tpu.memory_space<vmem>>
        %dma_start3A_628 = arith.constant 0 : i32
        %dma_start3A_629 = arith.constant 0 : i32
        %dma_start3A_630 = tpu.memref_slice %arg3[%dma_start3A_628, %dma_start3A_629] : memref<36864x128xf32, #tpu.memory_space<hbm>> -> memref<36864x128xf32, #tpu.memory_space<hbm>>
        tpu.enqueue_indirect_dma source(%dma_start3A_630 : memref<36864x128xf32, #tpu.memory_space<hbm>>) target(%dma_start3A_626 : memref<128x128xf32, #tpu.memory_space<vmem>>) offsets(%dma_start3A_627 : memref<128xi32, #tpu.memory_space<vmem>>) semaphore(%arg7 : memref<!tpu.dma_semaphore, #tpu.memory_space<semaphore_mem>>)
        %dma_wait3A_631 = arith.constant 0 : i32
        %dma_wait3A_632 = arith.constant 0 : i32
        %dma_wait3A_633 = arith.constant 0 : i32
        %dma_wait3A_634 = tpu.memref_slice %arg6[%dma_wait3A_631, %dma_wait3A_632, %dma_wait3A_633] : memref<5x128x128xf32, #tpu.memory_space<vmem>> -> memref<1x128x128xf32, #tpu.memory_space<vmem>>
        %dma_wait3A_635 = tpu.memref_squeeze %dma_wait3A_634 : memref<1x128x128xf32, #tpu.memory_space<vmem>> -> memref<128x128xf32, #tpu.memory_space<vmem>>
        %dma_wait3A_636 = arith.constant 0 : i32
        %dma_wait3A_637 = arith.constant 0 : i32
        %dma_wait3A_638 = tpu.memref_slice %arg3[%dma_wait3A_636, %dma_wait3A_637] : memref<36864x128xf32, #tpu.memory_space<hbm>> -> memref<128x128xf32, #tpu.memory_space<hbm>>
        %dma_wait3A_639 = arith.constant 0 : i32
        %dma_wait3A_640 = arith.constant 0 : i32
        %dma_wait3A_641 = tpu.memref_slice %arg6[%dma_wait3A_631, %dma_wait3A_639, %dma_wait3A_640] : memref<5x128x128xf32, #tpu.memory_space<vmem>> -> memref<1x128x128xf32, #tpu.memory_space<vmem>>
        %dma_wait3A_642 = tpu.memref_squeeze %dma_wait3A_641 : memref<1x128x128xf32, #tpu.memory_space<vmem>> -> memref<128x128xf32, #tpu.memory_space<vmem>>
        %dma_wait3A_643 = arith.constant 0 : i32
        %dma_wait3A_644 = arith.constant 0 : i32
        %dma_wait3A_645 = tpu.memref_slice %arg3[%dma_wait3A_643, %dma_wait3A_644] : memref<36864x128xf32, #tpu.memory_space<hbm>> -> memref<128x128xf32, #tpu.memory_space<hbm>>
        tpu.wait_dma2 semaphore(%arg7 : memref<!tpu.dma_semaphore, #tpu.memory_space<semaphore_mem>>) src(%dma_wait3A_645 : memref<128x128xf32, #tpu.memory_space<hbm>>) dst(%dma_wait3A_642 : memref<128x128xf32, #tpu.memory_space<vmem>>)
        %add3A_646 = arith.constant 8 : i32
        %add3A_647 = arith.addi %add3A_211, %add3A_646 : i32
        %sub3A_648 = arith.constant 3 : i32
        %sub3A_649 = arith.subi %add3A_647, %sub3A_648 : i32
        %mul3A_650 = arith.constant 128 : i32
        %mul3A_651 = arith.muli %sub3A_649, %mul3A_650 : i32
        %dma_start3A_652 = arith.constant 0 : i32
        %dma_start3A_653 = arith.constant 0 : i32
        %dma_start3A_654 = arith.constant 0 : i32
        %dma_start3A_655 = tpu.memref_slice %arg6[%dma_start3A_652, %dma_start3A_653, %dma_start3A_654] : memref<5x128x128xf32, #tpu.memory_space<vmem>> -> memref<1x128x128xf32, #tpu.memory_space<vmem>>
        %dma_start3A_656 = tpu.memref_squeeze %dma_start3A_655 : memref<1x128x128xf32, #tpu.memory_space<vmem>> -> memref<128x128xf32, #tpu.memory_space<vmem>>
        %dma_start3A_657 = arith.constant 0 : i32
        %dma_start3A_658 = tpu.memref_slice %arg4[%mul3A_651, %dma_start3A_657] : memref<3276800x128xf32, #tpu.memory_space<hbm>> -> memref<128x128xf32, #tpu.memory_space<hbm>>
        %dma_start3A_659 = arith.constant 0 : i32
        %dma_start3A_660 = tpu.memref_slice %arg4[%mul3A_651, %dma_start3A_659] : memref<3276800x128xf32, #tpu.memory_space<hbm>> -> memref<128x128xf32, #tpu.memory_space<hbm>>
        %dma_start3A_661 = arith.constant 0 : i32
        %dma_start3A_662 = arith.constant 0 : i32
        %dma_start3A_663 = tpu.memref_slice %arg6[%dma_start3A_652, %dma_start3A_661, %dma_start3A_662] : memref<5x128x128xf32, #tpu.memory_space<vmem>> -> memref<1x128x128xf32, #tpu.memory_space<vmem>>
        %dma_start3A_664 = tpu.memref_squeeze %dma_start3A_663 : memref<1x128x128xf32, #tpu.memory_space<vmem>> -> memref<128x128xf32, #tpu.memory_space<vmem>>
        tpu.enqueue_dma source(%dma_start3A_664 : memref<128x128xf32, #tpu.memory_space<vmem>>) target(%dma_start3A_660 : memref<128x128xf32, #tpu.memory_space<hbm>>) target_semaphore(%arg8 : memref<!tpu.dma_semaphore, #tpu.memory_space<semaphore_mem>>)
        %dma_wait3A_665 = arith.constant 0 : i32
        %dma_wait3A_666 = arith.constant 0 : i32
        %dma_wait3A_667 = arith.constant 0 : i32
        %dma_wait3A_668 = tpu.memref_slice %arg6[%dma_wait3A_665, %dma_wait3A_666, %dma_wait3A_667] : memref<5x128x128xf32, #tpu.memory_space<vmem>> -> memref<1x128x128xf32, #tpu.memory_space<vmem>>
        %dma_wait3A_669 = tpu.memref_squeeze %dma_wait3A_668 : memref<1x128x128xf32, #tpu.memory_space<vmem>> -> memref<128x128xf32, #tpu.memory_space<vmem>>
        %dma_wait3A_670 = arith.constant 0 : i32
        %dma_wait3A_671 = arith.constant 0 : i32
        %dma_wait3A_672 = tpu.memref_slice %arg4[%dma_wait3A_670, %dma_wait3A_671] : memref<3276800x128xf32, #tpu.memory_space<hbm>> -> memref<128x128xf32, #tpu.memory_space<hbm>>
        %dma_wait3A_673 = arith.constant 0 : i32
        %dma_wait3A_674 = arith.constant 0 : i32
        %dma_wait3A_675 = tpu.memref_slice %arg4[%dma_wait3A_673, %dma_wait3A_674] : memref<3276800x128xf32, #tpu.memory_space<hbm>> -> memref<128x128xf32, #tpu.memory_space<hbm>>
        %dma_wait3A_676 = arith.constant 0 : i32
        %dma_wait3A_677 = arith.constant 0 : i32
        %dma_wait3A_678 = tpu.memref_slice %arg6[%dma_wait3A_665, %dma_wait3A_676, %dma_wait3A_677] : memref<5x128x128xf32, #tpu.memory_space<vmem>> -> memref<1x128x128xf32, #tpu.memory_space<vmem>>
        %dma_wait3A_679 = tpu.memref_squeeze %dma_wait3A_678 : memref<1x128x128xf32, #tpu.memory_space<vmem>> -> memref<128x128xf32, #tpu.memory_space<vmem>>
        tpu.wait_dma2 semaphore(%arg8 : memref<!tpu.dma_semaphore, #tpu.memory_space<semaphore_mem>>) src(%dma_wait3A_679 : memref<128x128xf32, #tpu.memory_space<vmem>>) dst(%dma_wait3A_675 : memref<128x128xf32, #tpu.memory_space<hbm>>)
        %mul3A_680 = arith.constant 20 : i32
        %mul3A_681 = arith.muli %add3A_208, %mul3A_680 : i32
        %add3A_682 = arith.constant 9 : i32
        %add3A_683 = arith.addi %mul3A_681, %add3A_682 : i32
        %mul3A_684 = arith.constant 128 : i32
        %mul3A_685 = arith.muli %add3A_683, %mul3A_684 : i32
        %dma_start3A_686 = arith.constant 4 : i32
        %dma_start3A_687 = arith.constant 0 : i32
        %dma_start3A_688 = arith.constant 0 : i32
        %dma_start3A_689 = tpu.memref_slice %arg6[%dma_start3A_686, %dma_start3A_687, %dma_start3A_688] : memref<5x128x128xf32, #tpu.memory_space<vmem>> -> memref<1x128x128xf32, #tpu.memory_space<vmem>>
        %dma_start3A_690 = tpu.memref_squeeze %dma_start3A_689 : memref<1x128x128xf32, #tpu.memory_space<vmem>> -> memref<128x128xf32, #tpu.memory_space<vmem>>
        %dma_start3A_691 = tpu.memref_slice %arg5[%mul3A_685] : memref<20480xi32, #tpu.memory_space<vmem>> -> memref<128xi32, #tpu.memory_space<vmem>>
        %dma_start3A_692 = arith.constant 0 : i32
        %dma_start3A_693 = arith.constant 0 : i32
        %dma_start3A_694 = tpu.memref_slice %arg3[%dma_start3A_692, %dma_start3A_693] : memref<36864x128xf32, #tpu.memory_space<hbm>> -> memref<36864x128xf32, #tpu.memory_space<hbm>>
        tpu.enqueue_indirect_dma source(%dma_start3A_694 : memref<36864x128xf32, #tpu.memory_space<hbm>>) target(%dma_start3A_690 : memref<128x128xf32, #tpu.memory_space<vmem>>) offsets(%dma_start3A_691 : memref<128xi32, #tpu.memory_space<vmem>>) semaphore(%arg7 : memref<!tpu.dma_semaphore, #tpu.memory_space<semaphore_mem>>)
        %dma_wait3A_695 = arith.constant 0 : i32
        %dma_wait3A_696 = arith.constant 0 : i32
        %dma_wait3A_697 = arith.constant 0 : i32
        %dma_wait3A_698 = tpu.memref_slice %arg6[%dma_wait3A_695, %dma_wait3A_696, %dma_wait3A_697] : memref<5x128x128xf32, #tpu.memory_space<vmem>> -> memref<1x128x128xf32, #tpu.memory_space<vmem>>
        %dma_wait3A_699 = tpu.memref_squeeze %dma_wait3A_698 : memref<1x128x128xf32, #tpu.memory_space<vmem>> -> memref<128x128xf32, #tpu.memory_space<vmem>>
        %dma_wait3A_700 = arith.constant 0 : i32
        %dma_wait3A_701 = arith.constant 0 : i32
        %dma_wait3A_702 = tpu.memref_slice %arg3[%dma_wait3A_700, %dma_wait3A_701] : memref<36864x128xf32, #tpu.memory_space<hbm>> -> memref<128x128xf32, #tpu.memory_space<hbm>>
        %dma_wait3A_703 = arith.constant 0 : i32
        %dma_wait3A_704 = arith.constant 0 : i32
        %dma_wait3A_705 = tpu.memref_slice %arg6[%dma_wait3A_695, %dma_wait3A_703, %dma_wait3A_704] : memref<5x128x128xf32, #tpu.memory_space<vmem>> -> memref<1x128x128xf32, #tpu.memory_space<vmem>>
        %dma_wait3A_706 = tpu.memref_squeeze %dma_wait3A_705 : memref<1x128x128xf32, #tpu.memory_space<vmem>> -> memref<128x128xf32, #tpu.memory_space<vmem>>
        %dma_wait3A_707 = arith.constant 0 : i32
        %dma_wait3A_708 = arith.constant 0 : i32
        %dma_wait3A_709 = tpu.memref_slice %arg3[%dma_wait3A_707, %dma_wait3A_708] : memref<36864x128xf32, #tpu.memory_space<hbm>> -> memref<128x128xf32, #tpu.memory_space<hbm>>
        tpu.wait_dma2 semaphore(%arg7 : memref<!tpu.dma_semaphore, #tpu.memory_space<semaphore_mem>>) src(%dma_wait3A_709 : memref<128x128xf32, #tpu.memory_space<hbm>>) dst(%dma_wait3A_706 : memref<128x128xf32, #tpu.memory_space<vmem>>)
        %add3A_710 = arith.constant 9 : i32
        %add3A_711 = arith.addi %add3A_211, %add3A_710 : i32
        %sub3A_712 = arith.constant 3 : i32
        %sub3A_713 = arith.subi %add3A_711, %sub3A_712 : i32
        %mul3A_714 = arith.constant 128 : i32
        %mul3A_715 = arith.muli %sub3A_713, %mul3A_714 : i32
        %dma_start3A_716 = arith.constant 1 : i32
        %dma_start3A_717 = arith.constant 0 : i32
        %dma_start3A_718 = arith.constant 0 : i32
        %dma_start3A_719 = tpu.memref_slice %arg6[%dma_start3A_716, %dma_start3A_717, %dma_start3A_718] : memref<5x128x128xf32, #tpu.memory_space<vmem>> -> memref<1x128x128xf32, #tpu.memory_space<vmem>>
        %dma_start3A_720 = tpu.memref_squeeze %dma_start3A_719 : memref<1x128x128xf32, #tpu.memory_space<vmem>> -> memref<128x128xf32, #tpu.memory_space<vmem>>
        %dma_start3A_721 = arith.constant 0 : i32
        %dma_start3A_722 = tpu.memref_slice %arg4[%mul3A_715, %dma_start3A_721] : memref<3276800x128xf32, #tpu.memory_space<hbm>> -> memref<128x128xf32, #tpu.memory_space<hbm>>
        %dma_start3A_723 = arith.constant 0 : i32
        %dma_start3A_724 = tpu.memref_slice %arg4[%mul3A_715, %dma_start3A_723] : memref<3276800x128xf32, #tpu.memory_space<hbm>> -> memref<128x128xf32, #tpu.memory_space<hbm>>
        %dma_start3A_725 = arith.constant 0 : i32
        %dma_start3A_726 = arith.constant 0 : i32
        %dma_start3A_727 = tpu.memref_slice %arg6[%dma_start3A_716, %dma_start3A_725, %dma_start3A_726] : memref<5x128x128xf32, #tpu.memory_space<vmem>> -> memref<1x128x128xf32, #tpu.memory_space<vmem>>
        %dma_start3A_728 = tpu.memref_squeeze %dma_start3A_727 : memref<1x128x128xf32, #tpu.memory_space<vmem>> -> memref<128x128xf32, #tpu.memory_space<vmem>>
        tpu.enqueue_dma source(%dma_start3A_728 : memref<128x128xf32, #tpu.memory_space<vmem>>) target(%dma_start3A_724 : memref<128x128xf32, #tpu.memory_space<hbm>>) target_semaphore(%arg8 : memref<!tpu.dma_semaphore, #tpu.memory_space<semaphore_mem>>)
        %dma_wait3A_729 = arith.constant 0 : i32
        %dma_wait3A_730 = arith.constant 0 : i32
        %dma_wait3A_731 = arith.constant 0 : i32
        %dma_wait3A_732 = tpu.memref_slice %arg6[%dma_wait3A_729, %dma_wait3A_730, %dma_wait3A_731] : memref<5x128x128xf32, #tpu.memory_space<vmem>> -> memref<1x128x128xf32, #tpu.memory_space<vmem>>
        %dma_wait3A_733 = tpu.memref_squeeze %dma_wait3A_732 : memref<1x128x128xf32, #tpu.memory_space<vmem>> -> memref<128x128xf32, #tpu.memory_space<vmem>>
        %dma_wait3A_734 = arith.constant 0 : i32
        %dma_wait3A_735 = arith.constant 0 : i32
        %dma_wait3A_736 = tpu.memref_slice %arg4[%dma_wait3A_734, %dma_wait3A_735] : memref<3276800x128xf32, #tpu.memory_space<hbm>> -> memref<128x128xf32, #tpu.memory_space<hbm>>
        %dma_wait3A_737 = arith.constant 0 : i32
        %dma_wait3A_738 = arith.constant 0 : i32
        %dma_wait3A_739 = tpu.memref_slice %arg4[%dma_wait3A_737, %dma_wait3A_738] : memref<3276800x128xf32, #tpu.memory_space<hbm>> -> memref<128x128xf32, #tpu.memory_space<hbm>>
        %dma_wait3A_740 = arith.constant 0 : i32
        %dma_wait3A_741 = arith.constant 0 : i32
        %dma_wait3A_742 = tpu.memref_slice %arg6[%dma_wait3A_729, %dma_wait3A_740, %dma_wait3A_741] : memref<5x128x128xf32, #tpu.memory_space<vmem>> -> memref<1x128x128xf32, #tpu.memory_space<vmem>>
        %dma_wait3A_743 = tpu.memref_squeeze %dma_wait3A_742 : memref<1x128x128xf32, #tpu.memory_space<vmem>> -> memref<128x128xf32, #tpu.memory_space<vmem>>
        tpu.wait_dma2 semaphore(%arg8 : memref<!tpu.dma_semaphore, #tpu.memory_space<semaphore_mem>>) src(%dma_wait3A_743 : memref<128x128xf32, #tpu.memory_space<vmem>>) dst(%dma_wait3A_739 : memref<128x128xf32, #tpu.memory_space<hbm>>)
        %mul3A_744 = arith.constant 20 : i32
        %mul3A_745 = arith.muli %add3A_208, %mul3A_744 : i32
        %add3A_746 = arith.constant 10 : i32
        %add3A_747 = arith.addi %mul3A_745, %add3A_746 : i32
        %mul3A_748 = arith.constant 128 : i32
        %mul3A_749 = arith.muli %add3A_747, %mul3A_748 : i32
        %dma_start3A_750 = arith.constant 0 : i32
        %dma_start3A_751 = arith.constant 0 : i32
        %dma_start3A_752 = arith.constant 0 : i32
        %dma_start3A_753 = tpu.memref_slice %arg6[%dma_start3A_750, %dma_start3A_751, %dma_start3A_752] : memref<5x128x128xf32, #tpu.memory_space<vmem>> -> memref<1x128x128xf32, #tpu.memory_space<vmem>>
        %dma_start3A_754 = tpu.memref_squeeze %dma_start3A_753 : memref<1x128x128xf32, #tpu.memory_space<vmem>> -> memref<128x128xf32, #tpu.memory_space<vmem>>
        %dma_start3A_755 = tpu.memref_slice %arg5[%mul3A_749] : memref<20480xi32, #tpu.memory_space<vmem>> -> memref<128xi32, #tpu.memory_space<vmem>>
        %dma_start3A_756 = arith.constant 0 : i32
        %dma_start3A_757 = arith.constant 0 : i32
        %dma_start3A_758 = tpu.memref_slice %arg3[%dma_start3A_756, %dma_start3A_757] : memref<36864x128xf32, #tpu.memory_space<hbm>> -> memref<36864x128xf32, #tpu.memory_space<hbm>>
        tpu.enqueue_indirect_dma source(%dma_start3A_758 : memref<36864x128xf32, #tpu.memory_space<hbm>>) target(%dma_start3A_754 : memref<128x128xf32, #tpu.memory_space<vmem>>) offsets(%dma_start3A_755 : memref<128xi32, #tpu.memory_space<vmem>>) semaphore(%arg7 : memref<!tpu.dma_semaphore, #tpu.memory_space<semaphore_mem>>)
        %dma_wait3A_759 = arith.constant 0 : i32
        %dma_wait3A_760 = arith.constant 0 : i32
        %dma_wait3A_761 = arith.constant 0 : i32
        %dma_wait3A_762 = tpu.memref_slice %arg6[%dma_wait3A_759, %dma_wait3A_760, %dma_wait3A_761] : memref<5x128x128xf32, #tpu.memory_space<vmem>> -> memref<1x128x128xf32, #tpu.memory_space<vmem>>
        %dma_wait3A_763 = tpu.memref_squeeze %dma_wait3A_762 : memref<1x128x128xf32, #tpu.memory_space<vmem>> -> memref<128x128xf32, #tpu.memory_space<vmem>>
        %dma_wait3A_764 = arith.constant 0 : i32
        %dma_wait3A_765 = arith.constant 0 : i32
        %dma_wait3A_766 = tpu.memref_slice %arg3[%dma_wait3A_764, %dma_wait3A_765] : memref<36864x128xf32, #tpu.memory_space<hbm>> -> memref<128x128xf32, #tpu.memory_space<hbm>>
        %dma_wait3A_767 = arith.constant 0 : i32
        %dma_wait3A_768 = arith.constant 0 : i32
        %dma_wait3A_769 = tpu.memref_slice %arg6[%dma_wait3A_759, %dma_wait3A_767, %dma_wait3A_768] : memref<5x128x128xf32, #tpu.memory_space<vmem>> -> memref<1x128x128xf32, #tpu.memory_space<vmem>>
        %dma_wait3A_770 = tpu.memref_squeeze %dma_wait3A_769 : memref<1x128x128xf32, #tpu.memory_space<vmem>> -> memref<128x128xf32, #tpu.memory_space<vmem>>
        %dma_wait3A_771 = arith.constant 0 : i32
        %dma_wait3A_772 = arith.constant 0 : i32
        %dma_wait3A_773 = tpu.memref_slice %arg3[%dma_wait3A_771, %dma_wait3A_772] : memref<36864x128xf32, #tpu.memory_space<hbm>> -> memref<128x128xf32, #tpu.memory_space<hbm>>
        tpu.wait_dma2 semaphore(%arg7 : memref<!tpu.dma_semaphore, #tpu.memory_space<semaphore_mem>>) src(%dma_wait3A_773 : memref<128x128xf32, #tpu.memory_space<hbm>>) dst(%dma_wait3A_770 : memref<128x128xf32, #tpu.memory_space<vmem>>)
        %add3A_774 = arith.constant 10 : i32
        %add3A_775 = arith.addi %add3A_211, %add3A_774 : i32
        %sub3A_776 = arith.constant 3 : i32
        %sub3A_777 = arith.subi %add3A_775, %sub3A_776 : i32
        %mul3A_778 = arith.constant 128 : i32
        %mul3A_779 = arith.muli %sub3A_777, %mul3A_778 : i32
        %dma_start3A_780 = arith.constant 2 : i32
        %dma_start3A_781 = arith.constant 0 : i32
        %dma_start3A_782 = arith.constant 0 : i32
        %dma_start3A_783 = tpu.memref_slice %arg6[%dma_start3A_780, %dma_start3A_781, %dma_start3A_782] : memref<5x128x128xf32, #tpu.memory_space<vmem>> -> memref<1x128x128xf32, #tpu.memory_space<vmem>>
        %dma_start3A_784 = tpu.memref_squeeze %dma_start3A_783 : memref<1x128x128xf32, #tpu.memory_space<vmem>> -> memref<128x128xf32, #tpu.memory_space<vmem>>
        %dma_start3A_785 = arith.constant 0 : i32
        %dma_start3A_786 = tpu.memref_slice %arg4[%mul3A_779, %dma_start3A_785] : memref<3276800x128xf32, #tpu.memory_space<hbm>> -> memref<128x128xf32, #tpu.memory_space<hbm>>
        %dma_start3A_787 = arith.constant 0 : i32
        %dma_start3A_788 = tpu.memref_slice %arg4[%mul3A_779, %dma_start3A_787] : memref<3276800x128xf32, #tpu.memory_space<hbm>> -> memref<128x128xf32, #tpu.memory_space<hbm>>
        %dma_start3A_789 = arith.constant 0 : i32
        %dma_start3A_790 = arith.constant 0 : i32
        %dma_start3A_791 = tpu.memref_slice %arg6[%dma_start3A_780, %dma_start3A_789, %dma_start3A_790] : memref<5x128x128xf32, #tpu.memory_space<vmem>> -> memref<1x128x128xf32, #tpu.memory_space<vmem>>
        %dma_start3A_792 = tpu.memref_squeeze %dma_start3A_791 : memref<1x128x128xf32, #tpu.memory_space<vmem>> -> memref<128x128xf32, #tpu.memory_space<vmem>>
        tpu.enqueue_dma source(%dma_start3A_792 : memref<128x128xf32, #tpu.memory_space<vmem>>) target(%dma_start3A_788 : memref<128x128xf32, #tpu.memory_space<hbm>>) target_semaphore(%arg8 : memref<!tpu.dma_semaphore, #tpu.memory_space<semaphore_mem>>)
        %dma_wait3A_793 = arith.constant 0 : i32
        %dma_wait3A_794 = arith.constant 0 : i32
        %dma_wait3A_795 = arith.constant 0 : i32
        %dma_wait3A_796 = tpu.memref_slice %arg6[%dma_wait3A_793, %dma_wait3A_794, %dma_wait3A_795] : memref<5x128x128xf32, #tpu.memory_space<vmem>> -> memref<1x128x128xf32, #tpu.memory_space<vmem>>
        %dma_wait3A_797 = tpu.memref_squeeze %dma_wait3A_796 : memref<1x128x128xf32, #tpu.memory_space<vmem>> -> memref<128x128xf32, #tpu.memory_space<vmem>>
        %dma_wait3A_798 = arith.constant 0 : i32
        %dma_wait3A_799 = arith.constant 0 : i32
        %dma_wait3A_800 = tpu.memref_slice %arg4[%dma_wait3A_798, %dma_wait3A_799] : memref<3276800x128xf32, #tpu.memory_space<hbm>> -> memref<128x128xf32, #tpu.memory_space<hbm>>
        %dma_wait3A_801 = arith.constant 0 : i32
        %dma_wait3A_802 = arith.constant 0 : i32
        %dma_wait3A_803 = tpu.memref_slice %arg4[%dma_wait3A_801, %dma_wait3A_802] : memref<3276800x128xf32, #tpu.memory_space<hbm>> -> memref<128x128xf32, #tpu.memory_space<hbm>>
        %dma_wait3A_804 = arith.constant 0 : i32
        %dma_wait3A_805 = arith.constant 0 : i32
        %dma_wait3A_806 = tpu.memref_slice %arg6[%dma_wait3A_793, %dma_wait3A_804, %dma_wait3A_805] : memref<5x128x128xf32, #tpu.memory_space<vmem>> -> memref<1x128x128xf32, #tpu.memory_space<vmem>>
        %dma_wait3A_807 = tpu.memref_squeeze %dma_wait3A_806 : memref<1x128x128xf32, #tpu.memory_space<vmem>> -> memref<128x128xf32, #tpu.memory_space<vmem>>
        tpu.wait_dma2 semaphore(%arg8 : memref<!tpu.dma_semaphore, #tpu.memory_space<semaphore_mem>>) src(%dma_wait3A_807 : memref<128x128xf32, #tpu.memory_space<vmem>>) dst(%dma_wait3A_803 : memref<128x128xf32, #tpu.memory_space<hbm>>)
        %mul3A_808 = arith.constant 20 : i32
        %mul3A_809 = arith.muli %add3A_208, %mul3A_808 : i32
        %add3A_810 = arith.constant 11 : i32
        %add3A_811 = arith.addi %mul3A_809, %add3A_810 : i32
        %mul3A_812 = arith.constant 128 : i32
        %mul3A_813 = arith.muli %add3A_811, %mul3A_812 : i32
        %dma_start3A_814 = arith.constant 1 : i32
        %dma_start3A_815 = arith.constant 0 : i32
        %dma_start3A_816 = arith.constant 0 : i32
        %dma_start3A_817 = tpu.memref_slice %arg6[%dma_start3A_814, %dma_start3A_815, %dma_start3A_816] : memref<5x128x128xf32, #tpu.memory_space<vmem>> -> memref<1x128x128xf32, #tpu.memory_space<vmem>>
        %dma_start3A_818 = tpu.memref_squeeze %dma_start3A_817 : memref<1x128x128xf32, #tpu.memory_space<vmem>> -> memref<128x128xf32, #tpu.memory_space<vmem>>
        %dma_start3A_819 = tpu.memref_slice %arg5[%mul3A_813] : memref<20480xi32, #tpu.memory_space<vmem>> -> memref<128xi32, #tpu.memory_space<vmem>>
        %dma_start3A_820 = arith.constant 0 : i32
        %dma_start3A_821 = arith.constant 0 : i32
        %dma_start3A_822 = tpu.memref_slice %arg3[%dma_start3A_820, %dma_start3A_821] : memref<36864x128xf32, #tpu.memory_space<hbm>> -> memref<36864x128xf32, #tpu.memory_space<hbm>>
        tpu.enqueue_indirect_dma source(%dma_start3A_822 : memref<36864x128xf32, #tpu.memory_space<hbm>>) target(%dma_start3A_818 : memref<128x128xf32, #tpu.memory_space<vmem>>) offsets(%dma_start3A_819 : memref<128xi32, #tpu.memory_space<vmem>>) semaphore(%arg7 : memref<!tpu.dma_semaphore, #tpu.memory_space<semaphore_mem>>)
        %dma_wait3A_823 = arith.constant 0 : i32
        %dma_wait3A_824 = arith.constant 0 : i32
        %dma_wait3A_825 = arith.constant 0 : i32
        %dma_wait3A_826 = tpu.memref_slice %arg6[%dma_wait3A_823, %dma_wait3A_824, %dma_wait3A_825] : memref<5x128x128xf32, #tpu.memory_space<vmem>> -> memref<1x128x128xf32, #tpu.memory_space<vmem>>
        %dma_wait3A_827 = tpu.memref_squeeze %dma_wait3A_826 : memref<1x128x128xf32, #tpu.memory_space<vmem>> -> memref<128x128xf32, #tpu.memory_space<vmem>>
        %dma_wait3A_828 = arith.constant 0 : i32
        %dma_wait3A_829 = arith.constant 0 : i32
        %dma_wait3A_830 = tpu.memref_slice %arg3[%dma_wait3A_828, %dma_wait3A_829] : memref<36864x128xf32, #tpu.memory_space<hbm>> -> memref<128x128xf32, #tpu.memory_space<hbm>>
        %dma_wait3A_831 = arith.constant 0 : i32
        %dma_wait3A_832 = arith.constant 0 : i32
        %dma_wait3A_833 = tpu.memref_slice %arg6[%dma_wait3A_823, %dma_wait3A_831, %dma_wait3A_832] : memref<5x128x128xf32, #tpu.memory_space<vmem>> -> memref<1x128x128xf32, #tpu.memory_space<vmem>>
        %dma_wait3A_834 = tpu.memref_squeeze %dma_wait3A_833 : memref<1x128x128xf32, #tpu.memory_space<vmem>> -> memref<128x128xf32, #tpu.memory_space<vmem>>
        %dma_wait3A_835 = arith.constant 0 : i32
        %dma_wait3A_836 = arith.constant 0 : i32
        %dma_wait3A_837 = tpu.memref_slice %arg3[%dma_wait3A_835, %dma_wait3A_836] : memref<36864x128xf32, #tpu.memory_space<hbm>> -> memref<128x128xf32, #tpu.memory_space<hbm>>
        tpu.wait_dma2 semaphore(%arg7 : memref<!tpu.dma_semaphore, #tpu.memory_space<semaphore_mem>>) src(%dma_wait3A_837 : memref<128x128xf32, #tpu.memory_space<hbm>>) dst(%dma_wait3A_834 : memref<128x128xf32, #tpu.memory_space<vmem>>)
        %add3A_838 = arith.constant 11 : i32
        %add3A_839 = arith.addi %add3A_211, %add3A_838 : i32
        %sub3A_840 = arith.constant 3 : i32
        %sub3A_841 = arith.subi %add3A_839, %sub3A_840 : i32
        %mul3A_842 = arith.constant 128 : i32
        %mul3A_843 = arith.muli %sub3A_841, %mul3A_842 : i32
        %dma_start3A_844 = arith.constant 3 : i32
        %dma_start3A_845 = arith.constant 0 : i32
        %dma_start3A_846 = arith.constant 0 : i32
        %dma_start3A_847 = tpu.memref_slice %arg6[%dma_start3A_844, %dma_start3A_845, %dma_start3A_846] : memref<5x128x128xf32, #tpu.memory_space<vmem>> -> memref<1x128x128xf32, #tpu.memory_space<vmem>>
        %dma_start3A_848 = tpu.memref_squeeze %dma_start3A_847 : memref<1x128x128xf32, #tpu.memory_space<vmem>> -> memref<128x128xf32, #tpu.memory_space<vmem>>
        %dma_start3A_849 = arith.constant 0 : i32
        %dma_start3A_850 = tpu.memref_slice %arg4[%mul3A_843, %dma_start3A_849] : memref<3276800x128xf32, #tpu.memory_space<hbm>> -> memref<128x128xf32, #tpu.memory_space<hbm>>
        %dma_start3A_851 = arith.constant 0 : i32
        %dma_start3A_852 = tpu.memref_slice %arg4[%mul3A_843, %dma_start3A_851] : memref<3276800x128xf32, #tpu.memory_space<hbm>> -> memref<128x128xf32, #tpu.memory_space<hbm>>
        %dma_start3A_853 = arith.constant 0 : i32
        %dma_start3A_854 = arith.constant 0 : i32
        %dma_start3A_855 = tpu.memref_slice %arg6[%dma_start3A_844, %dma_start3A_853, %dma_start3A_854] : memref<5x128x128xf32, #tpu.memory_space<vmem>> -> memref<1x128x128xf32, #tpu.memory_space<vmem>>
        %dma_start3A_856 = tpu.memref_squeeze %dma_start3A_855 : memref<1x128x128xf32, #tpu.memory_space<vmem>> -> memref<128x128xf32, #tpu.memory_space<vmem>>
        tpu.enqueue_dma source(%dma_start3A_856 : memref<128x128xf32, #tpu.memory_space<vmem>>) target(%dma_start3A_852 : memref<128x128xf32, #tpu.memory_space<hbm>>) target_semaphore(%arg8 : memref<!tpu.dma_semaphore, #tpu.memory_space<semaphore_mem>>)
        %dma_wait3A_857 = arith.constant 0 : i32
        %dma_wait3A_858 = arith.constant 0 : i32
        %dma_wait3A_859 = arith.constant 0 : i32
        %dma_wait3A_860 = tpu.memref_slice %arg6[%dma_wait3A_857, %dma_wait3A_858, %dma_wait3A_859] : memref<5x128x128xf32, #tpu.memory_space<vmem>> -> memref<1x128x128xf32, #tpu.memory_space<vmem>>
        %dma_wait3A_861 = tpu.memref_squeeze %dma_wait3A_860 : memref<1x128x128xf32, #tpu.memory_space<vmem>> -> memref<128x128xf32, #tpu.memory_space<vmem>>
        %dma_wait3A_862 = arith.constant 0 : i32
        %dma_wait3A_863 = arith.constant 0 : i32
        %dma_wait3A_864 = tpu.memref_slice %arg4[%dma_wait3A_862, %dma_wait3A_863] : memref<3276800x128xf32, #tpu.memory_space<hbm>> -> memref<128x128xf32, #tpu.memory_space<hbm>>
        %dma_wait3A_865 = arith.constant 0 : i32
        %dma_wait3A_866 = arith.constant 0 : i32
        %dma_wait3A_867 = tpu.memref_slice %arg4[%dma_wait3A_865, %dma_wait3A_866] : memref<3276800x128xf32, #tpu.memory_space<hbm>> -> memref<128x128xf32, #tpu.memory_space<hbm>>
        %dma_wait3A_868 = arith.constant 0 : i32
        %dma_wait3A_869 = arith.constant 0 : i32
        %dma_wait3A_870 = tpu.memref_slice %arg6[%dma_wait3A_857, %dma_wait3A_868, %dma_wait3A_869] : memref<5x128x128xf32, #tpu.memory_space<vmem>> -> memref<1x128x128xf32, #tpu.memory_space<vmem>>
        %dma_wait3A_871 = tpu.memref_squeeze %dma_wait3A_870 : memref<1x128x128xf32, #tpu.memory_space<vmem>> -> memref<128x128xf32, #tpu.memory_space<vmem>>
        tpu.wait_dma2 semaphore(%arg8 : memref<!tpu.dma_semaphore, #tpu.memory_space<semaphore_mem>>) src(%dma_wait3A_871 : memref<128x128xf32, #tpu.memory_space<vmem>>) dst(%dma_wait3A_867 : memref<128x128xf32, #tpu.memory_space<hbm>>)
        %mul3A_872 = arith.constant 20 : i32
        %mul3A_873 = arith.muli %add3A_208, %mul3A_872 : i32
        %add3A_874 = arith.constant 12 : i32
        %add3A_875 = arith.addi %mul3A_873, %add3A_874 : i32
        %mul3A_876 = arith.constant 128 : i32
        %mul3A_877 = arith.muli %add3A_875, %mul3A_876 : i32
        %dma_start3A_878 = arith.constant 2 : i32
        %dma_start3A_879 = arith.constant 0 : i32
        %dma_start3A_880 = arith.constant 0 : i32
        %dma_start3A_881 = tpu.memref_slice %arg6[%dma_start3A_878, %dma_start3A_879, %dma_start3A_880] : memref<5x128x128xf32, #tpu.memory_space<vmem>> -> memref<1x128x128xf32, #tpu.memory_space<vmem>>
        %dma_start3A_882 = tpu.memref_squeeze %dma_start3A_881 : memref<1x128x128xf32, #tpu.memory_space<vmem>> -> memref<128x128xf32, #tpu.memory_space<vmem>>
        %dma_start3A_883 = tpu.memref_slice %arg5[%mul3A_877] : memref<20480xi32, #tpu.memory_space<vmem>> -> memref<128xi32, #tpu.memory_space<vmem>>
        %dma_start3A_884 = arith.constant 0 : i32
        %dma_start3A_885 = arith.constant 0 : i32
        %dma_start3A_886 = tpu.memref_slice %arg3[%dma_start3A_884, %dma_start3A_885] : memref<36864x128xf32, #tpu.memory_space<hbm>> -> memref<36864x128xf32, #tpu.memory_space<hbm>>
        tpu.enqueue_indirect_dma source(%dma_start3A_886 : memref<36864x128xf32, #tpu.memory_space<hbm>>) target(%dma_start3A_882 : memref<128x128xf32, #tpu.memory_space<vmem>>) offsets(%dma_start3A_883 : memref<128xi32, #tpu.memory_space<vmem>>) semaphore(%arg7 : memref<!tpu.dma_semaphore, #tpu.memory_space<semaphore_mem>>)
        %dma_wait3A_887 = arith.constant 0 : i32
        %dma_wait3A_888 = arith.constant 0 : i32
        %dma_wait3A_889 = arith.constant 0 : i32
        %dma_wait3A_890 = tpu.memref_slice %arg6[%dma_wait3A_887, %dma_wait3A_888, %dma_wait3A_889] : memref<5x128x128xf32, #tpu.memory_space<vmem>> -> memref<1x128x128xf32, #tpu.memory_space<vmem>>
        %dma_wait3A_891 = tpu.memref_squeeze %dma_wait3A_890 : memref<1x128x128xf32, #tpu.memory_space<vmem>> -> memref<128x128xf32, #tpu.memory_space<vmem>>
        %dma_wait3A_892 = arith.constant 0 : i32
        %dma_wait3A_893 = arith.constant 0 : i32
        %dma_wait3A_894 = tpu.memref_slice %arg3[%dma_wait3A_892, %dma_wait3A_893] : memref<36864x128xf32, #tpu.memory_space<hbm>> -> memref<128x128xf32, #tpu.memory_space<hbm>>
        %dma_wait3A_895 = arith.constant 0 : i32
        %dma_wait3A_896 = arith.constant 0 : i32
        %dma_wait3A_897 = tpu.memref_slice %arg6[%dma_wait3A_887, %dma_wait3A_895, %dma_wait3A_896] : memref<5x128x128xf32, #tpu.memory_space<vmem>> -> memref<1x128x128xf32, #tpu.memory_space<vmem>>
        %dma_wait3A_898 = tpu.memref_squeeze %dma_wait3A_897 : memref<1x128x128xf32, #tpu.memory_space<vmem>> -> memref<128x128xf32, #tpu.memory_space<vmem>>
        %dma_wait3A_899 = arith.constant 0 : i32
        %dma_wait3A_900 = arith.constant 0 : i32
        %dma_wait3A_901 = tpu.memref_slice %arg3[%dma_wait3A_899, %dma_wait3A_900] : memref<36864x128xf32, #tpu.memory_space<hbm>> -> memref<128x128xf32, #tpu.memory_space<hbm>>
        tpu.wait_dma2 semaphore(%arg7 : memref<!tpu.dma_semaphore, #tpu.memory_space<semaphore_mem>>) src(%dma_wait3A_901 : memref<128x128xf32, #tpu.memory_space<hbm>>) dst(%dma_wait3A_898 : memref<128x128xf32, #tpu.memory_space<vmem>>)
        %add3A_902 = arith.constant 12 : i32
        %add3A_903 = arith.addi %add3A_211, %add3A_902 : i32
        %sub3A_904 = arith.constant 3 : i32
        %sub3A_905 = arith.subi %add3A_903, %sub3A_904 : i32
        %mul3A_906 = arith.constant 128 : i32
        %mul3A_907 = arith.muli %sub3A_905, %mul3A_906 : i32
        %dma_start3A_908 = arith.constant 4 : i32
        %dma_start3A_909 = arith.constant 0 : i32
        %dma_start3A_910 = arith.constant 0 : i32
        %dma_start3A_911 = tpu.memref_slice %arg6[%dma_start3A_908, %dma_start3A_909, %dma_start3A_910] : memref<5x128x128xf32, #tpu.memory_space<vmem>> -> memref<1x128x128xf32, #tpu.memory_space<vmem>>
        %dma_start3A_912 = tpu.memref_squeeze %dma_start3A_911 : memref<1x128x128xf32, #tpu.memory_space<vmem>> -> memref<128x128xf32, #tpu.memory_space<vmem>>
        %dma_start3A_913 = arith.constant 0 : i32
        %dma_start3A_914 = tpu.memref_slice %arg4[%mul3A_907, %dma_start3A_913] : memref<3276800x128xf32, #tpu.memory_space<hbm>> -> memref<128x128xf32, #tpu.memory_space<hbm>>
        %dma_start3A_915 = arith.constant 0 : i32
        %dma_start3A_916 = tpu.memref_slice %arg4[%mul3A_907, %dma_start3A_915] : memref<3276800x128xf32, #tpu.memory_space<hbm>> -> memref<128x128xf32, #tpu.memory_space<hbm>>
        %dma_start3A_917 = arith.constant 0 : i32
        %dma_start3A_918 = arith.constant 0 : i32
        %dma_start3A_919 = tpu.memref_slice %arg6[%dma_start3A_908, %dma_start3A_917, %dma_start3A_918] : memref<5x128x128xf32, #tpu.memory_space<vmem>> -> memref<1x128x128xf32, #tpu.memory_space<vmem>>
        %dma_start3A_920 = tpu.memref_squeeze %dma_start3A_919 : memref<1x128x128xf32, #tpu.memory_space<vmem>> -> memref<128x128xf32, #tpu.memory_space<vmem>>
        tpu.enqueue_dma source(%dma_start3A_920 : memref<128x128xf32, #tpu.memory_space<vmem>>) target(%dma_start3A_916 : memref<128x128xf32, #tpu.memory_space<hbm>>) target_semaphore(%arg8 : memref<!tpu.dma_semaphore, #tpu.memory_space<semaphore_mem>>)
        %dma_wait3A_921 = arith.constant 0 : i32
        %dma_wait3A_922 = arith.constant 0 : i32
        %dma_wait3A_923 = arith.constant 0 : i32
        %dma_wait3A_924 = tpu.memref_slice %arg6[%dma_wait3A_921, %dma_wait3A_922, %dma_wait3A_923] : memref<5x128x128xf32, #tpu.memory_space<vmem>> -> memref<1x128x128xf32, #tpu.memory_space<vmem>>
        %dma_wait3A_925 = tpu.memref_squeeze %dma_wait3A_924 : memref<1x128x128xf32, #tpu.memory_space<vmem>> -> memref<128x128xf32, #tpu.memory_space<vmem>>
        %dma_wait3A_926 = arith.constant 0 : i32
        %dma_wait3A_927 = arith.constant 0 : i32
        %dma_wait3A_928 = tpu.memref_slice %arg4[%dma_wait3A_926, %dma_wait3A_927] : memref<3276800x128xf32, #tpu.memory_space<hbm>> -> memref<128x128xf32, #tpu.memory_space<hbm>>
        %dma_wait3A_929 = arith.constant 0 : i32
        %dma_wait3A_930 = arith.constant 0 : i32
        %dma_wait3A_931 = tpu.memref_slice %arg4[%dma_wait3A_929, %dma_wait3A_930] : memref<3276800x128xf32, #tpu.memory_space<hbm>> -> memref<128x128xf32, #tpu.memory_space<hbm>>
        %dma_wait3A_932 = arith.constant 0 : i32
        %dma_wait3A_933 = arith.constant 0 : i32
        %dma_wait3A_934 = tpu.memref_slice %arg6[%dma_wait3A_921, %dma_wait3A_932, %dma_wait3A_933] : memref<5x128x128xf32, #tpu.memory_space<vmem>> -> memref<1x128x128xf32, #tpu.memory_space<vmem>>
        %dma_wait3A_935 = tpu.memref_squeeze %dma_wait3A_934 : memref<1x128x128xf32, #tpu.memory_space<vmem>> -> memref<128x128xf32, #tpu.memory_space<vmem>>
        tpu.wait_dma2 semaphore(%arg8 : memref<!tpu.dma_semaphore, #tpu.memory_space<semaphore_mem>>) src(%dma_wait3A_935 : memref<128x128xf32, #tpu.memory_space<vmem>>) dst(%dma_wait3A_931 : memref<128x128xf32, #tpu.memory_space<hbm>>)
        %mul3A_936 = arith.constant 20 : i32
        %mul3A_937 = arith.muli %add3A_208, %mul3A_936 : i32
        %add3A_938 = arith.constant 13 : i32
        %add3A_939 = arith.addi %mul3A_937, %add3A_938 : i32
        %mul3A_940 = arith.constant 128 : i32
        %mul3A_941 = arith.muli %add3A_939, %mul3A_940 : i32
        %dma_start3A_942 = arith.constant 3 : i32
        %dma_start3A_943 = arith.constant 0 : i32
        %dma_start3A_944 = arith.constant 0 : i32
        %dma_start3A_945 = tpu.memref_slice %arg6[%dma_start3A_942, %dma_start3A_943, %dma_start3A_944] : memref<5x128x128xf32, #tpu.memory_space<vmem>> -> memref<1x128x128xf32, #tpu.memory_space<vmem>>
        %dma_start3A_946 = tpu.memref_squeeze %dma_start3A_945 : memref<1x128x128xf32, #tpu.memory_space<vmem>> -> memref<128x128xf32, #tpu.memory_space<vmem>>
        %dma_start3A_947 = tpu.memref_slice %arg5[%mul3A_941] : memref<20480xi32, #tpu.memory_space<vmem>> -> memref<128xi32, #tpu.memory_space<vmem>>
        %dma_start3A_948 = arith.constant 0 : i32
        %dma_start3A_949 = arith.constant 0 : i32
        %dma_start3A_950 = tpu.memref_slice %arg3[%dma_start3A_948, %dma_start3A_949] : memref<36864x128xf32, #tpu.memory_space<hbm>> -> memref<36864x128xf32, #tpu.memory_space<hbm>>
        tpu.enqueue_indirect_dma source(%dma_start3A_950 : memref<36864x128xf32, #tpu.memory_space<hbm>>) target(%dma_start3A_946 : memref<128x128xf32, #tpu.memory_space<vmem>>) offsets(%dma_start3A_947 : memref<128xi32, #tpu.memory_space<vmem>>) semaphore(%arg7 : memref<!tpu.dma_semaphore, #tpu.memory_space<semaphore_mem>>)
        %dma_wait3A_951 = arith.constant 0 : i32
        %dma_wait3A_952 = arith.constant 0 : i32
        %dma_wait3A_953 = arith.constant 0 : i32
        %dma_wait3A_954 = tpu.memref_slice %arg6[%dma_wait3A_951, %dma_wait3A_952, %dma_wait3A_953] : memref<5x128x128xf32, #tpu.memory_space<vmem>> -> memref<1x128x128xf32, #tpu.memory_space<vmem>>
        %dma_wait3A_955 = tpu.memref_squeeze %dma_wait3A_954 : memref<1x128x128xf32, #tpu.memory_space<vmem>> -> memref<128x128xf32, #tpu.memory_space<vmem>>
        %dma_wait3A_956 = arith.constant 0 : i32
        %dma_wait3A_957 = arith.constant 0 : i32
        %dma_wait3A_958 = tpu.memref_slice %arg3[%dma_wait3A_956, %dma_wait3A_957] : memref<36864x128xf32, #tpu.memory_space<hbm>> -> memref<128x128xf32, #tpu.memory_space<hbm>>
        %dma_wait3A_959 = arith.constant 0 : i32
        %dma_wait3A_960 = arith.constant 0 : i32
        %dma_wait3A_961 = tpu.memref_slice %arg6[%dma_wait3A_951, %dma_wait3A_959, %dma_wait3A_960] : memref<5x128x128xf32, #tpu.memory_space<vmem>> -> memref<1x128x128xf32, #tpu.memory_space<vmem>>
        %dma_wait3A_962 = tpu.memref_squeeze %dma_wait3A_961 : memref<1x128x128xf32, #tpu.memory_space<vmem>> -> memref<128x128xf32, #tpu.memory_space<vmem>>
        %dma_wait3A_963 = arith.constant 0 : i32
        %dma_wait3A_964 = arith.constant 0 : i32
        %dma_wait3A_965 = tpu.memref_slice %arg3[%dma_wait3A_963, %dma_wait3A_964] : memref<36864x128xf32, #tpu.memory_space<hbm>> -> memref<128x128xf32, #tpu.memory_space<hbm>>
        tpu.wait_dma2 semaphore(%arg7 : memref<!tpu.dma_semaphore, #tpu.memory_space<semaphore_mem>>) src(%dma_wait3A_965 : memref<128x128xf32, #tpu.memory_space<hbm>>) dst(%dma_wait3A_962 : memref<128x128xf32, #tpu.memory_space<vmem>>)
        %add3A_966 = arith.constant 13 : i32
        %add3A_967 = arith.addi %add3A_211, %add3A_966 : i32
        %sub3A_968 = arith.constant 3 : i32
        %sub3A_969 = arith.subi %add3A_967, %sub3A_968 : i32
        %mul3A_970 = arith.constant 128 : i32
        %mul3A_971 = arith.muli %sub3A_969, %mul3A_970 : i32
        %dma_start3A_972 = arith.constant 0 : i32
        %dma_start3A_973 = arith.constant 0 : i32
        %dma_start3A_974 = arith.constant 0 : i32
        %dma_start3A_975 = tpu.memref_slice %arg6[%dma_start3A_972, %dma_start3A_973, %dma_start3A_974] : memref<5x128x128xf32, #tpu.memory_space<vmem>> -> memref<1x128x128xf32, #tpu.memory_space<vmem>>
        %dma_start3A_976 = tpu.memref_squeeze %dma_start3A_975 : memref<1x128x128xf32, #tpu.memory_space<vmem>> -> memref<128x128xf32, #tpu.memory_space<vmem>>
        %dma_start3A_977 = arith.constant 0 : i32
        %dma_start3A_978 = tpu.memref_slice %arg4[%mul3A_971, %dma_start3A_977] : memref<3276800x128xf32, #tpu.memory_space<hbm>> -> memref<128x128xf32, #tpu.memory_space<hbm>>
        %dma_start3A_979 = arith.constant 0 : i32
        %dma_start3A_980 = tpu.memref_slice %arg4[%mul3A_971, %dma_start3A_979] : memref<3276800x128xf32, #tpu.memory_space<hbm>> -> memref<128x128xf32, #tpu.memory_space<hbm>>
        %dma_start3A_981 = arith.constant 0 : i32
        %dma_start3A_982 = arith.constant 0 : i32
        %dma_start3A_983 = tpu.memref_slice %arg6[%dma_start3A_972, %dma_start3A_981, %dma_start3A_982] : memref<5x128x128xf32, #tpu.memory_space<vmem>> -> memref<1x128x128xf32, #tpu.memory_space<vmem>>
        %dma_start3A_984 = tpu.memref_squeeze %dma_start3A_983 : memref<1x128x128xf32, #tpu.memory_space<vmem>> -> memref<128x128xf32, #tpu.memory_space<vmem>>
        tpu.enqueue_dma source(%dma_start3A_984 : memref<128x128xf32, #tpu.memory_space<vmem>>) target(%dma_start3A_980 : memref<128x128xf32, #tpu.memory_space<hbm>>) target_semaphore(%arg8 : memref<!tpu.dma_semaphore, #tpu.memory_space<semaphore_mem>>)
        %dma_wait3A_985 = arith.constant 0 : i32
        %dma_wait3A_986 = arith.constant 0 : i32
        %dma_wait3A_987 = arith.constant 0 : i32
        %dma_wait3A_988 = tpu.memref_slice %arg6[%dma_wait3A_985, %dma_wait3A_986, %dma_wait3A_987] : memref<5x128x128xf32, #tpu.memory_space<vmem>> -> memref<1x128x128xf32, #tpu.memory_space<vmem>>
        %dma_wait3A_989 = tpu.memref_squeeze %dma_wait3A_988 : memref<1x128x128xf32, #tpu.memory_space<vmem>> -> memref<128x128xf32, #tpu.memory_space<vmem>>
        %dma_wait3A_990 = arith.constant 0 : i32
        %dma_wait3A_991 = arith.constant 0 : i32
        %dma_wait3A_992 = tpu.memref_slice %arg4[%dma_wait3A_990, %dma_wait3A_991] : memref<3276800x128xf32, #tpu.memory_space<hbm>> -> memref<128x128xf32, #tpu.memory_space<hbm>>
        %dma_wait3A_993 = arith.constant 0 : i32
        %dma_wait3A_994 = arith.constant 0 : i32
        %dma_wait3A_995 = tpu.memref_slice %arg4[%dma_wait3A_993, %dma_wait3A_994] : memref<3276800x128xf32, #tpu.memory_space<hbm>> -> memref<128x128xf32, #tpu.memory_space<hbm>>
        %dma_wait3A_996 = arith.constant 0 : i32
        %dma_wait3A_997 = arith.constant 0 : i32
        %dma_wait3A_998 = tpu.memref_slice %arg6[%dma_wait3A_985, %dma_wait3A_996, %dma_wait3A_997] : memref<5x128x128xf32, #tpu.memory_space<vmem>> -> memref<1x128x128xf32, #tpu.memory_space<vmem>>
        %dma_wait3A_999 = tpu.memref_squeeze %dma_wait3A_998 : memref<1x128x128xf32, #tpu.memory_space<vmem>> -> memref<128x128xf32, #tpu.memory_space<vmem>>
        tpu.wait_dma2 semaphore(%arg8 : memref<!tpu.dma_semaphore, #tpu.memory_space<semaphore_mem>>) src(%dma_wait3A_999 : memref<128x128xf32, #tpu.memory_space<vmem>>) dst(%dma_wait3A_995 : memref<128x128xf32, #tpu.memory_space<hbm>>)
        %mul3A_1000 = arith.constant 20 : i32
        %mul3A_1001 = arith.muli %add3A_208, %mul3A_1000 : i32
        %add3A_1002 = arith.constant 14 : i32
        %add3A_1003 = arith.addi %mul3A_1001, %add3A_1002 : i32
        %mul3A_1004 = arith.constant 128 : i32
        %mul3A_1005 = arith.muli %add3A_1003, %mul3A_1004 : i32
        %dma_start3A_1006 = arith.constant 4 : i32
        %dma_start3A_1007 = arith.constant 0 : i32
        %dma_start3A_1008 = arith.constant 0 : i32
        %dma_start3A_1009 = tpu.memref_slice %arg6[%dma_start3A_1006, %dma_start3A_1007, %dma_start3A_1008] : memref<5x128x128xf32, #tpu.memory_space<vmem>> -> memref<1x128x128xf32, #tpu.memory_space<vmem>>
        %dma_start3A_1010 = tpu.memref_squeeze %dma_start3A_1009 : memref<1x128x128xf32, #tpu.memory_space<vmem>> -> memref<128x128xf32, #tpu.memory_space<vmem>>
        %dma_start3A_1011 = tpu.memref_slice %arg5[%mul3A_1005] : memref<20480xi32, #tpu.memory_space<vmem>> -> memref<128xi32, #tpu.memory_space<vmem>>
        %dma_start3A_1012 = arith.constant 0 : i32
        %dma_start3A_1013 = arith.constant 0 : i32
        %dma_start3A_1014 = tpu.memref_slice %arg3[%dma_start3A_1012, %dma_start3A_1013] : memref<36864x128xf32, #tpu.memory_space<hbm>> -> memref<36864x128xf32, #tpu.memory_space<hbm>>
        tpu.enqueue_indirect_dma source(%dma_start3A_1014 : memref<36864x128xf32, #tpu.memory_space<hbm>>) target(%dma_start3A_1010 : memref<128x128xf32, #tpu.memory_space<vmem>>) offsets(%dma_start3A_1011 : memref<128xi32, #tpu.memory_space<vmem>>) semaphore(%arg7 : memref<!tpu.dma_semaphore, #tpu.memory_space<semaphore_mem>>)
        %dma_wait3A_1015 = arith.constant 0 : i32
        %dma_wait3A_1016 = arith.constant 0 : i32
        %dma_wait3A_1017 = arith.constant 0 : i32
        %dma_wait3A_1018 = tpu.memref_slice %arg6[%dma_wait3A_1015, %dma_wait3A_1016, %dma_wait3A_1017] : memref<5x128x128xf32, #tpu.memory_space<vmem>> -> memref<1x128x128xf32, #tpu.memory_space<vmem>>
        %dma_wait3A_1019 = tpu.memref_squeeze %dma_wait3A_1018 : memref<1x128x128xf32, #tpu.memory_space<vmem>> -> memref<128x128xf32, #tpu.memory_space<vmem>>
        %dma_wait3A_1020 = arith.constant 0 : i32
        %dma_wait3A_1021 = arith.constant 0 : i32
        %dma_wait3A_1022 = tpu.memref_slice %arg3[%dma_wait3A_1020, %dma_wait3A_1021] : memref<36864x128xf32, #tpu.memory_space<hbm>> -> memref<128x128xf32, #tpu.memory_space<hbm>>
        %dma_wait3A_1023 = arith.constant 0 : i32
        %dma_wait3A_1024 = arith.constant 0 : i32
        %dma_wait3A_1025 = tpu.memref_slice %arg6[%dma_wait3A_1015, %dma_wait3A_1023, %dma_wait3A_1024] : memref<5x128x128xf32, #tpu.memory_space<vmem>> -> memref<1x128x128xf32, #tpu.memory_space<vmem>>
        %dma_wait3A_1026 = tpu.memref_squeeze %dma_wait3A_1025 : memref<1x128x128xf32, #tpu.memory_space<vmem>> -> memref<128x128xf32, #tpu.memory_space<vmem>>
        %dma_wait3A_1027 = arith.constant 0 : i32
        %dma_wait3A_1028 = arith.constant 0 : i32
        %dma_wait3A_1029 = tpu.memref_slice %arg3[%dma_wait3A_1027, %dma_wait3A_1028] : memref<36864x128xf32, #tpu.memory_space<hbm>> -> memref<128x128xf32, #tpu.memory_space<hbm>>
        tpu.wait_dma2 semaphore(%arg7 : memref<!tpu.dma_semaphore, #tpu.memory_space<semaphore_mem>>) src(%dma_wait3A_1029 : memref<128x128xf32, #tpu.memory_space<hbm>>) dst(%dma_wait3A_1026 : memref<128x128xf32, #tpu.memory_space<vmem>>)
        %add3A_1030 = arith.constant 14 : i32
        %add3A_1031 = arith.addi %add3A_211, %add3A_1030 : i32
        %sub3A_1032 = arith.constant 3 : i32
        %sub3A_1033 = arith.subi %add3A_1031, %sub3A_1032 : i32
        %mul3A_1034 = arith.constant 128 : i32
        %mul3A_1035 = arith.muli %sub3A_1033, %mul3A_1034 : i32
        %dma_start3A_1036 = arith.constant 1 : i32
        %dma_start3A_1037 = arith.constant 0 : i32
        %dma_start3A_1038 = arith.constant 0 : i32
        %dma_start3A_1039 = tpu.memref_slice %arg6[%dma_start3A_1036, %dma_start3A_1037, %dma_start3A_1038] : memref<5x128x128xf32, #tpu.memory_space<vmem>> -> memref<1x128x128xf32, #tpu.memory_space<vmem>>
        %dma_start3A_1040 = tpu.memref_squeeze %dma_start3A_1039 : memref<1x128x128xf32, #tpu.memory_space<vmem>> -> memref<128x128xf32, #tpu.memory_space<vmem>>
        %dma_start3A_1041 = arith.constant 0 : i32
        %dma_start3A_1042 = tpu.memref_slice %arg4[%mul3A_1035, %dma_start3A_1041] : memref<3276800x128xf32, #tpu.memory_space<hbm>> -> memref<128x128xf32, #tpu.memory_space<hbm>>
        %dma_start3A_1043 = arith.constant 0 : i32
        %dma_start3A_1044 = tpu.memref_slice %arg4[%mul3A_1035, %dma_start3A_1043] : memref<3276800x128xf32, #tpu.memory_space<hbm>> -> memref<128x128xf32, #tpu.memory_space<hbm>>
        %dma_start3A_1045 = arith.constant 0 : i32
        %dma_start3A_1046 = arith.constant 0 : i32
        %dma_start3A_1047 = tpu.memref_slice %arg6[%dma_start3A_1036, %dma_start3A_1045, %dma_start3A_1046] : memref<5x128x128xf32, #tpu.memory_space<vmem>> -> memref<1x128x128xf32, #tpu.memory_space<vmem>>
        %dma_start3A_1048 = tpu.memref_squeeze %dma_start3A_1047 : memref<1x128x128xf32, #tpu.memory_space<vmem>> -> memref<128x128xf32, #tpu.memory_space<vmem>>
        tpu.enqueue_dma source(%dma_start3A_1048 : memref<128x128xf32, #tpu.memory_space<vmem>>) target(%dma_start3A_1044 : memref<128x128xf32, #tpu.memory_space<hbm>>) target_semaphore(%arg8 : memref<!tpu.dma_semaphore, #tpu.memory_space<semaphore_mem>>)
        %dma_wait3A_1049 = arith.constant 0 : i32
        %dma_wait3A_1050 = arith.constant 0 : i32
        %dma_wait3A_1051 = arith.constant 0 : i32
        %dma_wait3A_1052 = tpu.memref_slice %arg6[%dma_wait3A_1049, %dma_wait3A_1050, %dma_wait3A_1051] : memref<5x128x128xf32, #tpu.memory_space<vmem>> -> memref<1x128x128xf32, #tpu.memory_space<vmem>>
        %dma_wait3A_1053 = tpu.memref_squeeze %dma_wait3A_1052 : memref<1x128x128xf32, #tpu.memory_space<vmem>> -> memref<128x128xf32, #tpu.memory_space<vmem>>
        %dma_wait3A_1054 = arith.constant 0 : i32
        %dma_wait3A_1055 = arith.constant 0 : i32
        %dma_wait3A_1056 = tpu.memref_slice %arg4[%dma_wait3A_1054, %dma_wait3A_1055] : memref<3276800x128xf32, #tpu.memory_space<hbm>> -> memref<128x128xf32, #tpu.memory_space<hbm>>
        %dma_wait3A_1057 = arith.constant 0 : i32
        %dma_wait3A_1058 = arith.constant 0 : i32
        %dma_wait3A_1059 = tpu.memref_slice %arg4[%dma_wait3A_1057, %dma_wait3A_1058] : memref<3276800x128xf32, #tpu.memory_space<hbm>> -> memref<128x128xf32, #tpu.memory_space<hbm>>
        %dma_wait3A_1060 = arith.constant 0 : i32
        %dma_wait3A_1061 = arith.constant 0 : i32
        %dma_wait3A_1062 = tpu.memref_slice %arg6[%dma_wait3A_1049, %dma_wait3A_1060, %dma_wait3A_1061] : memref<5x128x128xf32, #tpu.memory_space<vmem>> -> memref<1x128x128xf32, #tpu.memory_space<vmem>>
        %dma_wait3A_1063 = tpu.memref_squeeze %dma_wait3A_1062 : memref<1x128x128xf32, #tpu.memory_space<vmem>> -> memref<128x128xf32, #tpu.memory_space<vmem>>
        tpu.wait_dma2 semaphore(%arg8 : memref<!tpu.dma_semaphore, #tpu.memory_space<semaphore_mem>>) src(%dma_wait3A_1063 : memref<128x128xf32, #tpu.memory_space<vmem>>) dst(%dma_wait3A_1059 : memref<128x128xf32, #tpu.memory_space<hbm>>)
        %mul3A_1064 = arith.constant 20 : i32
        %mul3A_1065 = arith.muli %add3A_208, %mul3A_1064 : i32
        %add3A_1066 = arith.constant 15 : i32
        %add3A_1067 = arith.addi %mul3A_1065, %add3A_1066 : i32
        %mul3A_1068 = arith.constant 128 : i32
        %mul3A_1069 = arith.muli %add3A_1067, %mul3A_1068 : i32
        %dma_start3A_1070 = arith.constant 0 : i32
        %dma_start3A_1071 = arith.constant 0 : i32
        %dma_start3A_1072 = arith.constant 0 : i32
        %dma_start3A_1073 = tpu.memref_slice %arg6[%dma_start3A_1070, %dma_start3A_1071, %dma_start3A_1072] : memref<5x128x128xf32, #tpu.memory_space<vmem>> -> memref<1x128x128xf32, #tpu.memory_space<vmem>>
        %dma_start3A_1074 = tpu.memref_squeeze %dma_start3A_1073 : memref<1x128x128xf32, #tpu.memory_space<vmem>> -> memref<128x128xf32, #tpu.memory_space<vmem>>
        %dma_start3A_1075 = tpu.memref_slice %arg5[%mul3A_1069] : memref<20480xi32, #tpu.memory_space<vmem>> -> memref<128xi32, #tpu.memory_space<vmem>>
        %dma_start3A_1076 = arith.constant 0 : i32
        %dma_start3A_1077 = arith.constant 0 : i32
        %dma_start3A_1078 = tpu.memref_slice %arg3[%dma_start3A_1076, %dma_start3A_1077] : memref<36864x128xf32, #tpu.memory_space<hbm>> -> memref<36864x128xf32, #tpu.memory_space<hbm>>
        tpu.enqueue_indirect_dma source(%dma_start3A_1078 : memref<36864x128xf32, #tpu.memory_space<hbm>>) target(%dma_start3A_1074 : memref<128x128xf32, #tpu.memory_space<vmem>>) offsets(%dma_start3A_1075 : memref<128xi32, #tpu.memory_space<vmem>>) semaphore(%arg7 : memref<!tpu.dma_semaphore, #tpu.memory_space<semaphore_mem>>)
        %dma_wait3A_1079 = arith.constant 0 : i32
        %dma_wait3A_1080 = arith.constant 0 : i32
        %dma_wait3A_1081 = arith.constant 0 : i32
        %dma_wait3A_1082 = tpu.memref_slice %arg6[%dma_wait3A_1079, %dma_wait3A_1080, %dma_wait3A_1081] : memref<5x128x128xf32, #tpu.memory_space<vmem>> -> memref<1x128x128xf32, #tpu.memory_space<vmem>>
        %dma_wait3A_1083 = tpu.memref_squeeze %dma_wait3A_1082 : memref<1x128x128xf32, #tpu.memory_space<vmem>> -> memref<128x128xf32, #tpu.memory_space<vmem>>
        %dma_wait3A_1084 = arith.constant 0 : i32
        %dma_wait3A_1085 = arith.constant 0 : i32
        %dma_wait3A_1086 = tpu.memref_slice %arg3[%dma_wait3A_1084, %dma_wait3A_1085] : memref<36864x128xf32, #tpu.memory_space<hbm>> -> memref<128x128xf32, #tpu.memory_space<hbm>>
        %dma_wait3A_1087 = arith.constant 0 : i32
        %dma_wait3A_1088 = arith.constant 0 : i32
        %dma_wait3A_1089 = tpu.memref_slice %arg6[%dma_wait3A_1079, %dma_wait3A_1087, %dma_wait3A_1088] : memref<5x128x128xf32, #tpu.memory_space<vmem>> -> memref<1x128x128xf32, #tpu.memory_space<vmem>>
        %dma_wait3A_1090 = tpu.memref_squeeze %dma_wait3A_1089 : memref<1x128x128xf32, #tpu.memory_space<vmem>> -> memref<128x128xf32, #tpu.memory_space<vmem>>
        %dma_wait3A_1091 = arith.constant 0 : i32
        %dma_wait3A_1092 = arith.constant 0 : i32
        %dma_wait3A_1093 = tpu.memref_slice %arg3[%dma_wait3A_1091, %dma_wait3A_1092] : memref<36864x128xf32, #tpu.memory_space<hbm>> -> memref<128x128xf32, #tpu.memory_space<hbm>>
        tpu.wait_dma2 semaphore(%arg7 : memref<!tpu.dma_semaphore, #tpu.memory_space<semaphore_mem>>) src(%dma_wait3A_1093 : memref<128x128xf32, #tpu.memory_space<hbm>>) dst(%dma_wait3A_1090 : memref<128x128xf32, #tpu.memory_space<vmem>>)
        %add3A_1094 = arith.constant 15 : i32
        %add3A_1095 = arith.addi %add3A_211, %add3A_1094 : i32
        %sub3A_1096 = arith.constant 3 : i32
        %sub3A_1097 = arith.subi %add3A_1095, %sub3A_1096 : i32
        %mul3A_1098 = arith.constant 128 : i32
        %mul3A_1099 = arith.muli %sub3A_1097, %mul3A_1098 : i32
        %dma_start3A_1100 = arith.constant 2 : i32
        %dma_start3A_1101 = arith.constant 0 : i32
        %dma_start3A_1102 = arith.constant 0 : i32
        %dma_start3A_1103 = tpu.memref_slice %arg6[%dma_start3A_1100, %dma_start3A_1101, %dma_start3A_1102] : memref<5x128x128xf32, #tpu.memory_space<vmem>> -> memref<1x128x128xf32, #tpu.memory_space<vmem>>
        %dma_start3A_1104 = tpu.memref_squeeze %dma_start3A_1103 : memref<1x128x128xf32, #tpu.memory_space<vmem>> -> memref<128x128xf32, #tpu.memory_space<vmem>>
        %dma_start3A_1105 = arith.constant 0 : i32
        %dma_start3A_1106 = tpu.memref_slice %arg4[%mul3A_1099, %dma_start3A_1105] : memref<3276800x128xf32, #tpu.memory_space<hbm>> -> memref<128x128xf32, #tpu.memory_space<hbm>>
        %dma_start3A_1107 = arith.constant 0 : i32
        %dma_start3A_1108 = tpu.memref_slice %arg4[%mul3A_1099, %dma_start3A_1107] : memref<3276800x128xf32, #tpu.memory_space<hbm>> -> memref<128x128xf32, #tpu.memory_space<hbm>>
        %dma_start3A_1109 = arith.constant 0 : i32
        %dma_start3A_1110 = arith.constant 0 : i32
        %dma_start3A_1111 = tpu.memref_slice %arg6[%dma_start3A_1100, %dma_start3A_1109, %dma_start3A_1110] : memref<5x128x128xf32, #tpu.memory_space<vmem>> -> memref<1x128x128xf32, #tpu.memory_space<vmem>>
        %dma_start3A_1112 = tpu.memref_squeeze %dma_start3A_1111 : memref<1x128x128xf32, #tpu.memory_space<vmem>> -> memref<128x128xf32, #tpu.memory_space<vmem>>
        tpu.enqueue_dma source(%dma_start3A_1112 : memref<128x128xf32, #tpu.memory_space<vmem>>) target(%dma_start3A_1108 : memref<128x128xf32, #tpu.memory_space<hbm>>) target_semaphore(%arg8 : memref<!tpu.dma_semaphore, #tpu.memory_space<semaphore_mem>>)
        %dma_wait3A_1113 = arith.constant 0 : i32
        %dma_wait3A_1114 = arith.constant 0 : i32
        %dma_wait3A_1115 = arith.constant 0 : i32
        %dma_wait3A_1116 = tpu.memref_slice %arg6[%dma_wait3A_1113, %dma_wait3A_1114, %dma_wait3A_1115] : memref<5x128x128xf32, #tpu.memory_space<vmem>> -> memref<1x128x128xf32, #tpu.memory_space<vmem>>
        %dma_wait3A_1117 = tpu.memref_squeeze %dma_wait3A_1116 : memref<1x128x128xf32, #tpu.memory_space<vmem>> -> memref<128x128xf32, #tpu.memory_space<vmem>>
        %dma_wait3A_1118 = arith.constant 0 : i32
        %dma_wait3A_1119 = arith.constant 0 : i32
        %dma_wait3A_1120 = tpu.memref_slice %arg4[%dma_wait3A_1118, %dma_wait3A_1119] : memref<3276800x128xf32, #tpu.memory_space<hbm>> -> memref<128x128xf32, #tpu.memory_space<hbm>>
        %dma_wait3A_1121 = arith.constant 0 : i32
        %dma_wait3A_1122 = arith.constant 0 : i32
        %dma_wait3A_1123 = tpu.memref_slice %arg4[%dma_wait3A_1121, %dma_wait3A_1122] : memref<3276800x128xf32, #tpu.memory_space<hbm>> -> memref<128x128xf32, #tpu.memory_space<hbm>>
        %dma_wait3A_1124 = arith.constant 0 : i32
        %dma_wait3A_1125 = arith.constant 0 : i32
        %dma_wait3A_1126 = tpu.memref_slice %arg6[%dma_wait3A_1113, %dma_wait3A_1124, %dma_wait3A_1125] : memref<5x128x128xf32, #tpu.memory_space<vmem>> -> memref<1x128x128xf32, #tpu.memory_space<vmem>>
        %dma_wait3A_1127 = tpu.memref_squeeze %dma_wait3A_1126 : memref<1x128x128xf32, #tpu.memory_space<vmem>> -> memref<128x128xf32, #tpu.memory_space<vmem>>
        tpu.wait_dma2 semaphore(%arg8 : memref<!tpu.dma_semaphore, #tpu.memory_space<semaphore_mem>>) src(%dma_wait3A_1127 : memref<128x128xf32, #tpu.memory_space<vmem>>) dst(%dma_wait3A_1123 : memref<128x128xf32, #tpu.memory_space<hbm>>)
        %mul3A_1128 = arith.constant 20 : i32
        %mul3A_1129 = arith.muli %add3A_208, %mul3A_1128 : i32
        %add3A_1130 = arith.constant 16 : i32
        %add3A_1131 = arith.addi %mul3A_1129, %add3A_1130 : i32
        %mul3A_1132 = arith.constant 128 : i32
        %mul3A_1133 = arith.muli %add3A_1131, %mul3A_1132 : i32
        %dma_start3A_1134 = arith.constant 1 : i32
        %dma_start3A_1135 = arith.constant 0 : i32
        %dma_start3A_1136 = arith.constant 0 : i32
        %dma_start3A_1137 = tpu.memref_slice %arg6[%dma_start3A_1134, %dma_start3A_1135, %dma_start3A_1136] : memref<5x128x128xf32, #tpu.memory_space<vmem>> -> memref<1x128x128xf32, #tpu.memory_space<vmem>>
        %dma_start3A_1138 = tpu.memref_squeeze %dma_start3A_1137 : memref<1x128x128xf32, #tpu.memory_space<vmem>> -> memref<128x128xf32, #tpu.memory_space<vmem>>
        %dma_start3A_1139 = tpu.memref_slice %arg5[%mul3A_1133] : memref<20480xi32, #tpu.memory_space<vmem>> -> memref<128xi32, #tpu.memory_space<vmem>>
        %dma_start3A_1140 = arith.constant 0 : i32
        %dma_start3A_1141 = arith.constant 0 : i32
        %dma_start3A_1142 = tpu.memref_slice %arg3[%dma_start3A_1140, %dma_start3A_1141] : memref<36864x128xf32, #tpu.memory_space<hbm>> -> memref<36864x128xf32, #tpu.memory_space<hbm>>
        tpu.enqueue_indirect_dma source(%dma_start3A_1142 : memref<36864x128xf32, #tpu.memory_space<hbm>>) target(%dma_start3A_1138 : memref<128x128xf32, #tpu.memory_space<vmem>>) offsets(%dma_start3A_1139 : memref<128xi32, #tpu.memory_space<vmem>>) semaphore(%arg7 : memref<!tpu.dma_semaphore, #tpu.memory_space<semaphore_mem>>)
        %dma_wait3A_1143 = arith.constant 0 : i32
        %dma_wait3A_1144 = arith.constant 0 : i32
        %dma_wait3A_1145 = arith.constant 0 : i32
        %dma_wait3A_1146 = tpu.memref_slice %arg6[%dma_wait3A_1143, %dma_wait3A_1144, %dma_wait3A_1145] : memref<5x128x128xf32, #tpu.memory_space<vmem>> -> memref<1x128x128xf32, #tpu.memory_space<vmem>>
        %dma_wait3A_1147 = tpu.memref_squeeze %dma_wait3A_1146 : memref<1x128x128xf32, #tpu.memory_space<vmem>> -> memref<128x128xf32, #tpu.memory_space<vmem>>
        %dma_wait3A_1148 = arith.constant 0 : i32
        %dma_wait3A_1149 = arith.constant 0 : i32
        %dma_wait3A_1150 = tpu.memref_slice %arg3[%dma_wait3A_1148, %dma_wait3A_1149] : memref<36864x128xf32, #tpu.memory_space<hbm>> -> memref<128x128xf32, #tpu.memory_space<hbm>>
        %dma_wait3A_1151 = arith.constant 0 : i32
        %dma_wait3A_1152 = arith.constant 0 : i32
        %dma_wait3A_1153 = tpu.memref_slice %arg6[%dma_wait3A_1143, %dma_wait3A_1151, %dma_wait3A_1152] : memref<5x128x128xf32, #tpu.memory_space<vmem>> -> memref<1x128x128xf32, #tpu.memory_space<vmem>>
        %dma_wait3A_1154 = tpu.memref_squeeze %dma_wait3A_1153 : memref<1x128x128xf32, #tpu.memory_space<vmem>> -> memref<128x128xf32, #tpu.memory_space<vmem>>
        %dma_wait3A_1155 = arith.constant 0 : i32
        %dma_wait3A_1156 = arith.constant 0 : i32
        %dma_wait3A_1157 = tpu.memref_slice %arg3[%dma_wait3A_1155, %dma_wait3A_1156] : memref<36864x128xf32, #tpu.memory_space<hbm>> -> memref<128x128xf32, #tpu.memory_space<hbm>>
        tpu.wait_dma2 semaphore(%arg7 : memref<!tpu.dma_semaphore, #tpu.memory_space<semaphore_mem>>) src(%dma_wait3A_1157 : memref<128x128xf32, #tpu.memory_space<hbm>>) dst(%dma_wait3A_1154 : memref<128x128xf32, #tpu.memory_space<vmem>>)
        %add3A_1158 = arith.constant 16 : i32
        %add3A_1159 = arith.addi %add3A_211, %add3A_1158 : i32
        %sub3A_1160 = arith.constant 3 : i32
        %sub3A_1161 = arith.subi %add3A_1159, %sub3A_1160 : i32
        %mul3A_1162 = arith.constant 128 : i32
        %mul3A_1163 = arith.muli %sub3A_1161, %mul3A_1162 : i32
        %dma_start3A_1164 = arith.constant 3 : i32
        %dma_start3A_1165 = arith.constant 0 : i32
        %dma_start3A_1166 = arith.constant 0 : i32
        %dma_start3A_1167 = tpu.memref_slice %arg6[%dma_start3A_1164, %dma_start3A_1165, %dma_start3A_1166] : memref<5x128x128xf32, #tpu.memory_space<vmem>> -> memref<1x128x128xf32, #tpu.memory_space<vmem>>
        %dma_start3A_1168 = tpu.memref_squeeze %dma_start3A_1167 : memref<1x128x128xf32, #tpu.memory_space<vmem>> -> memref<128x128xf32, #tpu.memory_space<vmem>>
        %dma_start3A_1169 = arith.constant 0 : i32
        %dma_start3A_1170 = tpu.memref_slice %arg4[%mul3A_1163, %dma_start3A_1169] : memref<3276800x128xf32, #tpu.memory_space<hbm>> -> memref<128x128xf32, #tpu.memory_space<hbm>>
        %dma_start3A_1171 = arith.constant 0 : i32
        %dma_start3A_1172 = tpu.memref_slice %arg4[%mul3A_1163, %dma_start3A_1171] : memref<3276800x128xf32, #tpu.memory_space<hbm>> -> memref<128x128xf32, #tpu.memory_space<hbm>>
        %dma_start3A_1173 = arith.constant 0 : i32
        %dma_start3A_1174 = arith.constant 0 : i32
        %dma_start3A_1175 = tpu.memref_slice %arg6[%dma_start3A_1164, %dma_start3A_1173, %dma_start3A_1174] : memref<5x128x128xf32, #tpu.memory_space<vmem>> -> memref<1x128x128xf32, #tpu.memory_space<vmem>>
        %dma_start3A_1176 = tpu.memref_squeeze %dma_start3A_1175 : memref<1x128x128xf32, #tpu.memory_space<vmem>> -> memref<128x128xf32, #tpu.memory_space<vmem>>
        tpu.enqueue_dma source(%dma_start3A_1176 : memref<128x128xf32, #tpu.memory_space<vmem>>) target(%dma_start3A_1172 : memref<128x128xf32, #tpu.memory_space<hbm>>) target_semaphore(%arg8 : memref<!tpu.dma_semaphore, #tpu.memory_space<semaphore_mem>>)
        %dma_wait3A_1177 = arith.constant 0 : i32
        %dma_wait3A_1178 = arith.constant 0 : i32
        %dma_wait3A_1179 = arith.constant 0 : i32
        %dma_wait3A_1180 = tpu.memref_slice %arg6[%dma_wait3A_1177, %dma_wait3A_1178, %dma_wait3A_1179] : memref<5x128x128xf32, #tpu.memory_space<vmem>> -> memref<1x128x128xf32, #tpu.memory_space<vmem>>
        %dma_wait3A_1181 = tpu.memref_squeeze %dma_wait3A_1180 : memref<1x128x128xf32, #tpu.memory_space<vmem>> -> memref<128x128xf32, #tpu.memory_space<vmem>>
        %dma_wait3A_1182 = arith.constant 0 : i32
        %dma_wait3A_1183 = arith.constant 0 : i32
        %dma_wait3A_1184 = tpu.memref_slice %arg4[%dma_wait3A_1182, %dma_wait3A_1183] : memref<3276800x128xf32, #tpu.memory_space<hbm>> -> memref<128x128xf32, #tpu.memory_space<hbm>>
        %dma_wait3A_1185 = arith.constant 0 : i32
        %dma_wait3A_1186 = arith.constant 0 : i32
        %dma_wait3A_1187 = tpu.memref_slice %arg4[%dma_wait3A_1185, %dma_wait3A_1186] : memref<3276800x128xf32, #tpu.memory_space<hbm>> -> memref<128x128xf32, #tpu.memory_space<hbm>>
        %dma_wait3A_1188 = arith.constant 0 : i32
        %dma_wait3A_1189 = arith.constant 0 : i32
        %dma_wait3A_1190 = tpu.memref_slice %arg6[%dma_wait3A_1177, %dma_wait3A_1188, %dma_wait3A_1189] : memref<5x128x128xf32, #tpu.memory_space<vmem>> -> memref<1x128x128xf32, #tpu.memory_space<vmem>>
        %dma_wait3A_1191 = tpu.memref_squeeze %dma_wait3A_1190 : memref<1x128x128xf32, #tpu.memory_space<vmem>> -> memref<128x128xf32, #tpu.memory_space<vmem>>
        tpu.wait_dma2 semaphore(%arg8 : memref<!tpu.dma_semaphore, #tpu.memory_space<semaphore_mem>>) src(%dma_wait3A_1191 : memref<128x128xf32, #tpu.memory_space<vmem>>) dst(%dma_wait3A_1187 : memref<128x128xf32, #tpu.memory_space<hbm>>)
        %mul3A_1192 = arith.constant 20 : i32
        %mul3A_1193 = arith.muli %add3A_208, %mul3A_1192 : i32
        %add3A_1194 = arith.constant 17 : i32
        %add3A_1195 = arith.addi %mul3A_1193, %add3A_1194 : i32
        %mul3A_1196 = arith.constant 128 : i32
        %mul3A_1197 = arith.muli %add3A_1195, %mul3A_1196 : i32
        %dma_start3A_1198 = arith.constant 2 : i32
        %dma_start3A_1199 = arith.constant 0 : i32
        %dma_start3A_1200 = arith.constant 0 : i32
        %dma_start3A_1201 = tpu.memref_slice %arg6[%dma_start3A_1198, %dma_start3A_1199, %dma_start3A_1200] : memref<5x128x128xf32, #tpu.memory_space<vmem>> -> memref<1x128x128xf32, #tpu.memory_space<vmem>>
        %dma_start3A_1202 = tpu.memref_squeeze %dma_start3A_1201 : memref<1x128x128xf32, #tpu.memory_space<vmem>> -> memref<128x128xf32, #tpu.memory_space<vmem>>
        %dma_start3A_1203 = tpu.memref_slice %arg5[%mul3A_1197] : memref<20480xi32, #tpu.memory_space<vmem>> -> memref<128xi32, #tpu.memory_space<vmem>>
        %dma_start3A_1204 = arith.constant 0 : i32
        %dma_start3A_1205 = arith.constant 0 : i32
        %dma_start3A_1206 = tpu.memref_slice %arg3[%dma_start3A_1204, %dma_start3A_1205] : memref<36864x128xf32, #tpu.memory_space<hbm>> -> memref<36864x128xf32, #tpu.memory_space<hbm>>
        tpu.enqueue_indirect_dma source(%dma_start3A_1206 : memref<36864x128xf32, #tpu.memory_space<hbm>>) target(%dma_start3A_1202 : memref<128x128xf32, #tpu.memory_space<vmem>>) offsets(%dma_start3A_1203 : memref<128xi32, #tpu.memory_space<vmem>>) semaphore(%arg7 : memref<!tpu.dma_semaphore, #tpu.memory_space<semaphore_mem>>)
        %dma_wait3A_1207 = arith.constant 0 : i32
        %dma_wait3A_1208 = arith.constant 0 : i32
        %dma_wait3A_1209 = arith.constant 0 : i32
        %dma_wait3A_1210 = tpu.memref_slice %arg6[%dma_wait3A_1207, %dma_wait3A_1208, %dma_wait3A_1209] : memref<5x128x128xf32, #tpu.memory_space<vmem>> -> memref<1x128x128xf32, #tpu.memory_space<vmem>>
        %dma_wait3A_1211 = tpu.memref_squeeze %dma_wait3A_1210 : memref<1x128x128xf32, #tpu.memory_space<vmem>> -> memref<128x128xf32, #tpu.memory_space<vmem>>
        %dma_wait3A_1212 = arith.constant 0 : i32
        %dma_wait3A_1213 = arith.constant 0 : i32
        %dma_wait3A_1214 = tpu.memref_slice %arg3[%dma_wait3A_1212, %dma_wait3A_1213] : memref<36864x128xf32, #tpu.memory_space<hbm>> -> memref<128x128xf32, #tpu.memory_space<hbm>>
        %dma_wait3A_1215 = arith.constant 0 : i32
        %dma_wait3A_1216 = arith.constant 0 : i32
        %dma_wait3A_1217 = tpu.memref_slice %arg6[%dma_wait3A_1207, %dma_wait3A_1215, %dma_wait3A_1216] : memref<5x128x128xf32, #tpu.memory_space<vmem>> -> memref<1x128x128xf32, #tpu.memory_space<vmem>>
        %dma_wait3A_1218 = tpu.memref_squeeze %dma_wait3A_1217 : memref<1x128x128xf32, #tpu.memory_space<vmem>> -> memref<128x128xf32, #tpu.memory_space<vmem>>
        %dma_wait3A_1219 = arith.constant 0 : i32
        %dma_wait3A_1220 = arith.constant 0 : i32
        %dma_wait3A_1221 = tpu.memref_slice %arg3[%dma_wait3A_1219, %dma_wait3A_1220] : memref<36864x128xf32, #tpu.memory_space<hbm>> -> memref<128x128xf32, #tpu.memory_space<hbm>>
        tpu.wait_dma2 semaphore(%arg7 : memref<!tpu.dma_semaphore, #tpu.memory_space<semaphore_mem>>) src(%dma_wait3A_1221 : memref<128x128xf32, #tpu.memory_space<hbm>>) dst(%dma_wait3A_1218 : memref<128x128xf32, #tpu.memory_space<vmem>>)
        %add3A_1222 = arith.constant 17 : i32
        %add3A_1223 = arith.addi %add3A_211, %add3A_1222 : i32
        %sub3A_1224 = arith.constant 3 : i32
        %sub3A_1225 = arith.subi %add3A_1223, %sub3A_1224 : i32
        %mul3A_1226 = arith.constant 128 : i32
        %mul3A_1227 = arith.muli %sub3A_1225, %mul3A_1226 : i32
        %dma_start3A_1228 = arith.constant 4 : i32
        %dma_start3A_1229 = arith.constant 0 : i32
        %dma_start3A_1230 = arith.constant 0 : i32
        %dma_start3A_1231 = tpu.memref_slice %arg6[%dma_start3A_1228, %dma_start3A_1229, %dma_start3A_1230] : memref<5x128x128xf32, #tpu.memory_space<vmem>> -> memref<1x128x128xf32, #tpu.memory_space<vmem>>
        %dma_start3A_1232 = tpu.memref_squeeze %dma_start3A_1231 : memref<1x128x128xf32, #tpu.memory_space<vmem>> -> memref<128x128xf32, #tpu.memory_space<vmem>>
        %dma_start3A_1233 = arith.constant 0 : i32
        %dma_start3A_1234 = tpu.memref_slice %arg4[%mul3A_1227, %dma_start3A_1233] : memref<3276800x128xf32, #tpu.memory_space<hbm>> -> memref<128x128xf32, #tpu.memory_space<hbm>>
        %dma_start3A_1235 = arith.constant 0 : i32
        %dma_start3A_1236 = tpu.memref_slice %arg4[%mul3A_1227, %dma_start3A_1235] : memref<3276800x128xf32, #tpu.memory_space<hbm>> -> memref<128x128xf32, #tpu.memory_space<hbm>>
        %dma_start3A_1237 = arith.constant 0 : i32
        %dma_start3A_1238 = arith.constant 0 : i32
        %dma_start3A_1239 = tpu.memref_slice %arg6[%dma_start3A_1228, %dma_start3A_1237, %dma_start3A_1238] : memref<5x128x128xf32, #tpu.memory_space<vmem>> -> memref<1x128x128xf32, #tpu.memory_space<vmem>>
        %dma_start3A_1240 = tpu.memref_squeeze %dma_start3A_1239 : memref<1x128x128xf32, #tpu.memory_space<vmem>> -> memref<128x128xf32, #tpu.memory_space<vmem>>
        tpu.enqueue_dma source(%dma_start3A_1240 : memref<128x128xf32, #tpu.memory_space<vmem>>) target(%dma_start3A_1236 : memref<128x128xf32, #tpu.memory_space<hbm>>) target_semaphore(%arg8 : memref<!tpu.dma_semaphore, #tpu.memory_space<semaphore_mem>>)
        %dma_wait3A_1241 = arith.constant 0 : i32
        %dma_wait3A_1242 = arith.constant 0 : i32
        %dma_wait3A_1243 = arith.constant 0 : i32
        %dma_wait3A_1244 = tpu.memref_slice %arg6[%dma_wait3A_1241, %dma_wait3A_1242, %dma_wait3A_1243] : memref<5x128x128xf32, #tpu.memory_space<vmem>> -> memref<1x128x128xf32, #tpu.memory_space<vmem>>
        %dma_wait3A_1245 = tpu.memref_squeeze %dma_wait3A_1244 : memref<1x128x128xf32, #tpu.memory_space<vmem>> -> memref<128x128xf32, #tpu.memory_space<vmem>>
        %dma_wait3A_1246 = arith.constant 0 : i32
        %dma_wait3A_1247 = arith.constant 0 : i32
        %dma_wait3A_1248 = tpu.memref_slice %arg4[%dma_wait3A_1246, %dma_wait3A_1247] : memref<3276800x128xf32, #tpu.memory_space<hbm>> -> memref<128x128xf32, #tpu.memory_space<hbm>>
        %dma_wait3A_1249 = arith.constant 0 : i32
        %dma_wait3A_1250 = arith.constant 0 : i32
        %dma_wait3A_1251 = tpu.memref_slice %arg4[%dma_wait3A_1249, %dma_wait3A_1250] : memref<3276800x128xf32, #tpu.memory_space<hbm>> -> memref<128x128xf32, #tpu.memory_space<hbm>>
        %dma_wait3A_1252 = arith.constant 0 : i32
        %dma_wait3A_1253 = arith.constant 0 : i32
        %dma_wait3A_1254 = tpu.memref_slice %arg6[%dma_wait3A_1241, %dma_wait3A_1252, %dma_wait3A_1253] : memref<5x128x128xf32, #tpu.memory_space<vmem>> -> memref<1x128x128xf32, #tpu.memory_space<vmem>>
        %dma_wait3A_1255 = tpu.memref_squeeze %dma_wait3A_1254 : memref<1x128x128xf32, #tpu.memory_space<vmem>> -> memref<128x128xf32, #tpu.memory_space<vmem>>
        tpu.wait_dma2 semaphore(%arg8 : memref<!tpu.dma_semaphore, #tpu.memory_space<semaphore_mem>>) src(%dma_wait3A_1255 : memref<128x128xf32, #tpu.memory_space<vmem>>) dst(%dma_wait3A_1251 : memref<128x128xf32, #tpu.memory_space<hbm>>)
        %mul3A_1256 = arith.constant 20 : i32
        %mul3A_1257 = arith.muli %add3A_208, %mul3A_1256 : i32
        %add3A_1258 = arith.constant 18 : i32
        %add3A_1259 = arith.addi %mul3A_1257, %add3A_1258 : i32
        %mul3A_1260 = arith.constant 128 : i32
        %mul3A_1261 = arith.muli %add3A_1259, %mul3A_1260 : i32
        %dma_start3A_1262 = arith.constant 3 : i32
        %dma_start3A_1263 = arith.constant 0 : i32
        %dma_start3A_1264 = arith.constant 0 : i32
        %dma_start3A_1265 = tpu.memref_slice %arg6[%dma_start3A_1262, %dma_start3A_1263, %dma_start3A_1264] : memref<5x128x128xf32, #tpu.memory_space<vmem>> -> memref<1x128x128xf32, #tpu.memory_space<vmem>>
        %dma_start3A_1266 = tpu.memref_squeeze %dma_start3A_1265 : memref<1x128x128xf32, #tpu.memory_space<vmem>> -> memref<128x128xf32, #tpu.memory_space<vmem>>
        %dma_start3A_1267 = tpu.memref_slice %arg5[%mul3A_1261] : memref<20480xi32, #tpu.memory_space<vmem>> -> memref<128xi32, #tpu.memory_space<vmem>>
        %dma_start3A_1268 = arith.constant 0 : i32
        %dma_start3A_1269 = arith.constant 0 : i32
        %dma_start3A_1270 = tpu.memref_slice %arg3[%dma_start3A_1268, %dma_start3A_1269] : memref<36864x128xf32, #tpu.memory_space<hbm>> -> memref<36864x128xf32, #tpu.memory_space<hbm>>
        tpu.enqueue_indirect_dma source(%dma_start3A_1270 : memref<36864x128xf32, #tpu.memory_space<hbm>>) target(%dma_start3A_1266 : memref<128x128xf32, #tpu.memory_space<vmem>>) offsets(%dma_start3A_1267 : memref<128xi32, #tpu.memory_space<vmem>>) semaphore(%arg7 : memref<!tpu.dma_semaphore, #tpu.memory_space<semaphore_mem>>)
        %dma_wait3A_1271 = arith.constant 0 : i32
        %dma_wait3A_1272 = arith.constant 0 : i32
        %dma_wait3A_1273 = arith.constant 0 : i32
        %dma_wait3A_1274 = tpu.memref_slice %arg6[%dma_wait3A_1271, %dma_wait3A_1272, %dma_wait3A_1273] : memref<5x128x128xf32, #tpu.memory_space<vmem>> -> memref<1x128x128xf32, #tpu.memory_space<vmem>>
        %dma_wait3A_1275 = tpu.memref_squeeze %dma_wait3A_1274 : memref<1x128x128xf32, #tpu.memory_space<vmem>> -> memref<128x128xf32, #tpu.memory_space<vmem>>
        %dma_wait3A_1276 = arith.constant 0 : i32
        %dma_wait3A_1277 = arith.constant 0 : i32
        %dma_wait3A_1278 = tpu.memref_slice %arg3[%dma_wait3A_1276, %dma_wait3A_1277] : memref<36864x128xf32, #tpu.memory_space<hbm>> -> memref<128x128xf32, #tpu.memory_space<hbm>>
        %dma_wait3A_1279 = arith.constant 0 : i32
        %dma_wait3A_1280 = arith.constant 0 : i32
        %dma_wait3A_1281 = tpu.memref_slice %arg6[%dma_wait3A_1271, %dma_wait3A_1279, %dma_wait3A_1280] : memref<5x128x128xf32, #tpu.memory_space<vmem>> -> memref<1x128x128xf32, #tpu.memory_space<vmem>>
        %dma_wait3A_1282 = tpu.memref_squeeze %dma_wait3A_1281 : memref<1x128x128xf32, #tpu.memory_space<vmem>> -> memref<128x128xf32, #tpu.memory_space<vmem>>
        %dma_wait3A_1283 = arith.constant 0 : i32
        %dma_wait3A_1284 = arith.constant 0 : i32
        %dma_wait3A_1285 = tpu.memref_slice %arg3[%dma_wait3A_1283, %dma_wait3A_1284] : memref<36864x128xf32, #tpu.memory_space<hbm>> -> memref<128x128xf32, #tpu.memory_space<hbm>>
        tpu.wait_dma2 semaphore(%arg7 : memref<!tpu.dma_semaphore, #tpu.memory_space<semaphore_mem>>) src(%dma_wait3A_1285 : memref<128x128xf32, #tpu.memory_space<hbm>>) dst(%dma_wait3A_1282 : memref<128x128xf32, #tpu.memory_space<vmem>>)
        %add3A_1286 = arith.constant 18 : i32
        %add3A_1287 = arith.addi %add3A_211, %add3A_1286 : i32
        %sub3A_1288 = arith.constant 3 : i32
        %sub3A_1289 = arith.subi %add3A_1287, %sub3A_1288 : i32
        %mul3A_1290 = arith.constant 128 : i32
        %mul3A_1291 = arith.muli %sub3A_1289, %mul3A_1290 : i32
        %dma_start3A_1292 = arith.constant 0 : i32
        %dma_start3A_1293 = arith.constant 0 : i32
        %dma_start3A_1294 = arith.constant 0 : i32
        %dma_start3A_1295 = tpu.memref_slice %arg6[%dma_start3A_1292, %dma_start3A_1293, %dma_start3A_1294] : memref<5x128x128xf32, #tpu.memory_space<vmem>> -> memref<1x128x128xf32, #tpu.memory_space<vmem>>
        %dma_start3A_1296 = tpu.memref_squeeze %dma_start3A_1295 : memref<1x128x128xf32, #tpu.memory_space<vmem>> -> memref<128x128xf32, #tpu.memory_space<vmem>>
        %dma_start3A_1297 = arith.constant 0 : i32
        %dma_start3A_1298 = tpu.memref_slice %arg4[%mul3A_1291, %dma_start3A_1297] : memref<3276800x128xf32, #tpu.memory_space<hbm>> -> memref<128x128xf32, #tpu.memory_space<hbm>>
        %dma_start3A_1299 = arith.constant 0 : i32
        %dma_start3A_1300 = tpu.memref_slice %arg4[%mul3A_1291, %dma_start3A_1299] : memref<3276800x128xf32, #tpu.memory_space<hbm>> -> memref<128x128xf32, #tpu.memory_space<hbm>>
        %dma_start3A_1301 = arith.constant 0 : i32
        %dma_start3A_1302 = arith.constant 0 : i32
        %dma_start3A_1303 = tpu.memref_slice %arg6[%dma_start3A_1292, %dma_start3A_1301, %dma_start3A_1302] : memref<5x128x128xf32, #tpu.memory_space<vmem>> -> memref<1x128x128xf32, #tpu.memory_space<vmem>>
        %dma_start3A_1304 = tpu.memref_squeeze %dma_start3A_1303 : memref<1x128x128xf32, #tpu.memory_space<vmem>> -> memref<128x128xf32, #tpu.memory_space<vmem>>
        tpu.enqueue_dma source(%dma_start3A_1304 : memref<128x128xf32, #tpu.memory_space<vmem>>) target(%dma_start3A_1300 : memref<128x128xf32, #tpu.memory_space<hbm>>) target_semaphore(%arg8 : memref<!tpu.dma_semaphore, #tpu.memory_space<semaphore_mem>>)
        %dma_wait3A_1305 = arith.constant 0 : i32
        %dma_wait3A_1306 = arith.constant 0 : i32
        %dma_wait3A_1307 = arith.constant 0 : i32
        %dma_wait3A_1308 = tpu.memref_slice %arg6[%dma_wait3A_1305, %dma_wait3A_1306, %dma_wait3A_1307] : memref<5x128x128xf32, #tpu.memory_space<vmem>> -> memref<1x128x128xf32, #tpu.memory_space<vmem>>
        %dma_wait3A_1309 = tpu.memref_squeeze %dma_wait3A_1308 : memref<1x128x128xf32, #tpu.memory_space<vmem>> -> memref<128x128xf32, #tpu.memory_space<vmem>>
        %dma_wait3A_1310 = arith.constant 0 : i32
        %dma_wait3A_1311 = arith.constant 0 : i32
        %dma_wait3A_1312 = tpu.memref_slice %arg4[%dma_wait3A_1310, %dma_wait3A_1311] : memref<3276800x128xf32, #tpu.memory_space<hbm>> -> memref<128x128xf32, #tpu.memory_space<hbm>>
        %dma_wait3A_1313 = arith.constant 0 : i32
        %dma_wait3A_1314 = arith.constant 0 : i32
        %dma_wait3A_1315 = tpu.memref_slice %arg4[%dma_wait3A_1313, %dma_wait3A_1314] : memref<3276800x128xf32, #tpu.memory_space<hbm>> -> memref<128x128xf32, #tpu.memory_space<hbm>>
        %dma_wait3A_1316 = arith.constant 0 : i32
        %dma_wait3A_1317 = arith.constant 0 : i32
        %dma_wait3A_1318 = tpu.memref_slice %arg6[%dma_wait3A_1305, %dma_wait3A_1316, %dma_wait3A_1317] : memref<5x128x128xf32, #tpu.memory_space<vmem>> -> memref<1x128x128xf32, #tpu.memory_space<vmem>>
        %dma_wait3A_1319 = tpu.memref_squeeze %dma_wait3A_1318 : memref<1x128x128xf32, #tpu.memory_space<vmem>> -> memref<128x128xf32, #tpu.memory_space<vmem>>
        tpu.wait_dma2 semaphore(%arg8 : memref<!tpu.dma_semaphore, #tpu.memory_space<semaphore_mem>>) src(%dma_wait3A_1319 : memref<128x128xf32, #tpu.memory_space<vmem>>) dst(%dma_wait3A_1315 : memref<128x128xf32, #tpu.memory_space<hbm>>)
        %mul3A_1320 = arith.constant 20 : i32
        %mul3A_1321 = arith.muli %add3A_208, %mul3A_1320 : i32
        %add3A_1322 = arith.constant 19 : i32
        %add3A_1323 = arith.addi %mul3A_1321, %add3A_1322 : i32
        %mul3A_1324 = arith.constant 128 : i32
        %mul3A_1325 = arith.muli %add3A_1323, %mul3A_1324 : i32
        %dma_start3A_1326 = arith.constant 4 : i32
        %dma_start3A_1327 = arith.constant 0 : i32
        %dma_start3A_1328 = arith.constant 0 : i32
        %dma_start3A_1329 = tpu.memref_slice %arg6[%dma_start3A_1326, %dma_start3A_1327, %dma_start3A_1328] : memref<5x128x128xf32, #tpu.memory_space<vmem>> -> memref<1x128x128xf32, #tpu.memory_space<vmem>>
        %dma_start3A_1330 = tpu.memref_squeeze %dma_start3A_1329 : memref<1x128x128xf32, #tpu.memory_space<vmem>> -> memref<128x128xf32, #tpu.memory_space<vmem>>
        %dma_start3A_1331 = tpu.memref_slice %arg5[%mul3A_1325] : memref<20480xi32, #tpu.memory_space<vmem>> -> memref<128xi32, #tpu.memory_space<vmem>>
        %dma_start3A_1332 = arith.constant 0 : i32
        %dma_start3A_1333 = arith.constant 0 : i32
        %dma_start3A_1334 = tpu.memref_slice %arg3[%dma_start3A_1332, %dma_start3A_1333] : memref<36864x128xf32, #tpu.memory_space<hbm>> -> memref<36864x128xf32, #tpu.memory_space<hbm>>
        tpu.enqueue_indirect_dma source(%dma_start3A_1334 : memref<36864x128xf32, #tpu.memory_space<hbm>>) target(%dma_start3A_1330 : memref<128x128xf32, #tpu.memory_space<vmem>>) offsets(%dma_start3A_1331 : memref<128xi32, #tpu.memory_space<vmem>>) semaphore(%arg7 : memref<!tpu.dma_semaphore, #tpu.memory_space<semaphore_mem>>)
        %dma_wait3A_1335 = arith.constant 0 : i32
        %dma_wait3A_1336 = arith.constant 0 : i32
        %dma_wait3A_1337 = arith.constant 0 : i32
        %dma_wait3A_1338 = tpu.memref_slice %arg6[%dma_wait3A_1335, %dma_wait3A_1336, %dma_wait3A_1337] : memref<5x128x128xf32, #tpu.memory_space<vmem>> -> memref<1x128x128xf32, #tpu.memory_space<vmem>>
        %dma_wait3A_1339 = tpu.memref_squeeze %dma_wait3A_1338 : memref<1x128x128xf32, #tpu.memory_space<vmem>> -> memref<128x128xf32, #tpu.memory_space<vmem>>
        %dma_wait3A_1340 = arith.constant 0 : i32
        %dma_wait3A_1341 = arith.constant 0 : i32
        %dma_wait3A_1342 = tpu.memref_slice %arg3[%dma_wait3A_1340, %dma_wait3A_1341] : memref<36864x128xf32, #tpu.memory_space<hbm>> -> memref<128x128xf32, #tpu.memory_space<hbm>>
        %dma_wait3A_1343 = arith.constant 0 : i32
        %dma_wait3A_1344 = arith.constant 0 : i32
        %dma_wait3A_1345 = tpu.memref_slice %arg6[%dma_wait3A_1335, %dma_wait3A_1343, %dma_wait3A_1344] : memref<5x128x128xf32, #tpu.memory_space<vmem>> -> memref<1x128x128xf32, #tpu.memory_space<vmem>>
        %dma_wait3A_1346 = tpu.memref_squeeze %dma_wait3A_1345 : memref<1x128x128xf32, #tpu.memory_space<vmem>> -> memref<128x128xf32, #tpu.memory_space<vmem>>
        %dma_wait3A_1347 = arith.constant 0 : i32
        %dma_wait3A_1348 = arith.constant 0 : i32
        %dma_wait3A_1349 = tpu.memref_slice %arg3[%dma_wait3A_1347, %dma_wait3A_1348] : memref<36864x128xf32, #tpu.memory_space<hbm>> -> memref<128x128xf32, #tpu.memory_space<hbm>>
        tpu.wait_dma2 semaphore(%arg7 : memref<!tpu.dma_semaphore, #tpu.memory_space<semaphore_mem>>) src(%dma_wait3A_1349 : memref<128x128xf32, #tpu.memory_space<hbm>>) dst(%dma_wait3A_1346 : memref<128x128xf32, #tpu.memory_space<vmem>>)
        %add3A_1350 = arith.constant 19 : i32
        %add3A_1351 = arith.addi %add3A_211, %add3A_1350 : i32
        %sub3A_1352 = arith.constant 3 : i32
        %sub3A_1353 = arith.subi %add3A_1351, %sub3A_1352 : i32
        %mul3A_1354 = arith.constant 128 : i32
        %mul3A_1355 = arith.muli %sub3A_1353, %mul3A_1354 : i32
        %dma_start3A_1356 = arith.constant 1 : i32
        %dma_start3A_1357 = arith.constant 0 : i32
        %dma_start3A_1358 = arith.constant 0 : i32
        %dma_start3A_1359 = tpu.memref_slice %arg6[%dma_start3A_1356, %dma_start3A_1357, %dma_start3A_1358] : memref<5x128x128xf32, #tpu.memory_space<vmem>> -> memref<1x128x128xf32, #tpu.memory_space<vmem>>
        %dma_start3A_1360 = tpu.memref_squeeze %dma_start3A_1359 : memref<1x128x128xf32, #tpu.memory_space<vmem>> -> memref<128x128xf32, #tpu.memory_space<vmem>>
        %dma_start3A_1361 = arith.constant 0 : i32
        %dma_start3A_1362 = tpu.memref_slice %arg4[%mul3A_1355, %dma_start3A_1361] : memref<3276800x128xf32, #tpu.memory_space<hbm>> -> memref<128x128xf32, #tpu.memory_space<hbm>>
        %dma_start3A_1363 = arith.constant 0 : i32
        %dma_start3A_1364 = tpu.memref_slice %arg4[%mul3A_1355, %dma_start3A_1363] : memref<3276800x128xf32, #tpu.memory_space<hbm>> -> memref<128x128xf32, #tpu.memory_space<hbm>>
        %dma_start3A_1365 = arith.constant 0 : i32
        %dma_start3A_1366 = arith.constant 0 : i32
        %dma_start3A_1367 = tpu.memref_slice %arg6[%dma_start3A_1356, %dma_start3A_1365, %dma_start3A_1366] : memref<5x128x128xf32, #tpu.memory_space<vmem>> -> memref<1x128x128xf32, #tpu.memory_space<vmem>>
        %dma_start3A_1368 = tpu.memref_squeeze %dma_start3A_1367 : memref<1x128x128xf32, #tpu.memory_space<vmem>> -> memref<128x128xf32, #tpu.memory_space<vmem>>
        tpu.enqueue_dma source(%dma_start3A_1368 : memref<128x128xf32, #tpu.memory_space<vmem>>) target(%dma_start3A_1364 : memref<128x128xf32, #tpu.memory_space<hbm>>) target_semaphore(%arg8 : memref<!tpu.dma_semaphore, #tpu.memory_space<semaphore_mem>>)
      }
      %scan3A_203 = arith.constant 8 : i32
    }
    %scan3A_6 = arith.constant 5 : i32
    %dma_wait3A = arith.constant 0 : i32
    %dma_wait3A_7 = arith.constant 0 : i32
    %dma_wait3A_8 = arith.constant 0 : i32
    %dma_wait3A_9 = tpu.memref_slice %arg6[%dma_wait3A, %dma_wait3A_7, %dma_wait3A_8] : memref<5x128x128xf32, #tpu.memory_space<vmem>> -> memref<1x128x128xf32, #tpu.memory_space<vmem>>
    %dma_wait3A_10 = tpu.memref_squeeze %dma_wait3A_9 : memref<1x128x128xf32, #tpu.memory_space<vmem>> -> memref<128x128xf32, #tpu.memory_space<vmem>>
    %dma_wait3A_11 = arith.constant 0 : i32
    %dma_wait3A_12 = arith.constant 0 : i32
    %dma_wait3A_13 = tpu.memref_slice %arg3[%dma_wait3A_11, %dma_wait3A_12] : memref<36864x128xf32, #tpu.memory_space<hbm>> -> memref<128x128xf32, #tpu.memory_space<hbm>>
    %dma_wait3A_14 = arith.constant 0 : i32
    %dma_wait3A_15 = arith.constant 0 : i32
    %dma_wait3A_16 = tpu.memref_slice %arg6[%dma_wait3A, %dma_wait3A_14, %dma_wait3A_15] : memref<5x128x128xf32, #tpu.memory_space<vmem>> -> memref<1x128x128xf32, #tpu.memory_space<vmem>>
    %dma_wait3A_17 = tpu.memref_squeeze %dma_wait3A_16 : memref<1x128x128xf32, #tpu.memory_space<vmem>> -> memref<128x128xf32, #tpu.memory_space<vmem>>
    %dma_wait3A_18 = arith.constant 0 : i32
    %dma_wait3A_19 = arith.constant 0 : i32
    %dma_wait3A_20 = tpu.memref_slice %arg3[%dma_wait3A_18, %dma_wait3A_19] : memref<36864x128xf32, #tpu.memory_space<hbm>> -> memref<128x128xf32, #tpu.memory_space<hbm>>
    tpu.wait_dma2 semaphore(%arg7 : memref<!tpu.dma_semaphore, #tpu.memory_space<semaphore_mem>>) src(%dma_wait3A_20 : memref<128x128xf32, #tpu.memory_space<hbm>>) dst(%dma_wait3A_17 : memref<128x128xf32, #tpu.memory_space<vmem>>)
    %add3A_21 = arith.constant 800 : i32
    %add3A_22 = arith.addi %mul3A_2, %add3A_21 : i32
    %sub3A = arith.constant 3 : i32
    %sub3A_23 = arith.subi %add3A_22, %sub3A : i32
    %add3A_24 = arith.constant 0 : i32
    %add3A_25 = arith.addi %sub3A_23, %add3A_24 : i32
    %mul3A_26 = arith.constant 128 : i32
    %mul3A_27 = arith.muli %add3A_25, %mul3A_26 : i32
    %dma_start3A = arith.constant 2 : i32
    %dma_start3A_28 = arith.constant 0 : i32
    %dma_start3A_29 = arith.constant 0 : i32
    %dma_start3A_30 = tpu.memref_slice %arg6[%dma_start3A, %dma_start3A_28, %dma_start3A_29] : memref<5x128x128xf32, #tpu.memory_space<vmem>> -> memref<1x128x128xf32, #tpu.memory_space<vmem>>
    %dma_start3A_31 = tpu.memref_squeeze %dma_start3A_30 : memref<1x128x128xf32, #tpu.memory_space<vmem>> -> memref<128x128xf32, #tpu.memory_space<vmem>>
    %dma_start3A_32 = arith.constant 0 : i32
    %dma_start3A_33 = tpu.memref_slice %arg4[%mul3A_27, %dma_start3A_32] : memref<3276800x128xf32, #tpu.memory_space<hbm>> -> memref<128x128xf32, #tpu.memory_space<hbm>>
    %dma_start3A_34 = arith.constant 0 : i32
    %dma_start3A_35 = tpu.memref_slice %arg4[%mul3A_27, %dma_start3A_34] : memref<3276800x128xf32, #tpu.memory_space<hbm>> -> memref<128x128xf32, #tpu.memory_space<hbm>>
    %dma_start3A_36 = arith.constant 0 : i32
    %dma_start3A_37 = arith.constant 0 : i32
    %dma_start3A_38 = tpu.memref_slice %arg6[%dma_start3A, %dma_start3A_36, %dma_start3A_37] : memref<5x128x128xf32, #tpu.memory_space<vmem>> -> memref<1x128x128xf32, #tpu.memory_space<vmem>>
    %dma_start3A_39 = tpu.memref_squeeze %dma_start3A_38 : memref<1x128x128xf32, #tpu.memory_space<vmem>> -> memref<128x128xf32, #tpu.memory_space<vmem>>
    tpu.enqueue_dma source(%dma_start3A_39 : memref<128x128xf32, #tpu.memory_space<vmem>>) target(%dma_start3A_35 : memref<128x128xf32, #tpu.memory_space<hbm>>) target_semaphore(%arg8 : memref<!tpu.dma_semaphore, #tpu.memory_space<semaphore_mem>>)
    %dma_wait3A_40 = arith.constant 0 : i32
    %dma_wait3A_41 = arith.constant 0 : i32
    %dma_wait3A_42 = arith.constant 0 : i32
    %dma_wait3A_43 = tpu.memref_slice %arg6[%dma_wait3A_40, %dma_wait3A_41, %dma_wait3A_42] : memref<5x128x128xf32, #tpu.memory_space<vmem>> -> memref<1x128x128xf32, #tpu.memory_space<vmem>>
    %dma_wait3A_44 = tpu.memref_squeeze %dma_wait3A_43 : memref<1x128x128xf32, #tpu.memory_space<vmem>> -> memref<128x128xf32, #tpu.memory_space<vmem>>
    %dma_wait3A_45 = arith.constant 0 : i32
    %dma_wait3A_46 = arith.constant 0 : i32
    %dma_wait3A_47 = tpu.memref_slice %arg3[%dma_wait3A_45, %dma_wait3A_46] : memref<36864x128xf32, #tpu.memory_space<hbm>> -> memref<128x128xf32, #tpu.memory_space<hbm>>
    %dma_wait3A_48 = arith.constant 0 : i32
    %dma_wait3A_49 = arith.constant 0 : i32
    %dma_wait3A_50 = tpu.memref_slice %arg6[%dma_wait3A_40, %dma_wait3A_48, %dma_wait3A_49] : memref<5x128x128xf32, #tpu.memory_space<vmem>> -> memref<1x128x128xf32, #tpu.memory_space<vmem>>
    %dma_wait3A_51 = tpu.memref_squeeze %dma_wait3A_50 : memref<1x128x128xf32, #tpu.memory_space<vmem>> -> memref<128x128xf32, #tpu.memory_space<vmem>>
    %dma_wait3A_52 = arith.constant 0 : i32
    %dma_wait3A_53 = arith.constant 0 : i32
    %dma_wait3A_54 = tpu.memref_slice %arg3[%dma_wait3A_52, %dma_wait3A_53] : memref<36864x128xf32, #tpu.memory_space<hbm>> -> memref<128x128xf32, #tpu.memory_space<hbm>>
    tpu.wait_dma2 semaphore(%arg7 : memref<!tpu.dma_semaphore, #tpu.memory_space<semaphore_mem>>) src(%dma_wait3A_54 : memref<128x128xf32, #tpu.memory_space<hbm>>) dst(%dma_wait3A_51 : memref<128x128xf32, #tpu.memory_space<vmem>>)
    %add3A_55 = arith.constant 800 : i32
    %add3A_56 = arith.addi %mul3A_2, %add3A_55 : i32
    %sub3A_57 = arith.constant 3 : i32
    %sub3A_58 = arith.subi %add3A_56, %sub3A_57 : i32
    %add3A_59 = arith.constant 1 : i32
    %add3A_60 = arith.addi %sub3A_58, %add3A_59 : i32
    %mul3A_61 = arith.constant 128 : i32
    %mul3A_62 = arith.muli %add3A_60, %mul3A_61 : i32
    %dma_start3A_63 = arith.constant 3 : i32
    %dma_start3A_64 = arith.constant 0 : i32
    %dma_start3A_65 = arith.constant 0 : i32
    %dma_start3A_66 = tpu.memref_slice %arg6[%dma_start3A_63, %dma_start3A_64, %dma_start3A_65] : memref<5x128x128xf32, #tpu.memory_space<vmem>> -> memref<1x128x128xf32, #tpu.memory_space<vmem>>
    %dma_start3A_67 = tpu.memref_squeeze %dma_start3A_66 : memref<1x128x128xf32, #tpu.memory_space<vmem>> -> memref<128x128xf32, #tpu.memory_space<vmem>>
    %dma_start3A_68 = arith.constant 0 : i32
    %dma_start3A_69 = tpu.memref_slice %arg4[%mul3A_62, %dma_start3A_68] : memref<3276800x128xf32, #tpu.memory_space<hbm>> -> memref<128x128xf32, #tpu.memory_space<hbm>>
    %dma_start3A_70 = arith.constant 0 : i32
    %dma_start3A_71 = tpu.memref_slice %arg4[%mul3A_62, %dma_start3A_70] : memref<3276800x128xf32, #tpu.memory_space<hbm>> -> memref<128x128xf32, #tpu.memory_space<hbm>>
    %dma_start3A_72 = arith.constant 0 : i32
    %dma_start3A_73 = arith.constant 0 : i32
    %dma_start3A_74 = tpu.memref_slice %arg6[%dma_start3A_63, %dma_start3A_72, %dma_start3A_73] : memref<5x128x128xf32, #tpu.memory_space<vmem>> -> memref<1x128x128xf32, #tpu.memory_space<vmem>>
    %dma_start3A_75 = tpu.memref_squeeze %dma_start3A_74 : memref<1x128x128xf32, #tpu.memory_space<vmem>> -> memref<128x128xf32, #tpu.memory_space<vmem>>
    tpu.enqueue_dma source(%dma_start3A_75 : memref<128x128xf32, #tpu.memory_space<vmem>>) target(%dma_start3A_71 : memref<128x128xf32, #tpu.memory_space<hbm>>) target_semaphore(%arg8 : memref<!tpu.dma_semaphore, #tpu.memory_space<semaphore_mem>>)
    %dma_wait3A_76 = arith.constant 0 : i32
    %dma_wait3A_77 = arith.constant 0 : i32
    %dma_wait3A_78 = arith.constant 0 : i32
    %dma_wait3A_79 = tpu.memref_slice %arg6[%dma_wait3A_76, %dma_wait3A_77, %dma_wait3A_78] : memref<5x128x128xf32, #tpu.memory_space<vmem>> -> memref<1x128x128xf32, #tpu.memory_space<vmem>>
    %dma_wait3A_80 = tpu.memref_squeeze %dma_wait3A_79 : memref<1x128x128xf32, #tpu.memory_space<vmem>> -> memref<128x128xf32, #tpu.memory_space<vmem>>
    %dma_wait3A_81 = arith.constant 0 : i32
    %dma_wait3A_82 = arith.constant 0 : i32
    %dma_wait3A_83 = tpu.memref_slice %arg3[%dma_wait3A_81, %dma_wait3A_82] : memref<36864x128xf32, #tpu.memory_space<hbm>> -> memref<128x128xf32, #tpu.memory_space<hbm>>
    %dma_wait3A_84 = arith.constant 0 : i32
    %dma_wait3A_85 = arith.constant 0 : i32
    %dma_wait3A_86 = tpu.memref_slice %arg6[%dma_wait3A_76, %dma_wait3A_84, %dma_wait3A_85] : memref<5x128x128xf32, #tpu.memory_space<vmem>> -> memref<1x128x128xf32, #tpu.memory_space<vmem>>
    %dma_wait3A_87 = tpu.memref_squeeze %dma_wait3A_86 : memref<1x128x128xf32, #tpu.memory_space<vmem>> -> memref<128x128xf32, #tpu.memory_space<vmem>>
    %dma_wait3A_88 = arith.constant 0 : i32
    %dma_wait3A_89 = arith.constant 0 : i32
    %dma_wait3A_90 = tpu.memref_slice %arg3[%dma_wait3A_88, %dma_wait3A_89] : memref<36864x128xf32, #tpu.memory_space<hbm>> -> memref<128x128xf32, #tpu.memory_space<hbm>>
    tpu.wait_dma2 semaphore(%arg7 : memref<!tpu.dma_semaphore, #tpu.memory_space<semaphore_mem>>) src(%dma_wait3A_90 : memref<128x128xf32, #tpu.memory_space<hbm>>) dst(%dma_wait3A_87 : memref<128x128xf32, #tpu.memory_space<vmem>>)
    %add3A_91 = arith.constant 800 : i32
    %add3A_92 = arith.addi %mul3A_2, %add3A_91 : i32
    %sub3A_93 = arith.constant 3 : i32
    %sub3A_94 = arith.subi %add3A_92, %sub3A_93 : i32
    %add3A_95 = arith.constant 2 : i32
    %add3A_96 = arith.addi %sub3A_94, %add3A_95 : i32
    %mul3A_97 = arith.constant 128 : i32
    %mul3A_98 = arith.muli %add3A_96, %mul3A_97 : i32
    %dma_start3A_99 = arith.constant 4 : i32
    %dma_start3A_100 = arith.constant 0 : i32
    %dma_start3A_101 = arith.constant 0 : i32
    %dma_start3A_102 = tpu.memref_slice %arg6[%dma_start3A_99, %dma_start3A_100, %dma_start3A_101] : memref<5x128x128xf32, #tpu.memory_space<vmem>> -> memref<1x128x128xf32, #tpu.memory_space<vmem>>
    %dma_start3A_103 = tpu.memref_squeeze %dma_start3A_102 : memref<1x128x128xf32, #tpu.memory_space<vmem>> -> memref<128x128xf32, #tpu.memory_space<vmem>>
    %dma_start3A_104 = arith.constant 0 : i32
    %dma_start3A_105 = tpu.memref_slice %arg4[%mul3A_98, %dma_start3A_104] : memref<3276800x128xf32, #tpu.memory_space<hbm>> -> memref<128x128xf32, #tpu.memory_space<hbm>>
    %dma_start3A_106 = arith.constant 0 : i32
    %dma_start3A_107 = tpu.memref_slice %arg4[%mul3A_98, %dma_start3A_106] : memref<3276800x128xf32, #tpu.memory_space<hbm>> -> memref<128x128xf32, #tpu.memory_space<hbm>>
    %dma_start3A_108 = arith.constant 0 : i32
    %dma_start3A_109 = arith.constant 0 : i32
    %dma_start3A_110 = tpu.memref_slice %arg6[%dma_start3A_99, %dma_start3A_108, %dma_start3A_109] : memref<5x128x128xf32, #tpu.memory_space<vmem>> -> memref<1x128x128xf32, #tpu.memory_space<vmem>>
    %dma_start3A_111 = tpu.memref_squeeze %dma_start3A_110 : memref<1x128x128xf32, #tpu.memory_space<vmem>> -> memref<128x128xf32, #tpu.memory_space<vmem>>
    tpu.enqueue_dma source(%dma_start3A_111 : memref<128x128xf32, #tpu.memory_space<vmem>>) target(%dma_start3A_107 : memref<128x128xf32, #tpu.memory_space<hbm>>) target_semaphore(%arg8 : memref<!tpu.dma_semaphore, #tpu.memory_space<semaphore_mem>>)
    %dma_wait3A_112 = arith.constant 0 : i32
    %dma_wait3A_113 = arith.constant 0 : i32
    %dma_wait3A_114 = arith.constant 0 : i32
    %dma_wait3A_115 = tpu.memref_slice %arg6[%dma_wait3A_112, %dma_wait3A_113, %dma_wait3A_114] : memref<5x128x128xf32, #tpu.memory_space<vmem>> -> memref<1x128x128xf32, #tpu.memory_space<vmem>>
    %dma_wait3A_116 = tpu.memref_squeeze %dma_wait3A_115 : memref<1x128x128xf32, #tpu.memory_space<vmem>> -> memref<128x128xf32, #tpu.memory_space<vmem>>
    %dma_wait3A_117 = arith.constant 0 : i32
    %dma_wait3A_118 = arith.constant 0 : i32
    %dma_wait3A_119 = tpu.memref_slice %arg4[%dma_wait3A_117, %dma_wait3A_118] : memref<3276800x128xf32, #tpu.memory_space<hbm>> -> memref<128x128xf32, #tpu.memory_space<hbm>>
    %dma_wait3A_120 = arith.constant 0 : i32
    %dma_wait3A_121 = arith.constant 0 : i32
    %dma_wait3A_122 = tpu.memref_slice %arg4[%dma_wait3A_120, %dma_wait3A_121] : memref<3276800x128xf32, #tpu.memory_space<hbm>> -> memref<128x128xf32, #tpu.memory_space<hbm>>
    %dma_wait3A_123 = arith.constant 0 : i32
    %dma_wait3A_124 = arith.constant 0 : i32
    %dma_wait3A_125 = tpu.memref_slice %arg6[%dma_wait3A_112, %dma_wait3A_123, %dma_wait3A_124] : memref<5x128x128xf32, #tpu.memory_space<vmem>> -> memref<1x128x128xf32, #tpu.memory_space<vmem>>
    %dma_wait3A_126 = tpu.memref_squeeze %dma_wait3A_125 : memref<1x128x128xf32, #tpu.memory_space<vmem>> -> memref<128x128xf32, #tpu.memory_space<vmem>>
    tpu.wait_dma2 semaphore(%arg8 : memref<!tpu.dma_semaphore, #tpu.memory_space<semaphore_mem>>) src(%dma_wait3A_126 : memref<128x128xf32, #tpu.memory_space<vmem>>) dst(%dma_wait3A_122 : memref<128x128xf32, #tpu.memory_space<hbm>>)
    %dma_wait3A_127 = arith.constant 0 : i32
    %dma_wait3A_128 = arith.constant 0 : i32
    %dma_wait3A_129 = arith.constant 0 : i32
    %dma_wait3A_130 = tpu.memref_slice %arg6[%dma_wait3A_127, %dma_wait3A_128, %dma_wait3A_129] : memref<5x128x128xf32, #tpu.memory_space<vmem>> -> memref<1x128x128xf32, #tpu.memory_space<vmem>>
    %dma_wait3A_131 = tpu.memref_squeeze %dma_wait3A_130 : memref<1x128x128xf32, #tpu.memory_space<vmem>> -> memref<128x128xf32, #tpu.memory_space<vmem>>
    %dma_wait3A_132 = arith.constant 0 : i32
    %dma_wait3A_133 = arith.constant 0 : i32
    %dma_wait3A_134 = tpu.memref_slice %arg4[%dma_wait3A_132, %dma_wait3A_133] : memref<3276800x128xf32, #tpu.memory_space<hbm>> -> memref<128x128xf32, #tpu.memory_space<hbm>>
    %dma_wait3A_135 = arith.constant 0 : i32
    %dma_wait3A_136 = arith.constant 0 : i32
    %dma_wait3A_137 = tpu.memref_slice %arg4[%dma_wait3A_135, %dma_wait3A_136] : memref<3276800x128xf32, #tpu.memory_space<hbm>> -> memref<128x128xf32, #tpu.memory_space<hbm>>
    %dma_wait3A_138 = arith.constant 0 : i32
    %dma_wait3A_139 = arith.constant 0 : i32
    %dma_wait3A_140 = tpu.memref_slice %arg6[%dma_wait3A_127, %dma_wait3A_138, %dma_wait3A_139] : memref<5x128x128xf32, #tpu.memory_space<vmem>> -> memref<1x128x128xf32, #tpu.memory_space<vmem>>
    %dma_wait3A_141 = tpu.memref_squeeze %dma_wait3A_140 : memref<1x128x128xf32, #tpu.memory_space<vmem>> -> memref<128x128xf32, #tpu.memory_space<vmem>>
    tpu.wait_dma2 semaphore(%arg8 : memref<!tpu.dma_semaphore, #tpu.memory_space<semaphore_mem>>) src(%dma_wait3A_141 : memref<128x128xf32, #tpu.memory_space<vmem>>) dst(%dma_wait3A_137 : memref<128x128xf32, #tpu.memory_space<hbm>>)
    %dma_wait3A_142 = arith.constant 0 : i32
    %dma_wait3A_143 = arith.constant 0 : i32
    %dma_wait3A_144 = arith.constant 0 : i32
    %dma_wait3A_145 = tpu.memref_slice %arg6[%dma_wait3A_142, %dma_wait3A_143, %dma_wait3A_144] : memref<5x128x128xf32, #tpu.memory_space<vmem>> -> memref<1x128x128xf32, #tpu.memory_space<vmem>>
    %dma_wait3A_146 = tpu.memref_squeeze %dma_wait3A_145 : memref<1x128x128xf32, #tpu.memory_space<vmem>> -> memref<128x128xf32, #tpu.memory_space<vmem>>
    %dma_wait3A_147 = arith.constant 0 : i32
    %dma_wait3A_148 = arith.constant 0 : i32
    %dma_wait3A_149 = tpu.memref_slice %arg4[%dma_wait3A_147, %dma_wait3A_148] : memref<3276800x128xf32, #tpu.memory_space<hbm>> -> memref<128x128xf32, #tpu.memory_space<hbm>>
    %dma_wait3A_150 = arith.constant 0 : i32
    %dma_wait3A_151 = arith.constant 0 : i32
    %dma_wait3A_152 = tpu.memref_slice %arg4[%dma_wait3A_150, %dma_wait3A_151] : memref<3276800x128xf32, #tpu.memory_space<hbm>> -> memref<128x128xf32, #tpu.memory_space<hbm>>
    %dma_wait3A_153 = arith.constant 0 : i32
    %dma_wait3A_154 = arith.constant 0 : i32
    %dma_wait3A_155 = tpu.memref_slice %arg6[%dma_wait3A_142, %dma_wait3A_153, %dma_wait3A_154] : memref<5x128x128xf32, #tpu.memory_space<vmem>> -> memref<1x128x128xf32, #tpu.memory_space<vmem>>
    %dma_wait3A_156 = tpu.memref_squeeze %dma_wait3A_155 : memref<1x128x128xf32, #tpu.memory_space<vmem>> -> memref<128x128xf32, #tpu.memory_space<vmem>>
    tpu.wait_dma2 semaphore(%arg8 : memref<!tpu.dma_semaphore, #tpu.memory_space<semaphore_mem>>) src(%dma_wait3A_156 : memref<128x128xf32, #tpu.memory_space<vmem>>) dst(%dma_wait3A_152 : memref<128x128xf32, #tpu.memory_space<hbm>>)
    %dma_wait3A_157 = arith.constant 0 : i32
    %dma_wait3A_158 = arith.constant 0 : i32
    %dma_wait3A_159 = arith.constant 0 : i32
    %dma_wait3A_160 = tpu.memref_slice %arg6[%dma_wait3A_157, %dma_wait3A_158, %dma_wait3A_159] : memref<5x128x128xf32, #tpu.memory_space<vmem>> -> memref<1x128x128xf32, #tpu.memory_space<vmem>>
    %dma_wait3A_161 = tpu.memref_squeeze %dma_wait3A_160 : memref<1x128x128xf32, #tpu.memory_space<vmem>> -> memref<128x128xf32, #tpu.memory_space<vmem>>
    %dma_wait3A_162 = arith.constant 0 : i32
    %dma_wait3A_163 = arith.constant 0 : i32
    %dma_wait3A_164 = tpu.memref_slice %arg4[%dma_wait3A_162, %dma_wait3A_163] : memref<3276800x128xf32, #tpu.memory_space<hbm>> -> memref<128x128xf32, #tpu.memory_space<hbm>>
    %dma_wait3A_165 = arith.constant 0 : i32
    %dma_wait3A_166 = arith.constant 0 : i32
    %dma_wait3A_167 = tpu.memref_slice %arg4[%dma_wait3A_165, %dma_wait3A_166] : memref<3276800x128xf32, #tpu.memory_space<hbm>> -> memref<128x128xf32, #tpu.memory_space<hbm>>
    %dma_wait3A_168 = arith.constant 0 : i32
    %dma_wait3A_169 = arith.constant 0 : i32
    %dma_wait3A_170 = tpu.memref_slice %arg6[%dma_wait3A_157, %dma_wait3A_168, %dma_wait3A_169] : memref<5x128x128xf32, #tpu.memory_space<vmem>> -> memref<1x128x128xf32, #tpu.memory_space<vmem>>
    %dma_wait3A_171 = tpu.memref_squeeze %dma_wait3A_170 : memref<1x128x128xf32, #tpu.memory_space<vmem>> -> memref<128x128xf32, #tpu.memory_space<vmem>>
    tpu.wait_dma2 semaphore(%arg8 : memref<!tpu.dma_semaphore, #tpu.memory_space<semaphore_mem>>) src(%dma_wait3A_171 : memref<128x128xf32, #tpu.memory_space<vmem>>) dst(%dma_wait3A_167 : memref<128x128xf32, #tpu.memory_space<hbm>>)
    %dma_wait3A_172 = arith.constant 0 : i32
    %dma_wait3A_173 = arith.constant 0 : i32
    %dma_wait3A_174 = arith.constant 0 : i32
    %dma_wait3A_175 = tpu.memref_slice %arg6[%dma_wait3A_172, %dma_wait3A_173, %dma_wait3A_174] : memref<5x128x128xf32, #tpu.memory_space<vmem>> -> memref<1x128x128xf32, #tpu.memory_space<vmem>>
    %dma_wait3A_176 = tpu.memref_squeeze %dma_wait3A_175 : memref<1x128x128xf32, #tpu.memory_space<vmem>> -> memref<128x128xf32, #tpu.memory_space<vmem>>
    %dma_wait3A_177 = arith.constant 0 : i32
    %dma_wait3A_178 = arith.constant 0 : i32
    %dma_wait3A_179 = tpu.memref_slice %arg4[%dma_wait3A_177, %dma_wait3A_178] : memref<3276800x128xf32, #tpu.memory_space<hbm>> -> memref<128x128xf32, #tpu.memory_space<hbm>>
    %dma_wait3A_180 = arith.constant 0 : i32
    %dma_wait3A_181 = arith.constant 0 : i32
    %dma_wait3A_182 = tpu.memref_slice %arg4[%dma_wait3A_180, %dma_wait3A_181] : memref<3276800x128xf32, #tpu.memory_space<hbm>> -> memref<128x128xf32, #tpu.memory_space<hbm>>
    %dma_wait3A_183 = arith.constant 0 : i32
    %dma_wait3A_184 = arith.constant 0 : i32
    %dma_wait3A_185 = tpu.memref_slice %arg6[%dma_wait3A_172, %dma_wait3A_183, %dma_wait3A_184] : memref<5x128x128xf32, #tpu.memory_space<vmem>> -> memref<1x128x128xf32, #tpu.memory_space<vmem>>
    %dma_wait3A_186 = tpu.memref_squeeze %dma_wait3A_185 : memref<1x128x128xf32, #tpu.memory_space<vmem>> -> memref<128x128xf32, #tpu.memory_space<vmem>>
    tpu.wait_dma2 semaphore(%arg8 : memref<!tpu.dma_semaphore, #tpu.memory_space<semaphore_mem>>) src(%dma_wait3A_186 : memref<128x128xf32, #tpu.memory_space<vmem>>) dst(%dma_wait3A_182 : memref<128x128xf32, #tpu.memory_space<hbm>>)
    return
  }
}

module attributes {stable_mosaic.version = 14 : i64} {
  func.func @body(%arg0: i32, %arg1: memref<9x128xf32, #tpu.memory_space<vmem>>, %arg2: memref<64x128xf32, #tpu.memory_space<vmem>>, %arg3: memref<64x128xf32, #tpu.memory_space<vmem>>, %arg4: memref<2048x200xi32, #tpu.memory_space<vmem>>, %arg5: memref<2048x200xi32, #tpu.memory_space<vmem>>, %arg6: memref<2048x200xi32, #tpu.memory_space<vmem>>, %arg7: memref<9x64x64x128xf32, #tpu.memory_space<vmem>>, %arg8: memref<2048x200xi32, #tpu.memory_space<vmem>>) attributes {dimension_semantics = [#tpu.dimension_semantics<arbitrary>], iteration_bounds = array<i64: 8>, scalar_prefetch = 0 : i64, scratch_operands = 0 : i64, tpu.core_type = #tpu.core_type<tc>, window_params = [{pipeline_mode = #tpu.pipeline_mode<synchronous>, transform_indices = @transform_0, window_bounds = array<i64: 9, 128>}, {pipeline_mode = #tpu.pipeline_mode<synchronous>, transform_indices = @transform_1, window_bounds = array<i64: 64, 128>}, {pipeline_mode = #tpu.pipeline_mode<synchronous>, transform_indices = @transform_2, window_bounds = array<i64: 64, 128>}, {transform_indices = @transform_3, window_bounds = array<i64: 2048, 200>}, {transform_indices = @transform_4, window_bounds = array<i64: 2048, 200>}, {transform_indices = @transform_5, window_bounds = array<i64: 2048, 200>}, {pipeline_mode = #tpu.pipeline_mode<synchronous>, transform_indices = @transform_6, window_bounds = array<i64: 9, 64, 64, 128>}, {transform_indices = @transform_7, window_bounds = array<i64: 2048, 200>}]} {
    %eq3A = arith.constant 0 : i32
    %eq3A_0 = arith.cmpi eq, %arg0, %eq3A : i32
    %convert_element_type3A = arith.extui %eq3A_0 : i1 to i32
    %cond3A = arith.constant 0 : i32
    %cond3A_1 = arith.cmpi ne, %convert_element_type3A, %cond3A : i32
    scf.if %cond3A_1 {
      %get3A_18 = arith.constant 0 : index
      %get3A_19 = arith.constant 0 : index
      %get3A_20 = vector.load %arg1[%get3A_18, %get3A_19] : memref<9x128xf32, #tpu.memory_space<vmem>>, vector<9x128xf32>
      %get3A_21 = arith.constant 0 : index
      %get3A_22 = arith.constant 0 : index
      %get3A_23 = vector.load %arg2[%get3A_21, %get3A_22] : memref<64x128xf32, #tpu.memory_space<vmem>>, vector<64x128xf32>
      %get3A_24 = arith.constant 0 : index
      %get3A_25 = arith.constant 0 : index
      %get3A_26 = vector.load %arg3[%get3A_24, %get3A_25] : memref<64x128xf32, #tpu.memory_space<vmem>>, vector<64x128xf32>
      %broadcast_in_dim3A = vector.shape_cast %get3A_20 : vector<9x128xf32> to vector<9x1x1x128xf32>
      %broadcast_in_dim3A_27 = vector.shape_cast %get3A_23 : vector<64x128xf32> to vector<1x64x1x128xf32>
      %add3A = vector.broadcast %broadcast_in_dim3A : vector<9x1x1x128xf32> to vector<9x64x1x128xf32>
      %add3A_28 = vector.broadcast %broadcast_in_dim3A_27 : vector<1x64x1x128xf32> to vector<9x64x1x128xf32>
      %add3A_29 = arith.addf %add3A, %add3A_28 : vector<9x64x1x128xf32>
      %broadcast_in_dim3A_30 = vector.shape_cast %get3A_26 : vector<64x128xf32> to vector<1x1x64x128xf32>
      %add3A_31 = vector.broadcast %add3A_29 : vector<9x64x1x128xf32> to vector<9x64x64x128xf32>
      %add3A_32 = vector.broadcast %broadcast_in_dim3A_30 : vector<1x1x64x128xf32> to vector<9x64x64x128xf32>
      %add3A_33 = arith.addf %add3A_31, %add3A_32 : vector<9x64x64x128xf32>
      %swap3A_34 = arith.constant 0 : index
      %swap3A_35 = arith.constant 0 : index
      %swap3A_36 = arith.constant 0 : index
      %swap3A_37 = arith.constant 0 : index
      %swap3A_38 = vector.load %arg7[%swap3A_34, %swap3A_35, %swap3A_36, %swap3A_37] : memref<9x64x64x128xf32, #tpu.memory_space<vmem>>, vector<9x64x64x128xf32>
      tpu.vector_store %arg7[%swap3A_34, %swap3A_35, %swap3A_36, %swap3A_37], %add3A_33 {strides = array<i32>} : memref<9x64x64x128xf32, #tpu.memory_space<vmem>>, vector<9x64x64x128xf32>,
    } else {
    }
    %get3A = arith.constant 0 : index
    %get3A_2 = arith.constant 0 : index
    %get3A_3 = vector.load %arg4[%get3A, %get3A_2] : memref<2048x200xi32, #tpu.memory_space<vmem>>, vector<2048x200xi32>
    %shift_left3A = arith.constant 12 : i32
    %shift_left3A_4 = vector.broadcast %shift_left3A : i32 to vector<2048x200xi32>
    %shift_left3A_5 = arith.shli %get3A_3, %shift_left3A_4 : vector<2048x200xi32>
    %get3A_6 = arith.constant 0 : index
    %get3A_7 = arith.constant 0 : index
    %get3A_8 = vector.load %arg5[%get3A_6, %get3A_7] : memref<2048x200xi32, #tpu.memory_space<vmem>>, vector<2048x200xi32>
    %shift_left3A_9 = arith.constant 6 : i32
    %shift_left3A_10 = vector.broadcast %shift_left3A_9 : i32 to vector<2048x200xi32>
    %shift_left3A_11 = arith.shli %get3A_8, %shift_left3A_10 : vector<2048x200xi32>
    %or3A = arith.ori %shift_left3A_5, %shift_left3A_11 : vector<2048x200xi32>
    %get3A_12 = arith.constant 0 : index
    %get3A_13 = arith.constant 0 : index
    %get3A_14 = vector.load %arg6[%get3A_12, %get3A_13] : memref<2048x200xi32, #tpu.memory_space<vmem>>, vector<2048x200xi32>
    %or3A_15 = arith.ori %or3A, %get3A_14 : vector<2048x200xi32>
    %swap3A = arith.constant 0 : index
    %swap3A_16 = arith.constant 0 : index
    %swap3A_17 = vector.load %arg8[%swap3A, %swap3A_16] : memref<2048x200xi32, #tpu.memory_space<vmem>>, vector<2048x200xi32>
    tpu.vector_store %arg8[%swap3A, %swap3A_16], %or3A_15 {strides = array<i32>} : memref<2048x200xi32, #tpu.memory_space<vmem>>, vector<2048x200xi32>,
    return
  }
  func.func @transform_0(%arg0: i32) -> (i32, i32) {
    %c0_i32 = arith.constant 0 : i32
    %c0_i32_0 = arith.constant 0 : i32
    %c0_i32_1 = arith.constant 0 : i32
    return %c0_i32, %c0_i32_0 : i32, i32
  }
  func.func @transform_1(%arg0: i32) -> (i32, i32) {
    %c0_i32 = arith.constant 0 : i32
    %c0_i32_0 = arith.constant 0 : i32
    %c0_i32_1 = arith.constant 0 : i32
    return %c0_i32, %c0_i32_0 : i32, i32
  }
  func.func @transform_2(%arg0: i32) -> (i32, i32) {
    %c0_i32 = arith.constant 0 : i32
    %c0_i32_0 = arith.constant 0 : i32
    %c0_i32_1 = arith.constant 0 : i32
    return %c0_i32, %c0_i32_0 : i32, i32
  }
  func.func @transform_3(%arg0: i32) -> (i32, i32) {
    %c0_i32 = arith.constant 0 : i32
    %c0_i32_0 = arith.constant 0 : i32
    return %arg0, %c0_i32 : i32, i32
  }
  func.func @transform_4(%arg0: i32) -> (i32, i32) {
    %c0_i32 = arith.constant 0 : i32
    %c0_i32_0 = arith.constant 0 : i32
    return %arg0, %c0_i32 : i32, i32
  }
  func.func @transform_5(%arg0: i32) -> (i32, i32) {
    %c0_i32 = arith.constant 0 : i32
    %c0_i32_0 = arith.constant 0 : i32
    return %arg0, %c0_i32 : i32, i32
  }
  func.func @transform_6(%arg0: i32) -> (i32, i32, i32, i32) {
    %c0_i32 = arith.constant 0 : i32
    %c0_i32_0 = arith.constant 0 : i32
    %c0_i32_1 = arith.constant 0 : i32
    %c0_i32_2 = arith.constant 0 : i32
    %c0_i32_3 = arith.constant 0 : i32
    return %c0_i32, %c0_i32_0, %c0_i32_1, %c0_i32_2 : i32, i32, i32, i32
  }
  func.func @transform_7(%arg0: i32) -> (i32, i32) {
    %c0_i32 = arith.constant 0 : i32
    %c0_i32_0 = arith.constant 0 : i32
    return %arg0, %c0_i32 : i32, i32
  }
}

</mosaic_0001>

<sc_bundles>
// kernel: kernel.4.cloned.1.call-start
scs
__scs_entry_jumppad:
0x0: {  	(pc) =	sbr.rel $0x88, $3  }
0x1: {  	(tag) =	ssettag $0x0;
	lr =	simm.s32 $0x1  }
0x2: {  	[smem:$0x3F9B] =	sst lr;
	_ =	strace $0xD0000000  }
0x3: {  	_ = 	snop  }
0x4: {  	_ = 	snop  }
0x5: {  	_ = 	snop  }
0x6: {  	_ = 	snop  }
0x7: {  	_ = 	snop  }
__scs_overlays_trampoline_lowered:
0x8: {  	[smem:$0x3FAA] =	sst s0  }
0x9: {  	[smem:$0x3FAB] =	sst s1  }
0xa: {  	[smem:$0x3FAC] =	sst s2  }
0xb: {  	[smem:$0x3FAD] =	sst s3  }
0xc: {  	[smem:$0x3FAE] =	sst s4  }
0xd: {  	[smem:$0x3FAF] =	sst s5  }
0xe: {  	[smem:$0x3FB0] =	sst s6  }
0xf: {  	[smem:$0x3FB1] =	sst s7  }
0x10: {  	[smem:$0x3FB2] =	sst s8  }
0x11: {  	[smem:$0x3FB3] =	sst s9;
	s0 =	simm.s32 @!p0 $0x0  }
0x12: {  	s1 =	sld [smem:$0x3F99];
	s0 =	simm.s32 @p0 $0x1  }
0x13: {  	[smem:$0x3FB4] =	sst s0;
	s0 =	simm.s32 @!p1 $0x0  }
0x14: {  	s2 =	sld [smem:$0x3F98];
	s0 =	simm.s32 @p1 $0x1  }
0x15: {  	[smem:$0x3FB5] =	sst s0;
	s0 =	simm.s32 @!p2 $0x0  }
0x16: {  	s3 =	sld [smem:$0x3FDB];
	s0 =	simm.s32 @p2 $0x1  }
0x17: {  	s4 =	simm.s32 $0x1BF5;
	[smem:$0x3FB7] =	sst s0  }
0x18: {  	s0 =	sld [smem:$0x3F9A];
	_ =	swait.ge [sflag:s4], $0x0  }
0x19: {  	s7 =	sld [smem:$0x3F9B]  }
0x1a: {  	s8 =	sadd.s32 $0xFFFFE003, lr  }
0x1b: {  	s9 =	sadd.s32 $0xFFFFFEF7, lr;
	s5 =	simm.s32 $0xFFFFFFFF;
	p2 =	slt.u32 s8, $0xFFFFF086  }
0x1c: {  	p1 =	slt.u32 s9, $0xF7A;
	s5 =	simm.s32 @!p2 $0x0  }
0x1d: {  	s5 =	simm.s32 @p1 $0x1;
	p0 =	seq.s32 s7, s2  }
0x1e: {  	s7 =	smul.u32 @!p0 $0xF7A, s2;
	p2 =	seq.s32 @!p0 s5, $0x0  }
0x1f: {  	s9 =	smul.u32 $0xF7A, s1;
	s8 =	simm.s32 @!p0 $0x1BF5;
	p2 =	por !p2, p0  }
0x20: {  	[sflag:s8] =	ssyncset.s32 @!p0 $0xFFFFF086;
	s6 =	sadd.s32 @!p0 s3, s7;
	s7 =	simm.s32 @!p0 $0x108  }
0x21: {  	s3 =	sadd.s32 s3, s9;
	s6 =	sadd.s32 @!p0 $0x88, s6;
	s7 =	simm.s32 @p2 $0x1082  }
0x22: {  	[simem:s7], [sflag:s8] =	dma.local @!p0 [hbm:s6], $0xF7A  }
0x23: {  	s9 =	sor.u32 $0xD0000000, s2;
	s6 =	simm.s32 $0x108;
	_ =	swait.ge @!p0 [sflag:s8], $0x0  }
0x24: {  	s3 =	sadd.s32 $0x88, s3;
	s6 =	simm.s32 @!p1 $0x1082;
	[sflag:s4] =	ssyncset.s32 $0xFFFFF086  }
0x25: {  	[simem:s6], [sflag:s4] =	dma.local [hbm:s3], $0xF7A  }
0x26: {  	[smem:$0x3F9B] =	sst s1;
	(tag) =	ssettag s2;
	_ =	strace s9  }
0x27: {  	s1 =	sld [smem:$0x3FAB]  }
0x28: {  	s2 =	sld [smem:$0x3FAC]  }
0x29: {  	s4 =	sld [smem:$0x3FAE]  }
0x2a: {  	p0 =	seq.s32 s5, $0x0;
	s5 =	sld [smem:$0x3FAF]  }
0x2b: {  	s6 =	sld [smem:$0x3FB0]  }
0x2c: {  	s7 =	sld [smem:$0x3FB1]  }
0x2d: {  	s3 =	simm.s32 $0x108;
	s8 =	sld [smem:$0x3FB2]  }
0x2e: {  	s3 =	simm.s32 @!p0 $0x1082;
	s9 =	sld [smem:$0x3FB3]  }
0x2f: {  	lr =	sadd.s32 s0, s3;
	s0 =	sld [smem:$0x3FAA]  }
0x30: {  	s3 =	sld [smem:$0x3FAD]  }
0x31: {  	[smem:$0x3FB6] =	sst s10  }
0x32: {  	s10 =	sld [smem:$0x3FB4];
	_ =	sdelay $0x3  }
0x33: {  	p0 =	seq.s32 s10, $0x1;
	s10 =	sld [smem:$0x3FB6];
	_ =	sdelay $0x3  }
0x34: {  	[smem:$0x3FB6] =	sst s10  }
0x35: {  	s10 =	sld [smem:$0x3FB5];
	_ =	sdelay $0x3  }
0x36: {  	p1 =	seq.s32 s10, $0x1;
	s10 =	sld [smem:$0x3FB6];
	_ =	sdelay $0x3  }
0x37: {  	[smem:$0x3FB6] =	sst s10  }
0x38: {  	s10 =	sld [smem:$0x3FB7]  }
0x39: {  	_ = 	snop;
	(pc) =	sbr.ind lr, $3  }
0x3a: {  	_ = 	snop  }
0x3b: {  	_ = 	snop  }
0x3c: {  	p2 =	seq.s32 s10, $0x1;
	s10 =	sld [smem:$0x3FB6]  }
0x3d: {  	_ =	shalt  }
0x3e: {  	_ =	shalt  }
0x3f: {  	_ =	shalt  }
0x40: {  	_ =	shalt  }
0x41: {  	_ =	shalt  }
0x42: {  	_ =	shalt  }
0x43: {  	_ =	shalt  }
0x44: {  	_ =	shalt  }
0x45: {  	_ =	shalt  }
0x46: {  	_ =	shalt  }
0x47: {  	_ =	shalt  }
0x48: {  	_ =	shalt  }
0x49: {  	_ =	shalt  }
0x4a: {  	_ =	shalt  }
0x4b: {  	_ =	shalt  }
0x4c: {  	_ =	shalt  }
0x4d: {  	_ =	shalt  }
0x4e: {  	_ =	shalt  }
0x4f: {  	_ =	shalt  }
0x50: {  	_ =	shalt  }
0x51: {  	_ =	shalt  }
0x52: {  	_ =	shalt  }
0x53: {  	_ =	shalt  }
0x54: {  	_ =	shalt  }
0x55: {  	_ =	shalt  }
0x56: {  	_ =	shalt  }
0x57: {  	_ =	shalt  }
0x58: {  	_ =	shalt  }
0x59: {  	_ =	shalt  }
0x5a: {  	_ =	shalt  }
0x5b: {  	_ =	shalt  }
0x5c: {  	_ =	shalt  }
0x5d: {  	_ =	shalt  }
0x5e: {  	_ =	shalt  }
0x5f: {  	_ =	shalt  }
0x60: {  	_ =	shalt  }
0x61: {  	_ =	shalt  }
0x62: {  	_ =	shalt  }
0x63: {  	_ =	shalt  }
0x64: {  	_ =	shalt  }
0x65: {  	_ =	shalt  }
0x66: {  	_ =	shalt  }
0x67: {  	_ =	shalt  }
0x68: {  	_ =	shalt  }
0x69: {  	_ =	shalt  }
0x6a: {  	_ =	shalt  }
0x6b: {  	_ =	shalt  }
0x6c: {  	_ =	shalt  }
0x6d: {  	_ =	shalt  }
0x6e: {  	_ =	shalt  }
0x6f: {  	_ =	shalt  }
0x70: {  	_ =	shalt  }
0x71: {  	_ =	shalt  }
0x72: {  	_ =	shalt  }
0x73: {  	_ =	shalt  }
0x74: {  	_ =	shalt  }
0x75: {  	_ =	shalt  }
0x76: {  	_ =	shalt  }
0x77: {  	_ =	shalt  }
0x78: {  	_ =	shalt  }
0x79: {  	_ =	shalt  }
0x7a: {  	_ =	shalt  }
0x7b: {  	_ =	shalt  }
0x7c: {  	_ =	shalt  }
0x7d: {  	_ =	shalt  }
0x7e: {  	_ =	shalt  }
0x7f: {  	_ =	shalt  }
0x80: {  	_ =	shalt  }
0x81: {  	_ =	shalt  }
0x82: {  	_ =	shalt  }
0x83: {  	_ =	shalt  }
0x84: {  	_ =	shalt  }
0x85: {  	_ =	shalt  }
0x86: {  	_ =	shalt  }
0x87: {  	_ =	shalt  }
.Lfunc_end0:
.L_simem_size_0:
called_computation_lowered:
.L_overlay_start_0:
0x88: {  	s2 =	sld [smem:$0x3FD9]  }
0x89: {  	s3 =	sld [smem:$0x3FFE];
	_ =	sdelay $0x1  }
0x8a: {  	s1 =	srdreg.scid  }
0x8b: {  	s0 =	sand.u32 $0x1, s1  }
0x8c: {  	s17 =	sshll.u32 s0, $0xA;
	s2 =	sadd.s32 s3, s2  }
0x8d: {  	s2 =	sadd.s32 s2, s17  }
0x8e: {  	[smem:$0x3FC2] =	sst s2  }
0x8f: {  	_ = 	snop  }
0x90: {  	s2 =	sld [smem:$0x3FD0];
	(tm) =	ssettm $0x1  }
0x91: {  	s18 =	sld [smem:$0x3FFB];
	_ =	sdelay $0x3  }
0x92: {  	_ =	strace s18  }
0x93: {  	s3 =	sld [smem:$0x3FFC];
	_ =	sdelay $0x3  }
0x94: {  	_ =	strace s3  }
0x95: {  	s3 =	sld [smem:$0x3FFD];
	_ =	sdelay $0x3  }
0x96: {  	_ =	strace s3  }
0x97: {  	_ =	strace $0x8FFFFFFF  }
0x98: {  	s19 =	sld [smem:$0x3FDB];
	_ =	sdelay $0x1  }
0x99: {  	s4 =	simm.s32 $_scs_section_size  }
0x9a: {  	s5 =	simm.s32 $_size__tile_overlayer_lowered;
	s6 =	simm.s32 $_tile_overlayer_lowered  }
0x9b: {  	s22 =	simm.s32 $0x1BFF;
	s21 =	sshll.u32 s6, $0x1;
	s3 =	sadd.s32 s4, s19  }
0x9c: {  	s7 =	simm.s32 $0x0;
	s20 =	sshll.u32 s5, $0x1;
	s5 =	sadd.s32 s21, s3  }
0x9d: {  	[timem:s7], [sflag:s22] =	dma.local [hbm:s5], s20  }
0x9e: {  	_ =	swait.ge [sflag:s22], s20  }
0x9f: {  	s4 =	ssub.s32 $0x0, s20;
	[sflag:s22] =	ssyncset.done $0x0  }
0xa0: {  	[sflag:s22] =	ssyncadd.s32 s4;
	_ =	sdelay $0x1  }
0xa1: {  	s23 =	simm.s32 $0x1B8B  }
0xa2: {  	_ =	swait.ge [sflag:s23], $0x1  }
0xa3: {  	[sflag:s23] =	ssyncset.done $0x0  }
0xa4: {  	s25 =	simm.s32 $0x1B8E;
	s24 =	sld [smem:$0x3FFE];
	[sflag:s23] =	ssyncadd.s32 $0xFFFFFFFF  }
0xa5: {  	s26 =	simm.s32 $execute0_lowered;
	[smem:$0x3FD2] =	sst s25  }
0xa6: {  	s5 =	sshll.u32 s26, $0x1;
	_ =	strace $0x80000046;
	[dreg:$0x1] =	wrdreg $0xFFFFFFFF  }
0xa7: {  	s28 =	simm.s32 $_size_execute0_lowered;
	s3 =	sadd.s32 s3, s5;
	[dreg:$0x0] =	wrdreg $0x0  }
0xa8: {  	s5 =	sshll.u32 s28, $0x1;
	[dreg:$0x2] =	wrdreg s3  }
0xa9: {  	[dreg:$0x3] =	wrdreg s5  }
0xaa: {  	[dreg:$0x4] =	wrdreg $0xC0  }
0xab: {  	_ =	task [dreg:s7], $0x5FFFF  }
0xac: {  	[dreg:$0x1] =	wrdreg $0xFFFFFFFF  }
0xad: {  	[dreg:$0x0] =	wrdreg $0x60  }
0xae: {  	[dreg:$0x2] =	wrdreg s24  }
0xaf: {  	[dreg:$0x3] =	wrdreg s2  }
0xb0: {  	[dreg:$0x4] =	wrdreg $0x9  }
0xb1: {  	_ =	task.clear_ibuf [dreg:s7], $0x5FFFF;
	_ =	strace $0x90000046  }
0xb2: {  	s29 =	simm.s32 $0x9;
	_ =	strace $0x80000048  }
0xb3: {  	_ =	swait.ge [sflag:s29], $0x1  }
0xb4: {  	[sflag:s29] =	ssyncadd.s32 $0xFFFFFFFF  }
0xb5: {  	_ =	strace $0x90000048  }
0xb6: {  	_ =	sfence  }
0xb7: {  	s30 =	sld [smem:$0x0];
	_ =	sdelay $0x2  }
0xb8: {  	s31 =	sshll.u32 s1, $0xD;
	s1 =	sshrl.u32 s1, $0x2  }
0xb9: {  	s3 =	sand.u32 $0x4000, s31;
	s1 =	sadd.s32 s1, s30  }
0xba: {  	s0 =	sor.u32 s3, s0;
	s1 =	sshll.u32 s1, $0x11  }
0xbb: {  	s0 =	sor.u32 s1, s0  }
0xbc: {  	s0 =	sadd.s32 $0x8F2B, s0  }
0xbd: {  	[sflag:s0] =	ssyncadd.remote.s32 $0x1  }
0xbe: {  	_ =	sfence.sel $0xFFFF  }
0xbf: {  	[dreg:$0x0] =	wrdreg $0xFFFFFFFF;
	(pc) =	sbr.abs _section_cstart, $3  }
0xc0: {  	[dreg:$0x1] =	wrdreg $0xFFFFFFFF  }
0xc1: {  	_ =	task.clear_ibuf [dreg:s7], $0x2FFFF;
	_ =	strace $0x9FFFFFFF  }
0xc2: {  	(tm) =	ssettm $0x7FFFFFFF  }
0xc3: {  	_ =	shalt  }
tec
execute0_lowered:
.L_overlay_start_1:
0x0: {  	(tag) =	ssettag $0x1  }
0x1: {  	s0 =	rddreg [dreg:$0x0]  }
0x2: {  	s2 =	rddreg [dreg:$0x1]  }
0x3: {  	s1 =	srdreg.scid;
	s9 =	stileid.u32;
	s3 =	simm.s32 $0x0  }
0x4: {  	s14 =	simm.s32 $0x80;
	s15 =	simm.s32 $0x5000;
	s16 =	simm.s32 $0x9000  }
0x5: {  	s17 =	simm.s32 $0xD000;
	s18 =	simm.s32 $0x11000;
	s19 =	simm.s32 $0x1  }
0x6: {  	s1 =	sand.u32 $0x1, s1;
	s4 =	sshll.u32 s9, $0x1;
	s11 =	smul.u32 $0x1900000, s9  }
0x7: {  	[smem:$0x7FF] =	sst s3;
	s5 =	sadd.s32 $0x102C00, s0;
	s13 =	smul.u32 $0x320000, s9  }
0x8: {  	s6 =	sor.u32 s1, s4;
	_ =	strace $0x80000047;
	s12 =	smul.u32 $0xC80000, s1  }
0x9: {  	s4 =	sadd.s32 $0x2C00, s0;
	s25 =	ssub.s32 $0x2, s1;
	s1 =	smul.u32 $0x190000, s1  }
0xa: {  	s7 =	smul.u32 $0xC80000, s6;
	s8 =	sshrl.u32 s25, $0x1;
	s30 =	sadd.s32 s13, s2  }
0xb: {  	s0 =	ssub.s32 s25, s8;
	s29 =	sadd.s32 s12, s11;
	s31 =	sadd.s32 s1, s30  }
0xc: {  	s7 =	sshrl.u32 s7, $0x3;
	s0 =	smax.u32 s0, $0x1;
	[dreg:$0x8] =	wrdreg s31  }
0xd: {  	s7 =	sadd.s32 s2, s7;
	[dreg:$0x6] =	wrdreg s0;
	s0 =	sadd.s32 $0xFFFFC000, s29  }
0xe: {  	s20 =	simm.s32 $0x15000;
	s26 =	sadd.s32 $0x18E800, s7;
	[dreg:$0x7] =	wrdreg s0  }
0xf: {  	s21 =	simm.s32 $0x2;
	s28 =	sadd.s32 $0x18F000, s7;
	[dreg:$0x3] =	wrdreg s26  }
0x10: {  	s22 =	simm.s32 $0x0;
	s7 =	sadd.s32 $0x18F800, s7;
	[dreg:$0x4] =	wrdreg s28  }
0x11: {  	s6 =	smul.u32 $0x320, s6;
	s13 =	simm.s32 $0x3;
	[dreg:$0x5] =	wrdreg s7  }
.LBB2_1:
0x12: {  	s23 =	rddreg [dreg:$0x8]  }
0x13: {  	s24 =	rddreg [dreg:$0x7];
	s25 =	simm.s32 $0x0  }
.LBB2_2:
0x14: {  	s0 =	smul.u32 $0xA0, s25;
	_ =	sdelay $0x1  }
0x15: {  	p0 =	seq.s32 s25, $0x0;
	s0 =	sadd.s32 s6, s0  }
0x16: {  	s1 =	simm.s32 @!p0 $0x1;
	s7 =	sshll.u32 @!p0 s0, $0xE  }
0x17: {  	_ =	swait.ge @!p0 [sflag:s1], $0x4000;
	s26 =	sadd.s32 @!p0 $0xFFFF4000, s7  }
0x18: {  	s28 =	simm.s32 @!p0 $0x0;
	[sflag:s1] =	ssyncset.done @!p0 $0x0;
	s26 =	sshrl.u32 @!p0 s26, $0x3  }
0x19: {  	s29 =	simm.s32 @!p0 $0xD000;
	[sflag:s1] =	ssyncadd.s32 @!p0 $0xFFFFC000;
	s26 =	sadd.s32 @!p0 s2, s26  }
0x1a: {  	[hbm4b:s26+s28] =	stream.linear.scatter @!p0 [tilespmem:s29], [sflag:$0x2], $0x4000, $0x38;
	[tilespmem:$0x19000] =	vst v63  }
0x1b: {  	s26 =	sadd.s32 @!p0 $0xFFFF8000, s7;
	_ =	swait.ge @!p0 [sflag:s1], $0x4000  }
0x1c: {  	s26 =	sshrl.u32 @!p0 s26, $0x3;
	[sflag:s1] =	ssyncset.done @!p0 $0x0  }
0x1d: {  	s29 =	simm.s32 @!p0 $0x11000;
	s26 =	sadd.s32 @!p0 s2, s26;
	[sflag:s1] =	ssyncadd.s32 @!p0 $0xFFFFC000  }
0x1e: {  	[hbm4b:s26+s28] =	stream.linear.scatter @!p0 [tilespmem:s29], [sflag:$0x2], $0x4000, $0x38;
	[tilespmem:$0x19000] =	vst v63  }
0x1f: {  	s7 =	sadd.s32 @!p0 $0xFFFFC000, s7;
	_ =	swait.ge @!p0 [sflag:s1], $0x4000  }
0x20: {  	s0 =	sshll.u32 s0, $0x4;
	s7 =	sshrl.u32 @!p0 s7, $0x3;
	[sflag:s1] =	ssyncset.done @!p0 $0x0  }
0x21: {  	[sflag:s1] =	ssyncadd.s32 @!p0 $0xFFFFC000;
	s1 =	sadd.s32 @!p0 s2, s7;
	s7 =	simm.s32 @!p0 $0x15000  }
0x22: {  	[hbm4b:s1+s28] =	stream.linear.scatter @!p0 [tilespmem:s7], [sflag:$0x2], $0x4000, $0x38;
	[tilespmem:$0x19000] =	vst v63  }
0x23: {  	s8 =	simm.s32 $0x0;
	s0 =	sadd.s32 s4, s0  }
0x24: {  	[tilespmem:s8], [sflag:$0x3] =	stream.linear.gather [hbm4b:s0+s8], $0x5000, $0x38;
	[tilespmem:$0x19000] =	vst v63  }
0x25: {  	s9 =	sor.u32 s25, s8;
	_ =	swait.ge [sflag:s13], $0x5000  }
0x26: {  	p0 =	seq.s32 s9, $0x0;
	[sflag:s13] =	ssyncset.done $0x0  }
0x27: {  	s0 =	simm.s32 @!p0 $0x2;
	[sflag:s13] =	ssyncadd.s32 $0xFFFFB000  }
0x28: {  	_ =	swait.ge @!p0 [sflag:s0], $0x4000  }
0x29: {  	p1 =	por $0x1, $0x1;
	[sflag:s0] =	ssyncset.done @!p0 $0x0  }
0x2a: {  	s10 =	simm.s32 $0x0;
	s26 =	simm.s32 @!p1 $0x1;
	[sflag:s0] =	ssyncadd.s32 @!p0 $0xFFFFC000  }
0x2b: {  	[tilespmem:s15], [sflag:$0x1] =	stream.indirect.gather [hbm4b:s5+s14], $0x80, s10, s14, $0xb8;
	[tilespmem:$0x19000] =	vst v63  }
0x2c: {  	s7 =	sadd.s32 @!p1 $0xFFFF8000, s24;
	_ =	swait.ge @!p1 [sflag:s26], $0x4000  }
0x2d: {  	s28 =	simm.s32 @!p1 $0xD000;
	s1 =	sshrl.u32 @!p1 s7, $0x3;
	[sflag:s26] =	ssyncset.done @!p1 $0x0  }
0x2e: {  	s7 =	simm.s32 @!p1 $0x0;
	s1 =	sadd.s32 @!p1 s2, s1;
	[sflag:s26] =	ssyncadd.s32 @!p1 $0xFFFFC000  }
0x2f: {  	[hbm4b:s1+s7] =	stream.linear.scatter @!p1 [tilespmem:s28], [sflag:$0x2], $0x4000, $0x38;
	[tilespmem:$0x19000] =	vst v63  }
0x30: {  	_ =	swait.ge @!p0 [sflag:s0], $0x4000  }
0x31: {  	[sflag:s0] =	ssyncset.done @!p0 $0x0  }
0x32: {  	s11 =	simm.s32 $0x80;
	[sflag:s0] =	ssyncadd.s32 @!p0 $0xFFFFC000  }
0x33: {  	[tilespmem:s16], [sflag:$0x1] =	stream.indirect.gather [hbm4b:s5+s14], $0x80, s11, s14, $0xb8;
	[tilespmem:$0x19000] =	vst v63  }
0x34: {  	s1 =	sadd.s32 @!p1 $0xFFFFC000, s24;
	_ =	swait.ge @!p1 [sflag:s26], $0x4000  }
0x35: {  	s1 =	sshrl.u32 @!p1 s1, $0x3;
	[sflag:s26] =	ssyncset.done @!p1 $0x0  }
0x36: {  	s28 =	simm.s32 @!p1 $0x11000;
	s1 =	sadd.s32 @!p1 s2, s1;
	[sflag:s26] =	ssyncadd.s32 @!p1 $0xFFFFC000  }
0x37: {  	[hbm4b:s1+s7] =	stream.linear.scatter @!p1 [tilespmem:s28], [sflag:$0x2], $0x4000, $0x38;
	[tilespmem:$0x19000] =	vst v63  }
0x38: {  	_ =	swait.ge @!p0 [sflag:s0], $0x4000  }
0x39: {  	[sflag:s0] =	ssyncset.done @!p0 $0x0  }
0x3a: {  	s12 =	simm.s32 $0x100;
	[sflag:s0] =	ssyncadd.s32 @!p0 $0xFFFFC000  }
0x3b: {  	[tilespmem:s17], [sflag:$0x1] =	stream.indirect.gather [hbm4b:s5+s14], $0x80, s12, s14, $0xb8;
	[tilespmem:$0x19000] =	vst v63  }
0x3c: {  	_ =	swait.ge @!p1 [sflag:s26], $0x4000  }
0x3d: {  	s1 =	sshrl.u32 @!p1 s24, $0x3;
	[sflag:s26] =	ssyncset.done @!p1 $0x0  }
0x3e: {  	s28 =	simm.s32 @!p1 $0x15000;
	s1 =	sadd.s32 @!p1 s2, s1;
	[sflag:s26] =	ssyncadd.s32 @!p1 $0xFFFFC000  }
0x3f: {  	[hbm4b:s1+s7] =	stream.linear.scatter @!p1 [tilespmem:s28], [sflag:$0x2], $0x4000, $0x38;
	[tilespmem:$0x19000] =	vst v63  }
0x40: {  	_ =	swait.ge @!p0 [sflag:s0], $0x4000  }
0x41: {  	[sflag:s0] =	ssyncset.done @!p0 $0x0  }
0x42: {  	s26 =	simm.s32 $0x180;
	[sflag:s0] =	ssyncadd.s32 @!p0 $0xFFFFC000  }
0x43: {  	[tilespmem:s18], [sflag:$0x1] =	stream.indirect.gather [hbm4b:s5+s14], $0x80, s26, s14, $0xb8;
	[tilespmem:$0x19000] =	vst v63  }
0x44: {  	_ =	swait.ge [sflag:s19], $0x4000  }
0x45: {  	[sflag:s19] =	ssyncset.done $0x0  }
0x46: {  	[sflag:s19] =	ssyncadd.s32 $0xFFFFC000  }
0x47: {  	[hbm4b:s23+s3] =	stream.linear.scatter [tilespmem:s15], [sflag:$0x2], $0x4000, $0x38;
	[tilespmem:$0x19000] =	vst v63  }
0x48: {  	_ =	swait.ge @!p0 [sflag:s0], $0x4000  }
0x49: {  	[sflag:s0] =	ssyncset.done @!p0 $0x0  }
0x4a: {  	s7 =	simm.s32 $0x200;
	[sflag:s0] =	ssyncadd.s32 @!p0 $0xFFFFC000  }
0x4b: {  	[tilespmem:s20], [sflag:$0x1] =	stream.indirect.gather [hbm4b:s5+s14], $0x80, s7, s14, $0xb8;
	[tilespmem:$0x19000] =	vst v63  }
0x4c: {  	_ =	swait.ge [sflag:s19], $0x4000  }
0x4d: {  	[sflag:s19] =	ssyncset.done $0x0  }
0x4e: {  	s8 =	sadd.s32 $0x800, s23;
	[sflag:s19] =	ssyncadd.s32 $0xFFFFC000  }
0x4f: {  	[hbm4b:s8+s3] =	stream.linear.scatter [tilespmem:s16], [sflag:$0x2], $0x4000, $0x38;
	[tilespmem:$0x19000] =	vst v63  }
0x50: {  	_ =	swait.ge [sflag:s21], $0x4000  }
0x51: {  	[sflag:s21] =	ssyncset.done $0x0  }
0x52: {  	s9 =	simm.s32 $0x280;
	[sflag:s21] =	ssyncadd.s32 $0xFFFFC000  }
0x53: {  	[tilespmem:s15], [sflag:$0x1] =	stream.indirect.gather [hbm4b:s5+s14], $0x80, s9, s14, $0xb8;
	[tilespmem:$0x19000] =	vst v63  }
0x54: {  	_ =	swait.ge [sflag:s19], $0x4000  }
0x55: {  	[sflag:s19] =	ssyncset.done $0x0  }
0x56: {  	s10 =	sadd.s32 $0x1000, s23;
	[sflag:s19] =	ssyncadd.s32 $0xFFFFC000  }
0x57: {  	[hbm4b:s10+s3] =	stream.linear.scatter [tilespmem:s17], [sflag:$0x2], $0x4000, $0x38;
	[tilespmem:$0x19000] =	vst v63  }
0x58: {  	_ =	swait.ge [sflag:s21], $0x4000  }
0x59: {  	[sflag:s21] =	ssyncset.done $0x0  }
0x5a: {  	s11 =	simm.s32 $0x300;
	[sflag:s21] =	ssyncadd.s32 $0xFFFFC000  }
0x5b: {  	[tilespmem:s16], [sflag:$0x1] =	stream.indirect.gather [hbm4b:s5+s14], $0x80, s11, s14, $0xb8;
	[tilespmem:$0x19000] =	vst v63  }
0x5c: {  	_ =	swait.ge [sflag:s19], $0x4000  }
0x5d: {  	[sflag:s19] =	ssyncset.done $0x0  }
0x5e: {  	s12 =	sadd.s32 $0x1800, s23;
	[sflag:s19] =	ssyncadd.s32 $0xFFFFC000  }
0x5f: {  	[hbm4b:s12+s3] =	stream.linear.scatter [tilespmem:s18], [sflag:$0x2], $0x4000, $0x38;
	[tilespmem:$0x19000] =	vst v63  }
0x60: {  	_ =	swait.ge [sflag:s21], $0x4000  }
0x61: {  	[sflag:s21] =	ssyncset.done $0x0  }
0x62: {  	s26 =	simm.s32 $0x380;
	[sflag:s21] =	ssyncadd.s32 $0xFFFFC000  }
0x63: {  	[tilespmem:s17], [sflag:$0x1] =	stream.indirect.gather [hbm4b:s5+s14], $0x80, s26, s14, $0xb8;
	[tilespmem:$0x19000] =	vst v63  }
0x64: {  	_ =	swait.ge [sflag:s19], $0x4000  }
0x65: {  	[sflag:s19] =	ssyncset.done $0x0  }
0x66: {  	s1 =	sadd.s32 $0x2000, s23;
	[sflag:s19] =	ssyncadd.s32 $0xFFFFC000  }
0x67: {  	[hbm4b:s1+s3] =	stream.linear.scatter [tilespmem:s20], [sflag:$0x2], $0x4000, $0x38;
	[tilespmem:$0x19000] =	vst v63  }
0x68: {  	_ =	swait.ge [sflag:s21], $0x4000  }
0x69: {  	[sflag:s21] =	ssyncset.done $0x0  }
0x6a: {  	s7 =	simm.s32 $0x400;
	[sflag:s21] =	ssyncadd.s32 $0xFFFFC000  }
0x6b: {  	[tilespmem:s18], [sflag:$0x1] =	stream.indirect.gather [hbm4b:s5+s14], $0x80, s7, s14, $0xb8;
	[tilespmem:$0x19000] =	vst v63  }
0x6c: {  	_ =	swait.ge [sflag:s19], $0x4000  }
0x6d: {  	[sflag:s19] =	ssyncset.done $0x0  }
0x6e: {  	s8 =	sadd.s32 $0x2800, s23;
	[sflag:s19] =	ssyncadd.s32 $0xFFFFC000  }
0x6f: {  	[hbm4b:s8+s3] =	stream.linear.scatter [tilespmem:s15], [sflag:$0x2], $0x4000, $0x38;
	[tilespmem:$0x19000] =	vst v63  }
0x70: {  	_ =	swait.ge [sflag:s21], $0x4000  }
0x71: {  	[sflag:s21] =	ssyncset.done $0x0  }
0x72: {  	s9 =	simm.s32 $0x480;
	[sflag:s21] =	ssyncadd.s32 $0xFFFFC000  }
0x73: {  	[tilespmem:s20], [sflag:$0x1] =	stream.indirect.gather [hbm4b:s5+s14], $0x80, s9, s14, $0xb8;
	[tilespmem:$0x19000] =	vst v63  }
0x74: {  	_ =	swait.ge [sflag:s19], $0x4000  }
0x75: {  	[sflag:s19] =	ssyncset.done $0x0  }
0x76: {  	s10 =	sadd.s32 $0x3000, s23;
	[sflag:s19] =	ssyncadd.s32 $0xFFFFC000  }
0x77: {  	[hbm4b:s10+s3] =	stream.linear.scatter [tilespmem:s16], [sflag:$0x2], $0x4000, $0x38;
	[tilespmem:$0x19000] =	vst v63  }
0x78: {  	_ =	swait.ge [sflag:s21], $0x4000  }
0x79: {  	[sflag:s21] =	ssyncset.done $0x0  }
0x7a: {  	s11 =	simm.s32 $0x500;
	[sflag:s21] =	ssyncadd.s32 $0xFFFFC000  }
0x7b: {  	[tilespmem:s15], [sflag:$0x1] =	stream.indirect.gather [hbm4b:s5+s14], $0x80, s11, s14, $0xb8;
	[tilespmem:$0x19000] =	vst v63  }
0x7c: {  	_ =	swait.ge [sflag:s19], $0x4000  }
0x7d: {  	[sflag:s19] =	ssyncset.done $0x0  }
0x7e: {  	s12 =	sadd.s32 $0x3800, s23;
	[sflag:s19] =	ssyncadd.s32 $0xFFFFC000  }
0x7f: {  	[hbm4b:s12+s3] =	stream.linear.scatter [tilespmem:s17], [sflag:$0x2], $0x4000, $0x38;
	[tilespmem:$0x19000] =	vst v63  }
0x80: {  	_ =	swait.ge [sflag:s21], $0x4000  }
0x81: {  	[sflag:s21] =	ssyncset.done $0x0  }
0x82: {  	s26 =	simm.s32 $0x580;
	[sflag:s21] =	ssyncadd.s32 $0xFFFFC000  }
0x83: {  	[tilespmem:s16], [sflag:$0x1] =	stream.indirect.gather [hbm4b:s5+s14], $0x80, s26, s14, $0xb8;
	[tilespmem:$0x19000] =	vst v63  }
0x84: {  	_ =	swait.ge [sflag:s19], $0x4000  }
0x85: {  	[sflag:s19] =	ssyncset.done $0x0  }
0x86: {  	s1 =	sadd.s32 $0x4000, s23;
	[sflag:s19] =	ssyncadd.s32 $0xFFFFC000  }
0x87: {  	[hbm4b:s1+s3] =	stream.linear.scatter [tilespmem:s18], [sflag:$0x2], $0x4000, $0x38;
	[tilespmem:$0x19000] =	vst v63  }
0x88: {  	_ =	swait.ge [sflag:s21], $0x4000  }
0x89: {  	[sflag:s21] =	ssyncset.done $0x0  }
0x8a: {  	s7 =	simm.s32 $0x600;
	[sflag:s21] =	ssyncadd.s32 $0xFFFFC000  }
0x8b: {  	[tilespmem:s17], [sflag:$0x1] =	stream.indirect.gather [hbm4b:s5+s14], $0x80, s7, s14, $0xb8;
	[tilespmem:$0x19000] =	vst v63  }
0x8c: {  	_ =	swait.ge [sflag:s19], $0x4000  }
0x8d: {  	[sflag:s19] =	ssyncset.done $0x0  }
0x8e: {  	s8 =	sadd.s32 $0x4800, s23;
	[sflag:s19] =	ssyncadd.s32 $0xFFFFC000  }
0x8f: {  	[hbm4b:s8+s3] =	stream.linear.scatter [tilespmem:s20], [sflag:$0x2], $0x4000, $0x38;
	[tilespmem:$0x19000] =	vst v63  }
0x90: {  	_ =	swait.ge [sflag:s21], $0x4000  }
0x91: {  	[sflag:s21] =	ssyncset.done $0x0  }
0x92: {  	s9 =	simm.s32 $0x680;
	[sflag:s21] =	ssyncadd.s32 $0xFFFFC000  }
0x93: {  	[tilespmem:s18], [sflag:$0x1] =	stream.indirect.gather [hbm4b:s5+s14], $0x80, s9, s14, $0xb8;
	[tilespmem:$0x19000] =	vst v63  }
0x94: {  	_ =	swait.ge [sflag:s19], $0x4000  }
0x95: {  	[sflag:s19] =	ssyncset.done $0x0  }
0x96: {  	s10 =	sadd.s32 $0x5000, s23;
	[sflag:s19] =	ssyncadd.s32 $0xFFFFC000  }
0x97: {  	[hbm4b:s10+s3] =	stream.linear.scatter [tilespmem:s15], [sflag:$0x2], $0x4000, $0x38;
	[tilespmem:$0x19000] =	vst v63  }
0x98: {  	_ =	swait.ge [sflag:s21], $0x4000  }
0x99: {  	[sflag:s21] =	ssyncset.done $0x0  }
0x9a: {  	s11 =	simm.s32 $0x700;
	[sflag:s21] =	ssyncadd.s32 $0xFFFFC000  }
0x9b: {  	[tilespmem:s20], [sflag:$0x1] =	stream.indirect.gather [hbm4b:s5+s14], $0x80, s11, s14, $0xb8;
	[tilespmem:$0x19000] =	vst v63  }
0x9c: {  	_ =	swait.ge [sflag:s19], $0x4000  }
0x9d: {  	[sflag:s19] =	ssyncset.done $0x0  }
0x9e: {  	s12 =	sadd.s32 $0x5800, s23;
	[sflag:s19] =	ssyncadd.s32 $0xFFFFC000  }
0x9f: {  	[hbm4b:s12+s3] =	stream.linear.scatter [tilespmem:s16], [sflag:$0x2], $0x4000, $0x38;
	[tilespmem:$0x19000] =	vst v63  }
0xa0: {  	_ =	swait.ge [sflag:s21], $0x4000  }
0xa1: {  	[sflag:s21] =	ssyncset.done $0x0  }
0xa2: {  	s26 =	simm.s32 $0x780;
	[sflag:s21] =	ssyncadd.s32 $0xFFFFC000  }
0xa3: {  	[tilespmem:s15], [sflag:$0x1] =	stream.indirect.gather [hbm4b:s5+s14], $0x80, s26, s14, $0xb8;
	[tilespmem:$0x19000] =	vst v63  }
0xa4: {  	_ =	swait.ge [sflag:s19], $0x4000  }
0xa5: {  	[sflag:s19] =	ssyncset.done $0x0  }
0xa6: {  	s1 =	sadd.s32 $0x6000, s23;
	[sflag:s19] =	ssyncadd.s32 $0xFFFFC000  }
0xa7: {  	[hbm4b:s1+s3] =	stream.linear.scatter [tilespmem:s17], [sflag:$0x2], $0x4000, $0x38;
	[tilespmem:$0x19000] =	vst v63  }
0xa8: {  	_ =	swait.ge [sflag:s21], $0x4000  }
0xa9: {  	[sflag:s21] =	ssyncset.done $0x0  }
0xaa: {  	s7 =	simm.s32 $0x800;
	[sflag:s21] =	ssyncadd.s32 $0xFFFFC000  }
0xab: {  	[tilespmem:s16], [sflag:$0x1] =	stream.indirect.gather [hbm4b:s5+s14], $0x80, s7, s14, $0xb8;
	[tilespmem:$0x19000] =	vst v63  }
0xac: {  	_ =	swait.ge [sflag:s19], $0x4000  }
0xad: {  	[sflag:s19] =	ssyncset.done $0x0  }
0xae: {  	s8 =	sadd.s32 $0x6800, s23;
	[sflag:s19] =	ssyncadd.s32 $0xFFFFC000  }
0xaf: {  	[hbm4b:s8+s3] =	stream.linear.scatter [tilespmem:s18], [sflag:$0x2], $0x4000, $0x38;
	[tilespmem:$0x19000] =	vst v63  }
0xb0: {  	_ =	swait.ge [sflag:s21], $0x4000  }
0xb1: {  	[sflag:s21] =	ssyncset.done $0x0  }
0xb2: {  	s9 =	simm.s32 $0x880;
	[sflag:s21] =	ssyncadd.s32 $0xFFFFC000  }
0xb3: {  	[tilespmem:s17], [sflag:$0x1] =	stream.indirect.gather [hbm4b:s5+s14], $0x80, s9, s14, $0xb8;
	[tilespmem:$0x19000] =	vst v63  }
0xb4: {  	_ =	swait.ge [sflag:s19], $0x4000  }
0xb5: {  	[sflag:s19] =	ssyncset.done $0x0  }
0xb6: {  	s10 =	sadd.s32 $0x7000, s23;
	[sflag:s19] =	ssyncadd.s32 $0xFFFFC000  }
0xb7: {  	[hbm4b:s10+s3] =	stream.linear.scatter [tilespmem:s20], [sflag:$0x2], $0x4000, $0x38;
	[tilespmem:$0x19000] =	vst v63  }
0xb8: {  	_ =	swait.ge [sflag:s21], $0x4000  }
0xb9: {  	[sflag:s21] =	ssyncset.done $0x0  }
0xba: {  	s11 =	simm.s32 $0x900;
	[sflag:s21] =	ssyncadd.s32 $0xFFFFC000  }
0xbb: {  	[tilespmem:s18], [sflag:$0x1] =	stream.indirect.gather [hbm4b:s5+s14], $0x80, s11, s14, $0xb8;
	[tilespmem:$0x19000] =	vst v63  }
0xbc: {  	_ =	swait.ge [sflag:s19], $0x4000  }
0xbd: {  	[sflag:s19] =	ssyncset.done $0x0  }
0xbe: {  	s12 =	sadd.s32 $0x7800, s23;
	[sflag:s19] =	ssyncadd.s32 $0xFFFFC000  }
0xbf: {  	[hbm4b:s12+s3] =	stream.linear.scatter [tilespmem:s15], [sflag:$0x2], $0x4000, $0x38;
	[tilespmem:$0x19000] =	vst v63  }
0xc0: {  	s31 =	simm.s32 $0x2800;
	_ =	swait.ge [sflag:s21], $0x4000  }
0xc1: {  	s30 =	simm.s32 $0x1;
	s29 =	simm.s32 $0x5000;
	[sflag:s21] =	ssyncset.done $0x0  }
0xc2: {  	s28 =	sadd.s32 $0x50000, s24;
	s26 =	simm.s32 $0x980;
	[sflag:s21] =	ssyncadd.s32 $0xFFFFC000  }
0xc3: {  	[tilespmem:s20], [sflag:$0x1] =	stream.indirect.gather [hbm4b:s5+s14], $0x80, s26, s14, $0xb8;
	[tilespmem:$0x19000] =	vst v63  }
0xc4: {  	s0 =	sor.u32 s25, s30;
	s7 =	sadd.s32 $0x8000, s23;
	s26 =	sadd.s32 $0xA000, s23  }
.LBB2_3:
0xc5: {  	p1 =	seq.s32 s0, $0x0  }
0xc6: {  	_ =	swait.ge [sflag:s19], $0x4000;
	s8 =	smov.u32 s29;
	s29 =	sadd.s32 $0x2800, s29  }
0xc7: {  	p0 =	sne.s32 s29, $0x14000;
	s1 =	simm.s32 @!p1 $0x2;
	[sflag:s19] =	ssyncset.done $0x0  }
0xc8: {  	[sflag:s19] =	ssyncadd.s32 $0xFFFFC000  }
0xc9: {  	[hbm4b:s7+s3] =	stream.linear.scatter [tilespmem:s16], [sflag:$0x2], $0x4000, $0x38;
	[tilespmem:$0x19000] =	vst v63  }
0xca: {  	_ = 	snop  }
0xcb: {  	p2 =	seq.s32 s31, $0x0;
	s0 =	sshra.s32 s31, $0x2;
	_ =	swait.ge @!p1 [sflag:s1], $0x4000  }
0xcc: {  	s31 =	sadd.s32 @!p2 $0xFFFFC000, s28;
	s7 =	sadd.s32 @!p2 $0xFFFF8000, s28;
	[sflag:s1] =	ssyncset.done @!p1 $0x0  }
0xcd: {  	s9 =	simm.s32 @!p2 $0x1;
	s7 =	sshrl.u32 @!p2 s7, $0x3;
	[sflag:s1] =	ssyncadd.s32 @!p1 $0xFFFFC000  }
0xce: {  	[tilespmem:s15], [sflag:$0x1] =	stream.indirect.gather [hbm4b:s5+s14], $0x80, s0, s14, $0xb8;
	[tilespmem:$0x19000] =	vst v63  }
0xcf: {  	s10 =	sshrl.u32 @!p2 s28, $0x3;
	s7 =	sadd.s32 @!p2 s2, s7;
	_ =	swait.ge @!p2 [sflag:s9], $0x4000  }
0xd0: {  	s11 =	simm.s32 @!p2 $0x0;
	s12 =	simm.s32 @!p2 $0xD000;
	[sflag:s9] =	ssyncset.done @!p2 $0x0  }
0xd1: {  	s31 =	sshrl.u32 @!p2 s31, $0x3;
	s10 =	sadd.s32 @!p2 s2, s10;
	[sflag:s9] =	ssyncadd.s32 @!p2 $0xFFFFC000  }
0xd2: {  	[hbm4b:s7+s11] =	stream.linear.scatter @!p2 [tilespmem:s12], [sflag:$0x2], $0x4000, $0x38;
	[tilespmem:$0x19000] =	vst v63  }
0xd3: {  	s7 =	sadd.s32 @!p2 s2, s31;
	s31 =	smov.u32 s8;
	_ =	swait.ge @!p1 [sflag:s1], $0x4000  }
0xd4: {  	s8 =	sadd.s32 $0x80, s0;
	[sflag:s1] =	ssyncset.done @!p1 $0x0  }
0xd5: {  	[sflag:s1] =	ssyncadd.s32 @!p1 $0xFFFFC000  }
0xd6: {  	[tilespmem:s16], [sflag:$0x1] =	stream.indirect.gather [hbm4b:s5+s14], $0x80, s8, s14, $0xb8;
	[tilespmem:$0x19000] =	vst v63  }
0xd7: {  	s8 =	simm.s32 @!p2 $0x11000;
	_ =	swait.ge @!p2 [sflag:s9], $0x4000  }
0xd8: {  	[sflag:s9] =	ssyncset.done @!p2 $0x0  }
0xd9: {  	[sflag:s9] =	ssyncadd.s32 @!p2 $0xFFFFC000  }
0xda: {  	[hbm4b:s7+s11] =	stream.linear.scatter @!p2 [tilespmem:s8], [sflag:$0x2], $0x4000, $0x38;
	[tilespmem:$0x19000] =	vst v63  }
0xdb: {  	_ =	swait.ge @!p1 [sflag:s1], $0x4000  }
0xdc: {  	s7 =	sadd.s32 $0x100, s0;
	[sflag:s1] =	ssyncset.done @!p1 $0x0  }
0xdd: {  	[sflag:s1] =	ssyncadd.s32 @!p1 $0xFFFFC000  }
0xde: {  	[tilespmem:s17], [sflag:$0x1] =	stream.indirect.gather [hbm4b:s5+s14], $0x80, s7, s14, $0xb8;
	[tilespmem:$0x19000] =	vst v63  }
0xdf: {  	s7 =	simm.s32 @!p2 $0x15000;
	_ =	swait.ge @!p2 [sflag:s9], $0x4000  }
0xe0: {  	[sflag:s9] =	ssyncset.done @!p2 $0x0  }
0xe1: {  	[sflag:s9] =	ssyncadd.s32 @!p2 $0xFFFFC000  }
0xe2: {  	[hbm4b:s10+s11] =	stream.linear.scatter @!p2 [tilespmem:s7], [sflag:$0x2], $0x4000, $0x38;
	[tilespmem:$0x19000] =	vst v63  }
0xe3: {  	_ =	swait.ge @!p1 [sflag:s1], $0x4000  }
0xe4: {  	s7 =	sadd.s32 $0x180, s0;
	[sflag:s1] =	ssyncset.done @!p1 $0x0  }
0xe5: {  	[sflag:s1] =	ssyncadd.s32 @!p1 $0xFFFFC000  }
0xe6: {  	[tilespmem:s18], [sflag:$0x1] =	stream.indirect.gather [hbm4b:s5+s14], $0x80, s7, s14, $0xb8;
	[tilespmem:$0x19000] =	vst v63  }
0xe7: {  	_ =	swait.ge [sflag:s19], $0x4000  }
0xe8: {  	[sflag:s19] =	ssyncset.done $0x0  }
0xe9: {  	[sflag:s19] =	ssyncadd.s32 $0xFFFFC000  }
0xea: {  	[hbm4b:s26+s3] =	stream.linear.scatter [tilespmem:s15], [sflag:$0x2], $0x4000, $0x38;
	[tilespmem:$0x19000] =	vst v63  }
0xeb: {  	_ =	swait.ge @!p1 [sflag:s1], $0x4000  }
0xec: {  	s7 =	sadd.s32 $0x200, s0;
	[sflag:s1] =	ssyncset.done @!p1 $0x0  }
0xed: {  	[sflag:s1] =	ssyncadd.s32 @!p1 $0xFFFFC000  }
0xee: {  	[tilespmem:s20], [sflag:$0x1] =	stream.indirect.gather [hbm4b:s5+s14], $0x80, s7, s14, $0xb8;
	[tilespmem:$0x19000] =	vst v63  }
0xef: {  	_ =	swait.ge [sflag:s19], $0x4000  }
0xf0: {  	s1 =	sadd.s32 $0x800, s26;
	[sflag:s19] =	ssyncset.done $0x0  }
0xf1: {  	[sflag:s19] =	ssyncadd.s32 $0xFFFFC000  }
0xf2: {  	[hbm4b:s1+s3] =	stream.linear.scatter [tilespmem:s16], [sflag:$0x2], $0x4000, $0x38;
	[tilespmem:$0x19000] =	vst v63  }
0xf3: {  	_ =	swait.ge [sflag:s21], $0x4000  }
0xf4: {  	s1 =	sadd.s32 $0x280, s0;
	[sflag:s21] =	ssyncset.done $0x0  }
0xf5: {  	[sflag:s21] =	ssyncadd.s32 $0xFFFFC000  }
0xf6: {  	[tilespmem:s15], [sflag:$0x1] =	stream.indirect.gather [hbm4b:s5+s14], $0x80, s1, s14, $0xb8;
	[tilespmem:$0x19000] =	vst v63  }
0xf7: {  	_ =	swait.ge [sflag:s19], $0x4000  }
0xf8: {  	s1 =	sadd.s32 $0x1000, s26;
	[sflag:s19] =	ssyncset.done $0x0  }
0xf9: {  	[sflag:s19] =	ssyncadd.s32 $0xFFFFC000  }
0xfa: {  	[hbm4b:s1+s3] =	stream.linear.scatter [tilespmem:s17], [sflag:$0x2], $0x4000, $0x38;
	[tilespmem:$0x19000] =	vst v63  }
0xfb: {  	_ =	swait.ge [sflag:s21], $0x4000  }
0xfc: {  	s1 =	sadd.s32 $0x300, s0;
	[sflag:s21] =	ssyncset.done $0x0  }
0xfd: {  	[sflag:s21] =	ssyncadd.s32 $0xFFFFC000  }
0xfe: {  	[tilespmem:s16], [sflag:$0x1] =	stream.indirect.gather [hbm4b:s5+s14], $0x80, s1, s14, $0xb8;
	[tilespmem:$0x19000] =	vst v63  }
0xff: {  	_ =	swait.ge [sflag:s19], $0x4000  }
0x100: {  	s1 =	sadd.s32 $0x1800, s26;
	[sflag:s19] =	ssyncset.done $0x0  }
0x101: {  	[sflag:s19] =	ssyncadd.s32 $0xFFFFC000  }
0x102: {  	[hbm4b:s1+s3] =	stream.linear.scatter [tilespmem:s18], [sflag:$0x2], $0x4000, $0x38;
	[tilespmem:$0x19000] =	vst v63  }
0x103: {  	_ =	swait.ge [sflag:s21], $0x4000  }
0x104: {  	s1 =	sadd.s32 $0x380, s0;
	[sflag:s21] =	ssyncset.done $0x0  }
0x105: {  	[sflag:s21] =	ssyncadd.s32 $0xFFFFC000  }
0x106: {  	[tilespmem:s17], [sflag:$0x1] =	stream.indirect.gather [hbm4b:s5+s14], $0x80, s1, s14, $0xb8;
	[tilespmem:$0x19000] =	vst v63  }
0x107: {  	_ =	swait.ge [sflag:s19], $0x4000  }
0x108: {  	s1 =	sadd.s32 $0x2000, s26;
	[sflag:s19] =	ssyncset.done $0x0  }
0x109: {  	[sflag:s19] =	ssyncadd.s32 $0xFFFFC000  }
0x10a: {  	[hbm4b:s1+s3] =	stream.linear.scatter [tilespmem:s20], [sflag:$0x2], $0x4000, $0x38;
	[tilespmem:$0x19000] =	vst v63  }
0x10b: {  	_ =	swait.ge [sflag:s21], $0x4000  }
0x10c: {  	s1 =	sadd.s32 $0x400, s0;
	[sflag:s21] =	ssyncset.done $0x0  }
0x10d: {  	[sflag:s21] =	ssyncadd.s32 $0xFFFFC000  }
0x10e: {  	[tilespmem:s18], [sflag:$0x1] =	stream.indirect.gather [hbm4b:s5+s14], $0x80, s1, s14, $0xb8;
	[tilespmem:$0x19000] =	vst v63  }
0x10f: {  	_ =	swait.ge [sflag:s19], $0x4000  }
0x110: {  	s1 =	sadd.s32 $0x2800, s26;
	[sflag:s19] =	ssyncset.done $0x0  }
0x111: {  	[sflag:s19] =	ssyncadd.s32 $0xFFFFC000  }
0x112: {  	[hbm4b:s1+s3] =	stream.linear.scatter [tilespmem:s15], [sflag:$0x2], $0x4000, $0x38;
	[tilespmem:$0x19000] =	vst v63  }
0x113: {  	_ =	swait.ge [sflag:s21], $0x4000  }
0x114: {  	s1 =	sadd.s32 $0x480, s0;
	[sflag:s21] =	ssyncset.done $0x0  }
0x115: {  	[sflag:s21] =	ssyncadd.s32 $0xFFFFC000  }
0x116: {  	[tilespmem:s20], [sflag:$0x1] =	stream.indirect.gather [hbm4b:s5+s14], $0x80, s1, s14, $0xb8;
	[tilespmem:$0x19000] =	vst v63  }
0x117: {  	_ =	swait.ge [sflag:s19], $0x4000  }
0x118: {  	s1 =	sadd.s32 $0x3000, s26;
	[sflag:s19] =	ssyncset.done $0x0  }
0x119: {  	[sflag:s19] =	ssyncadd.s32 $0xFFFFC000  }
0x11a: {  	[hbm4b:s1+s3] =	stream.linear.scatter [tilespmem:s16], [sflag:$0x2], $0x4000, $0x38;
	[tilespmem:$0x19000] =	vst v63  }
0x11b: {  	_ =	swait.ge [sflag:s21], $0x4000  }
0x11c: {  	s1 =	sadd.s32 $0x500, s0;
	[sflag:s21] =	ssyncset.done $0x0  }
0x11d: {  	[sflag:s21] =	ssyncadd.s32 $0xFFFFC000  }
0x11e: {  	[tilespmem:s15], [sflag:$0x1] =	stream.indirect.gather [hbm4b:s5+s14], $0x80, s1, s14, $0xb8;
	[tilespmem:$0x19000] =	vst v63  }
0x11f: {  	_ =	swait.ge [sflag:s19], $0x4000  }
0x120: {  	s1 =	sadd.s32 $0x3800, s26;
	[sflag:s19] =	ssyncset.done $0x0  }
0x121: {  	[sflag:s19] =	ssyncadd.s32 $0xFFFFC000  }
0x122: {  	[hbm4b:s1+s3] =	stream.linear.scatter [tilespmem:s17], [sflag:$0x2], $0x4000, $0x38;
	[tilespmem:$0x19000] =	vst v63  }
0x123: {  	_ =	swait.ge [sflag:s21], $0x4000  }
0x124: {  	s1 =	sadd.s32 $0x580, s0;
	[sflag:s21] =	ssyncset.done $0x0  }
0x125: {  	[sflag:s21] =	ssyncadd.s32 $0xFFFFC000  }
0x126: {  	[tilespmem:s16], [sflag:$0x1] =	stream.indirect.gather [hbm4b:s5+s14], $0x80, s1, s14, $0xb8;
	[tilespmem:$0x19000] =	vst v63  }
0x127: {  	_ =	swait.ge [sflag:s19], $0x4000  }
0x128: {  	s1 =	sadd.s32 $0x4000, s26;
	[sflag:s19] =	ssyncset.done $0x0  }
0x129: {  	[sflag:s19] =	ssyncadd.s32 $0xFFFFC000  }
0x12a: {  	[hbm4b:s1+s3] =	stream.linear.scatter [tilespmem:s18], [sflag:$0x2], $0x4000, $0x38;
	[tilespmem:$0x19000] =	vst v63  }
0x12b: {  	_ =	swait.ge [sflag:s21], $0x4000  }
0x12c: {  	s1 =	sadd.s32 $0x600, s0;
	[sflag:s21] =	ssyncset.done $0x0  }
0x12d: {  	[sflag:s21] =	ssyncadd.s32 $0xFFFFC000  }
0x12e: {  	[tilespmem:s17], [sflag:$0x1] =	stream.indirect.gather [hbm4b:s5+s14], $0x80, s1, s14, $0xb8;
	[tilespmem:$0x19000] =	vst v63  }
0x12f: {  	_ =	swait.ge [sflag:s19], $0x4000  }
0x130: {  	s1 =	sadd.s32 $0x4800, s26;
	[sflag:s19] =	ssyncset.done $0x0  }
0x131: {  	[sflag:s19] =	ssyncadd.s32 $0xFFFFC000  }
0x132: {  	[hbm4b:s1+s3] =	stream.linear.scatter [tilespmem:s20], [sflag:$0x2], $0x4000, $0x38;
	[tilespmem:$0x19000] =	vst v63  }
0x133: {  	_ =	swait.ge [sflag:s21], $0x4000  }
0x134: {  	s1 =	sadd.s32 $0x680, s0;
	[sflag:s21] =	ssyncset.done $0x0  }
0x135: {  	[sflag:s21] =	ssyncadd.s32 $0xFFFFC000  }
0x136: {  	[tilespmem:s18], [sflag:$0x1] =	stream.indirect.gather [hbm4b:s5+s14], $0x80, s1, s14, $0xb8;
	[tilespmem:$0x19000] =	vst v63  }
0x137: {  	_ =	swait.ge [sflag:s19], $0x4000  }
0x138: {  	s1 =	sadd.s32 $0x5000, s26;
	[sflag:s19] =	ssyncset.done $0x0  }
0x139: {  	[sflag:s19] =	ssyncadd.s32 $0xFFFFC000  }
0x13a: {  	[hbm4b:s1+s3] =	stream.linear.scatter [tilespmem:s15], [sflag:$0x2], $0x4000, $0x38;
	[tilespmem:$0x19000] =	vst v63  }
0x13b: {  	_ =	swait.ge [sflag:s21], $0x4000  }
0x13c: {  	s1 =	sadd.s32 $0x700, s0;
	[sflag:s21] =	ssyncset.done $0x0  }
0x13d: {  	[sflag:s21] =	ssyncadd.s32 $0xFFFFC000  }
0x13e: {  	[tilespmem:s20], [sflag:$0x1] =	stream.indirect.gather [hbm4b:s5+s14], $0x80, s1, s14, $0xb8;
	[tilespmem:$0x19000] =	vst v63  }
0x13f: {  	_ =	swait.ge [sflag:s19], $0x4000  }
0x140: {  	s1 =	sadd.s32 $0x5800, s26;
	[sflag:s19] =	ssyncset.done $0x0  }
0x141: {  	[sflag:s19] =	ssyncadd.s32 $0xFFFFC000  }
0x142: {  	[hbm4b:s1+s3] =	stream.linear.scatter [tilespmem:s16], [sflag:$0x2], $0x4000, $0x38;
	[tilespmem:$0x19000] =	vst v63  }
0x143: {  	_ =	swait.ge [sflag:s21], $0x4000  }
0x144: {  	s1 =	sadd.s32 $0x780, s0;
	[sflag:s21] =	ssyncset.done $0x0  }
0x145: {  	[sflag:s21] =	ssyncadd.s32 $0xFFFFC000  }
0x146: {  	[tilespmem:s15], [sflag:$0x1] =	stream.indirect.gather [hbm4b:s5+s14], $0x80, s1, s14, $0xb8;
	[tilespmem:$0x19000] =	vst v63  }
0x147: {  	_ =	swait.ge [sflag:s19], $0x4000  }
0x148: {  	s1 =	sadd.s32 $0x6000, s26;
	[sflag:s19] =	ssyncset.done $0x0  }
0x149: {  	[sflag:s19] =	ssyncadd.s32 $0xFFFFC000  }
0x14a: {  	[hbm4b:s1+s3] =	stream.linear.scatter [tilespmem:s17], [sflag:$0x2], $0x4000, $0x38;
	[tilespmem:$0x19000] =	vst v63  }
0x14b: {  	_ =	swait.ge [sflag:s21], $0x4000  }
0x14c: {  	s1 =	sadd.s32 $0x800, s0;
	[sflag:s21] =	ssyncset.done $0x0  }
0x14d: {  	[sflag:s21] =	ssyncadd.s32 $0xFFFFC000  }
0x14e: {  	[tilespmem:s16], [sflag:$0x1] =	stream.indirect.gather [hbm4b:s5+s14], $0x80, s1, s14, $0xb8;
	[tilespmem:$0x19000] =	vst v63  }
0x14f: {  	_ =	swait.ge [sflag:s19], $0x4000  }
0x150: {  	s1 =	sadd.s32 $0x6800, s26;
	[sflag:s19] =	ssyncset.done $0x0  }
0x151: {  	[sflag:s19] =	ssyncadd.s32 $0xFFFFC000  }
0x152: {  	[hbm4b:s1+s3] =	stream.linear.scatter [tilespmem:s18], [sflag:$0x2], $0x4000, $0x38;
	[tilespmem:$0x19000] =	vst v63  }
0x153: {  	_ =	swait.ge [sflag:s21], $0x4000  }
0x154: {  	s1 =	sadd.s32 $0x880, s0;
	[sflag:s21] =	ssyncset.done $0x0  }
0x155: {  	[sflag:s21] =	ssyncadd.s32 $0xFFFFC000  }
0x156: {  	[tilespmem:s17], [sflag:$0x1] =	stream.indirect.gather [hbm4b:s5+s14], $0x80, s1, s14, $0xb8;
	[tilespmem:$0x19000] =	vst v63  }
0x157: {  	_ =	swait.ge [sflag:s19], $0x4000  }
0x158: {  	s1 =	sadd.s32 $0x7000, s26;
	[sflag:s19] =	ssyncset.done $0x0  }
0x159: {  	[sflag:s19] =	ssyncadd.s32 $0xFFFFC000  }
0x15a: {  	[hbm4b:s1+s3] =	stream.linear.scatter [tilespmem:s20], [sflag:$0x2], $0x4000, $0x38;
	[tilespmem:$0x19000] =	vst v63  }
0x15b: {  	_ =	swait.ge [sflag:s21], $0x4000  }
0x15c: {  	s1 =	sadd.s32 $0x900, s0;
	[sflag:s21] =	ssyncset.done $0x0  }
0x15d: {  	[sflag:s21] =	ssyncadd.s32 $0xFFFFC000  }
0x15e: {  	[tilespmem:s18], [sflag:$0x1] =	stream.indirect.gather [hbm4b:s5+s14], $0x80, s1, s14, $0xb8;
	[tilespmem:$0x19000] =	vst v63  }
0x15f: {  	_ =	swait.ge [sflag:s19], $0x4000  }
0x160: {  	s1 =	sadd.s32 $0x7800, s26;
	[sflag:s19] =	ssyncset.done $0x0  }
0x161: {  	[sflag:s19] =	ssyncadd.s32 $0xFFFFC000  }
0x162: {  	[hbm4b:s1+s3] =	stream.linear.scatter [tilespmem:s15], [sflag:$0x2], $0x4000, $0x38;
	[tilespmem:$0x19000] =	vst v63  }
.Ltmp0:
0x163: {  	_ = 	snop;
	(pc) =	sbr.rel @p0 .LBB2_3-.Ltmp0, $4  }
0x164: {  	s7 =	sadd.s32 $0x8000, s26;
	s26 =	sadd.s32 $0xA000, s26;
	_ =	swait.ge [sflag:s21], $0x4000  }
0x165: {  	s30 =	sadd.s32 $0x1, s30;
	s1 =	sadd.s32 $0x980, s0;
	[sflag:s21] =	ssyncset.done $0x0  }
0x166: {  	s28 =	sadd.s32 $0x50000, s28;
	s0 =	sor.u32 s25, s30;
	[sflag:s21] =	ssyncadd.s32 $0xFFFFC000  }
0x167: {  	[tilespmem:s20], [sflag:$0x1] =	stream.indirect.gather [hbm4b:s5+s14], $0x80, s1, s14, $0xb8;
	[tilespmem:$0x19000] =	vst v63  }
0x168: {  	_ =	swait.ge [sflag:s19], $0x4000  }
0x169: {  	p0 =	seq.s32 s0, $0x0;
	[sflag:s19] =	ssyncset.done $0x0  }
0x16a: {  	s1 =	simm.s32 @!p0 $0x2;
	[sflag:s19] =	ssyncadd.s32 $0xFFFFC000  }
0x16b: {  	[hbm4b:s7+s3] =	stream.linear.scatter [tilespmem:s16], [sflag:$0x2], $0x4000, $0x38;
	[tilespmem:$0x19000] =	vst v63  }
0x16c: {  	_ =	swait.ge @!p0 [sflag:s1], $0x4000  }
0x16d: {  	p1 =	seq.s32 s31, $0x0;
	[sflag:s1] =	ssyncset.done @!p0 $0x0  }
0x16e: {  	s0 =	sshra.s32 s31, $0x2;
	s8 =	simm.s32 @!p1 $0x1;
	[sflag:s1] =	ssyncadd.s32 @!p0 $0xFFFFC000  }
0x16f: {  	[tilespmem:s15], [sflag:$0x1] =	stream.indirect.gather [hbm4b:s5+s14], $0x80, s0, s14, $0xb8;
	[tilespmem:$0x19000] =	vst v63  }
0x170: {  	s7 =	sadd.s32 @!p1 $0xFFFF8000, s28;
	_ =	swait.ge @!p1 [sflag:s8], $0x4000  }
0x171: {  	s9 =	simm.s32 @!p1 $0x0;
	s7 =	sshrl.u32 @!p1 s7, $0x3;
	[sflag:s8] =	ssyncset.done @!p1 $0x0  }
0x172: {  	s10 =	simm.s32 @!p1 $0xD000;
	s7 =	sadd.s32 @!p1 s2, s7;
	[sflag:s8] =	ssyncadd.s32 @!p1 $0xFFFFC000  }
0x173: {  	[hbm4b:s7+s9] =	stream.linear.scatter @!p1 [tilespmem:s10], [sflag:$0x2], $0x4000, $0x38;
	[tilespmem:$0x19000] =	vst v63  }
0x174: {  	_ =	swait.ge @!p0 [sflag:s1], $0x4000  }
0x175: {  	[sflag:s1] =	ssyncset.done @!p0 $0x0  }
0x176: {  	s12 =	sadd.s32 $0x80, s0;
	[sflag:s1] =	ssyncadd.s32 @!p0 $0xFFFFC000  }
0x177: {  	[tilespmem:s16], [sflag:$0x1] =	stream.indirect.gather [hbm4b:s5+s14], $0x80, s12, s14, $0xb8;
	[tilespmem:$0x19000] =	vst v63  }
0x178: {  	s7 =	sadd.s32 @!p1 $0xFFFFC000, s28;
	_ =	swait.ge @!p1 [sflag:s8], $0x4000  }
0x179: {  	s7 =	sshrl.u32 @!p1 s7, $0x3;
	[sflag:s8] =	ssyncset.done @!p1 $0x0  }
0x17a: {  	s10 =	simm.s32 @!p1 $0x11000;
	s7 =	sadd.s32 @!p1 s2, s7;
	[sflag:s8] =	ssyncadd.s32 @!p1 $0xFFFFC000  }
0x17b: {  	[hbm4b:s7+s9] =	stream.linear.scatter @!p1 [tilespmem:s10], [sflag:$0x2], $0x4000, $0x38;
	[tilespmem:$0x19000] =	vst v63  }
0x17c: {  	_ =	swait.ge @!p0 [sflag:s1], $0x4000  }
0x17d: {  	[sflag:s1] =	ssyncset.done @!p0 $0x0  }
0x17e: {  	s29 =	sadd.s32 $0x100, s0;
	[sflag:s1] =	ssyncadd.s32 @!p0 $0xFFFFC000  }
0x17f: {  	[tilespmem:s17], [sflag:$0x1] =	stream.indirect.gather [hbm4b:s5+s14], $0x80, s29, s14, $0xb8;
	[tilespmem:$0x19000] =	vst v63  }
0x180: {  	_ =	swait.ge @!p1 [sflag:s8], $0x4000  }
0x181: {  	s7 =	sshrl.u32 @!p1 s28, $0x3;
	[sflag:s8] =	ssyncset.done @!p1 $0x0  }
0x182: {  	s10 =	simm.s32 @!p1 $0x15000;
	s7 =	sadd.s32 @!p1 s2, s7;
	[sflag:s8] =	ssyncadd.s32 @!p1 $0xFFFFC000  }
0x183: {  	[hbm4b:s7+s9] =	stream.linear.scatter @!p1 [tilespmem:s10], [sflag:$0x2], $0x4000, $0x38;
	[tilespmem:$0x19000] =	vst v63  }
0x184: {  	_ =	swait.ge @!p0 [sflag:s1], $0x4000  }
0x185: {  	[sflag:s1] =	ssyncset.done @!p0 $0x0  }
0x186: {  	s30 =	sadd.s32 $0x180, s0;
	[sflag:s1] =	ssyncadd.s32 @!p0 $0xFFFFC000  }
0x187: {  	[tilespmem:s18], [sflag:$0x1] =	stream.indirect.gather [hbm4b:s5+s14], $0x80, s30, s14, $0xb8;
	[tilespmem:$0x19000] =	vst v63  }
0x188: {  	_ =	swait.ge [sflag:s19], $0x4000  }
0x189: {  	[sflag:s19] =	ssyncset.done $0x0  }
0x18a: {  	[sflag:s19] =	ssyncadd.s32 $0xFFFFC000  }
0x18b: {  	[hbm4b:s26+s3] =	stream.linear.scatter [tilespmem:s15], [sflag:$0x2], $0x4000, $0x38;
	[tilespmem:$0x19000] =	vst v63  }
0x18c: {  	_ =	swait.ge @!p0 [sflag:s1], $0x4000  }
0x18d: {  	[sflag:s1] =	ssyncset.done @!p0 $0x0  }
0x18e: {  	s31 =	sadd.s32 $0x200, s0;
	[sflag:s1] =	ssyncadd.s32 @!p0 $0xFFFFC000  }
0x18f: {  	[tilespmem:s20], [sflag:$0x1] =	stream.indirect.gather [hbm4b:s5+s14], $0x80, s31, s14, $0xb8;
	[tilespmem:$0x19000] =	vst v63  }
0x190: {  	_ =	swait.ge [sflag:s19], $0x4000  }
0x191: {  	[sflag:s19] =	ssyncset.done $0x0  }
0x192: {  	s7 =	sadd.s32 $0x800, s26;
	[sflag:s19] =	ssyncadd.s32 $0xFFFFC000  }
0x193: {  	[hbm4b:s7+s3] =	stream.linear.scatter [tilespmem:s16], [sflag:$0x2], $0x4000, $0x38;
	[tilespmem:$0x19000] =	vst v63  }
0x194: {  	_ =	swait.ge [sflag:s21], $0x4000  }
0x195: {  	[sflag:s21] =	ssyncset.done $0x0  }
0x196: {  	s8 =	sadd.s32 $0x280, s0;
	[sflag:s21] =	ssyncadd.s32 $0xFFFFC000  }
0x197: {  	[tilespmem:s15], [sflag:$0x1] =	stream.indirect.gather [hbm4b:s5+s14], $0x80, s8, s14, $0xb8;
	[tilespmem:$0x19000] =	vst v63  }
0x198: {  	_ =	swait.ge [sflag:s19], $0x4000  }
0x199: {  	[sflag:s19] =	ssyncset.done $0x0  }
0x19a: {  	s9 =	sadd.s32 $0x1000, s26;
	[sflag:s19] =	ssyncadd.s32 $0xFFFFC000  }
0x19b: {  	[hbm4b:s9+s3] =	stream.linear.scatter [tilespmem:s17], [sflag:$0x2], $0x4000, $0x38;
	[tilespmem:$0x19000] =	vst v63  }
0x19c: {  	_ =	swait.ge [sflag:s21], $0x4000  }
0x19d: {  	[sflag:s21] =	ssyncset.done $0x0  }
0x19e: {  	s10 =	sadd.s32 $0x300, s0;
	[sflag:s21] =	ssyncadd.s32 $0xFFFFC000  }
0x19f: {  	[tilespmem:s16], [sflag:$0x1] =	stream.indirect.gather [hbm4b:s5+s14], $0x80, s10, s14, $0xb8;
	[tilespmem:$0x19000] =	vst v63  }
0x1a0: {  	_ =	swait.ge [sflag:s19], $0x4000  }
0x1a1: {  	[sflag:s19] =	ssyncset.done $0x0  }
0x1a2: {  	s11 =	sadd.s32 $0x1800, s26;
	[sflag:s19] =	ssyncadd.s32 $0xFFFFC000  }
0x1a3: {  	[hbm4b:s11+s3] =	stream.linear.scatter [tilespmem:s18], [sflag:$0x2], $0x4000, $0x38;
	[tilespmem:$0x19000] =	vst v63  }
0x1a4: {  	_ =	swait.ge [sflag:s21], $0x4000  }
0x1a5: {  	[sflag:s21] =	ssyncset.done $0x0  }
0x1a6: {  	s12 =	sadd.s32 $0x380, s0;
	[sflag:s21] =	ssyncadd.s32 $0xFFFFC000  }
0x1a7: {  	[tilespmem:s17], [sflag:$0x1] =	stream.indirect.gather [hbm4b:s5+s14], $0x80, s12, s14, $0xb8;
	[tilespmem:$0x19000] =	vst v63  }
0x1a8: {  	_ =	swait.ge [sflag:s19], $0x4000  }
0x1a9: {  	[sflag:s19] =	ssyncset.done $0x0  }
0x1aa: {  	s28 =	sadd.s32 $0x2000, s26;
	[sflag:s19] =	ssyncadd.s32 $0xFFFFC000  }
0x1ab: {  	[hbm4b:s28+s3] =	stream.linear.scatter [tilespmem:s20], [sflag:$0x2], $0x4000, $0x38;
	[tilespmem:$0x19000] =	vst v63  }
0x1ac: {  	_ =	swait.ge [sflag:s21], $0x4000  }
0x1ad: {  	[sflag:s21] =	ssyncset.done $0x0  }
0x1ae: {  	s29 =	sadd.s32 $0x400, s0;
	[sflag:s21] =	ssyncadd.s32 $0xFFFFC000  }
0x1af: {  	[tilespmem:s18], [sflag:$0x1] =	stream.indirect.gather [hbm4b:s5+s14], $0x80, s29, s14, $0xb8;
	[tilespmem:$0x19000] =	vst v63  }
0x1b0: {  	_ =	swait.ge [sflag:s19], $0x4000  }
0x1b1: {  	[sflag:s19] =	ssyncset.done $0x0  }
0x1b2: {  	s30 =	sadd.s32 $0x2800, s26;
	[sflag:s19] =	ssyncadd.s32 $0xFFFFC000  }
0x1b3: {  	[hbm4b:s30+s3] =	stream.linear.scatter [tilespmem:s15], [sflag:$0x2], $0x4000, $0x38;
	[tilespmem:$0x19000] =	vst v63  }
0x1b4: {  	_ =	swait.ge [sflag:s21], $0x4000  }
0x1b5: {  	[sflag:s21] =	ssyncset.done $0x0  }
0x1b6: {  	s31 =	sadd.s32 $0x480, s0;
	[sflag:s21] =	ssyncadd.s32 $0xFFFFC000  }
0x1b7: {  	[tilespmem:s20], [sflag:$0x1] =	stream.indirect.gather [hbm4b:s5+s14], $0x80, s31, s14, $0xb8;
	[tilespmem:$0x19000] =	vst v63  }
0x1b8: {  	_ =	swait.ge [sflag:s19], $0x4000  }
0x1b9: {  	[sflag:s19] =	ssyncset.done $0x0  }
0x1ba: {  	s7 =	sadd.s32 $0x3000, s26;
	[sflag:s19] =	ssyncadd.s32 $0xFFFFC000  }
0x1bb: {  	[hbm4b:s7+s3] =	stream.linear.scatter [tilespmem:s16], [sflag:$0x2], $0x4000, $0x38;
	[tilespmem:$0x19000] =	vst v63  }
0x1bc: {  	_ =	swait.ge [sflag:s21], $0x4000  }
0x1bd: {  	[sflag:s21] =	ssyncset.done $0x0  }
0x1be: {  	s8 =	sadd.s32 $0x500, s0;
	[sflag:s21] =	ssyncadd.s32 $0xFFFFC000  }
0x1bf: {  	[tilespmem:s15], [sflag:$0x1] =	stream.indirect.gather [hbm4b:s5+s14], $0x80, s8, s14, $0xb8;
	[tilespmem:$0x19000] =	vst v63  }
0x1c0: {  	_ =	swait.ge [sflag:s19], $0x4000  }
0x1c1: {  	[sflag:s19] =	ssyncset.done $0x0  }
0x1c2: {  	s9 =	sadd.s32 $0x3800, s26;
	[sflag:s19] =	ssyncadd.s32 $0xFFFFC000  }
0x1c3: {  	[hbm4b:s9+s3] =	stream.linear.scatter [tilespmem:s17], [sflag:$0x2], $0x4000, $0x38;
	[tilespmem:$0x19000] =	vst v63  }
0x1c4: {  	_ =	swait.ge [sflag:s21], $0x4000  }
0x1c5: {  	[sflag:s21] =	ssyncset.done $0x0  }
0x1c6: {  	s10 =	sadd.s32 $0x580, s0;
	[sflag:s21] =	ssyncadd.s32 $0xFFFFC000  }
0x1c7: {  	[tilespmem:s16], [sflag:$0x1] =	stream.indirect.gather [hbm4b:s5+s14], $0x80, s10, s14, $0xb8;
	[tilespmem:$0x19000] =	vst v63  }
0x1c8: {  	_ =	swait.ge [sflag:s19], $0x4000  }
0x1c9: {  	[sflag:s19] =	ssyncset.done $0x0  }
0x1ca: {  	s11 =	sadd.s32 $0x4000, s26;
	[sflag:s19] =	ssyncadd.s32 $0xFFFFC000  }
0x1cb: {  	[hbm4b:s11+s3] =	stream.linear.scatter [tilespmem:s18], [sflag:$0x2], $0x4000, $0x38;
	[tilespmem:$0x19000] =	vst v63  }
0x1cc: {  	_ =	swait.ge [sflag:s21], $0x4000  }
0x1cd: {  	[sflag:s21] =	ssyncset.done $0x0  }
0x1ce: {  	s12 =	sadd.s32 $0x600, s0;
	[sflag:s21] =	ssyncadd.s32 $0xFFFFC000  }
0x1cf: {  	[tilespmem:s17], [sflag:$0x1] =	stream.indirect.gather [hbm4b:s5+s14], $0x80, s12, s14, $0xb8;
	[tilespmem:$0x19000] =	vst v63  }
0x1d0: {  	_ =	swait.ge [sflag:s19], $0x4000  }
0x1d1: {  	[sflag:s19] =	ssyncset.done $0x0  }
0x1d2: {  	s28 =	sadd.s32 $0x4800, s26;
	[sflag:s19] =	ssyncadd.s32 $0xFFFFC000  }
0x1d3: {  	[hbm4b:s28+s3] =	stream.linear.scatter [tilespmem:s20], [sflag:$0x2], $0x4000, $0x38;
	[tilespmem:$0x19000] =	vst v63  }
0x1d4: {  	_ =	swait.ge [sflag:s21], $0x4000  }
0x1d5: {  	[sflag:s21] =	ssyncset.done $0x0  }
0x1d6: {  	s29 =	sadd.s32 $0x680, s0;
	[sflag:s21] =	ssyncadd.s32 $0xFFFFC000  }
0x1d7: {  	[tilespmem:s18], [sflag:$0x1] =	stream.indirect.gather [hbm4b:s5+s14], $0x80, s29, s14, $0xb8;
	[tilespmem:$0x19000] =	vst v63  }
0x1d8: {  	_ =	swait.ge [sflag:s19], $0x4000  }
0x1d9: {  	[sflag:s19] =	ssyncset.done $0x0  }
0x1da: {  	s30 =	sadd.s32 $0x5000, s26;
	[sflag:s19] =	ssyncadd.s32 $0xFFFFC000  }
0x1db: {  	[hbm4b:s30+s3] =	stream.linear.scatter [tilespmem:s15], [sflag:$0x2], $0x4000, $0x38;
	[tilespmem:$0x19000] =	vst v63  }
0x1dc: {  	_ =	swait.ge [sflag:s21], $0x4000  }
0x1dd: {  	[sflag:s21] =	ssyncset.done $0x0  }
0x1de: {  	s31 =	sadd.s32 $0x700, s0;
	[sflag:s21] =	ssyncadd.s32 $0xFFFFC000  }
0x1df: {  	[tilespmem:s20], [sflag:$0x1] =	stream.indirect.gather [hbm4b:s5+s14], $0x80, s31, s14, $0xb8;
	[tilespmem:$0x19000] =	vst v63  }
0x1e0: {  	_ =	swait.ge [sflag:s19], $0x4000  }
0x1e1: {  	[sflag:s19] =	ssyncset.done $0x0  }
0x1e2: {  	s7 =	sadd.s32 $0x5800, s26;
	[sflag:s19] =	ssyncadd.s32 $0xFFFFC000  }
0x1e3: {  	[hbm4b:s7+s3] =	stream.linear.scatter [tilespmem:s16], [sflag:$0x2], $0x4000, $0x38;
	[tilespmem:$0x19000] =	vst v63  }
0x1e4: {  	_ =	swait.ge [sflag:s21], $0x4000  }
0x1e5: {  	[sflag:s21] =	ssyncset.done $0x0  }
0x1e6: {  	s8 =	sadd.s32 $0x780, s0;
	[sflag:s21] =	ssyncadd.s32 $0xFFFFC000  }
0x1e7: {  	[tilespmem:s15], [sflag:$0x1] =	stream.indirect.gather [hbm4b:s5+s14], $0x80, s8, s14, $0xb8;
	[tilespmem:$0x19000] =	vst v63  }
0x1e8: {  	_ =	swait.ge [sflag:s19], $0x4000  }
0x1e9: {  	[sflag:s19] =	ssyncset.done $0x0  }
0x1ea: {  	s9 =	sadd.s32 $0x6000, s26;
	[sflag:s19] =	ssyncadd.s32 $0xFFFFC000  }
0x1eb: {  	[hbm4b:s9+s3] =	stream.linear.scatter [tilespmem:s17], [sflag:$0x2], $0x4000, $0x38;
	[tilespmem:$0x19000] =	vst v63  }
0x1ec: {  	_ =	swait.ge [sflag:s21], $0x4000  }
0x1ed: {  	[sflag:s21] =	ssyncset.done $0x0  }
0x1ee: {  	s10 =	sadd.s32 $0x800, s0;
	[sflag:s21] =	ssyncadd.s32 $0xFFFFC000  }
0x1ef: {  	[tilespmem:s16], [sflag:$0x1] =	stream.indirect.gather [hbm4b:s5+s14], $0x80, s10, s14, $0xb8;
	[tilespmem:$0x19000] =	vst v63  }
0x1f0: {  	_ =	swait.ge [sflag:s19], $0x4000  }
0x1f1: {  	[sflag:s19] =	ssyncset.done $0x0  }
0x1f2: {  	s11 =	sadd.s32 $0x6800, s26;
	[sflag:s19] =	ssyncadd.s32 $0xFFFFC000  }
0x1f3: {  	[hbm4b:s11+s3] =	stream.linear.scatter [tilespmem:s18], [sflag:$0x2], $0x4000, $0x38;
	[tilespmem:$0x19000] =	vst v63  }
0x1f4: {  	_ =	swait.ge [sflag:s21], $0x4000  }
0x1f5: {  	[sflag:s21] =	ssyncset.done $0x0  }
0x1f6: {  	s12 =	sadd.s32 $0x880, s0;
	[sflag:s21] =	ssyncadd.s32 $0xFFFFC000  }
0x1f7: {  	[tilespmem:s17], [sflag:$0x1] =	stream.indirect.gather [hbm4b:s5+s14], $0x80, s12, s14, $0xb8;
	[tilespmem:$0x19000] =	vst v63  }
0x1f8: {  	_ =	swait.ge [sflag:s19], $0x4000  }
0x1f9: {  	[sflag:s19] =	ssyncset.done $0x0  }
0x1fa: {  	s28 =	sadd.s32 $0x7000, s26;
	[sflag:s19] =	ssyncadd.s32 $0xFFFFC000  }
0x1fb: {  	[hbm4b:s28+s3] =	stream.linear.scatter [tilespmem:s20], [sflag:$0x2], $0x4000, $0x38;
	[tilespmem:$0x19000] =	vst v63  }
0x1fc: {  	_ =	swait.ge [sflag:s21], $0x4000  }
0x1fd: {  	[sflag:s21] =	ssyncset.done $0x0  }
0x1fe: {  	s29 =	sadd.s32 $0x900, s0;
	[sflag:s21] =	ssyncadd.s32 $0xFFFFC000  }
0x1ff: {  	[tilespmem:s18], [sflag:$0x1] =	stream.indirect.gather [hbm4b:s5+s14], $0x80, s29, s14, $0xb8;
	[tilespmem:$0x19000] =	vst v63  }
0x200: {  	_ =	swait.ge [sflag:s19], $0x4000  }
0x201: {  	[sflag:s19] =	ssyncset.done $0x0  }
0x202: {  	s30 =	sadd.s32 $0x7800, s26;
	[sflag:s19] =	ssyncadd.s32 $0xFFFFC000  }
0x203: {  	[hbm4b:s30+s3] =	stream.linear.scatter [tilespmem:s15], [sflag:$0x2], $0x4000, $0x38;
	[tilespmem:$0x19000] =	vst v63  }
0x204: {  	_ =	swait.ge [sflag:s21], $0x4000  }
0x205: {  	s25 =	sadd.s32 $0x1, s25;
	[sflag:s21] =	ssyncset.done $0x0  }
0x206: {  	p0 =	sne.s32 s25, $0x5;
	s0 =	sadd.s32 $0x980, s0;
	[sflag:s21] =	ssyncadd.s32 $0xFFFFC000  }
0x207: {  	[tilespmem:s20], [sflag:$0x1] =	stream.indirect.gather [hbm4b:s5+s14], $0x80, s0, s14, $0xb8;
	[tilespmem:$0x19000] =	vst v63  }
.Ltmp1:
0x208: {  	_ = 	snop;
	(pc) =	sbr.rel @p0 .LBB2_2-.Ltmp1, $4  }
0x209: {  	_ =	swait.ge [sflag:s19], $0x4000  }
0x20a: {  	s24 =	sadd.s32 $0x280000, s24;
	[sflag:s19] =	ssyncset.done $0x0  }
0x20b: {  	s23 =	sadd.s32 $0x50000, s23;
	s31 =	sadd.s32 $0x8000, s26;
	[sflag:s19] =	ssyncadd.s32 $0xFFFFC000  }
0x20c: {  	[hbm4b:s31+s3] =	stream.linear.scatter [tilespmem:s16], [sflag:$0x2], $0x4000, $0x38;
	[tilespmem:$0x19000] =	vst v63  }
0x20d: {  	_ =	swait.ge [sflag:s19], $0x4000  }
0x20e: {  	[sflag:s19] =	ssyncset.done $0x0  }
0x20f: {  	s0 =	rddreg [dreg:$0x3];
	[sflag:s19] =	ssyncadd.s32 $0xFFFFC000  }
0x210: {  	[hbm4b:s0+s3] =	stream.linear.scatter [tilespmem:s17], [sflag:$0x2], $0x4000, $0x38;
	[tilespmem:$0x19000] =	vst v63  }
0x211: {  	_ =	swait.ge [sflag:s19], $0x4000  }
0x212: {  	[sflag:s19] =	ssyncset.done $0x0  }
0x213: {  	s29 =	rddreg [dreg:$0x4];
	[sflag:s19] =	ssyncadd.s32 $0xFFFFC000  }
0x214: {  	[hbm4b:s29+s3] =	stream.linear.scatter [tilespmem:s18], [sflag:$0x2], $0x4000, $0x38;
	[tilespmem:$0x19000] =	vst v63  }
0x215: {  	_ =	swait.ge [sflag:s19], $0x4000  }
0x216: {  	[sflag:s19] =	ssyncset.done $0x0  }
0x217: {  	s30 =	rddreg [dreg:$0x5];
	[sflag:s19] =	ssyncadd.s32 $0xFFFFC000  }
0x218: {  	[hbm4b:s30+s3] =	stream.linear.scatter [tilespmem:s20], [sflag:$0x2], $0x4000, $0x38;
	[tilespmem:$0x19000] =	vst v63  }
0x219: {  	_ =	swait.ge [sflag:s21], $0x4000  }
0x21a: {  	[sflag:s21] =	ssyncset.done $0x0  }
0x21b: {  	[sflag:s21] =	ssyncadd.s32 $0xFFFFC000  }
0x21c: {  	_ =	swait.ge [sflag:s21], $0x4000  }
0x21d: {  	[sflag:s21] =	ssyncset.done $0x0  }
0x21e: {  	[sflag:s21] =	ssyncadd.s32 $0xFFFFC000  }
0x21f: {  	_ =	swait.ge [sflag:s21], $0x4000  }
0x220: {  	[sflag:s21] =	ssyncset.done $0x0  }
0x221: {  	[sflag:s21] =	ssyncadd.s32 $0xFFFFC000  }
0x222: {  	_ =	swait.ge [sflag:s21], $0x4000  }
0x223: {  	[sflag:s21] =	ssyncset.done $0x0  }
0x224: {  	[sflag:s21] =	ssyncadd.s32 $0xFFFFC000  }
0x225: {  	_ =	swait.ge [sflag:s21], $0x4000  }
0x226: {  	s22 =	sadd.s32 $0x1, s22;
	s31 =	rddreg [dreg:$0x6]  }
0x227: {  	p0 =	sne.s32 s22, s31  }
.Ltmp2:
0x228: {  	_ = 	snop;
	(pc) =	sbr.rel @p0 .LBB2_1-.Ltmp2, $3  }
0x229: {  	_ =	sdelay $0x1  }
0x22a: {  	[sflag:s21] =	ssyncset.done $0x0  }
0x22b: {  	[sflag:s21] =	ssyncadd.s32 $0xFFFFC000  }
0x22c: {  	_ =	sfence.sel $0x180000  }
0x22d: {  	[bflag:$0x0] =	sbarrier.arrive $0xFFFF  }
0x22e: {  	_ =	strace $0x90000047  }
0x22f: {  	s0 =	stileid.u32;
	[bflag:$0x2] =	sbarrier.arrive $0xFFFF  }
0x230: {  	p0 =	sne.s32 s0, $0x0;
	s0 =	rddreg [dreg:$0x2]  }
0x231: {  	s0 =	sadd.s32 @!p0 $0x100000, s0  }
0x232: {  	[sflag:s0] =	ssyncadd.tile.s32 @!p0 $0x1;
	_ =	shalt  }
.Lfunc_end2:
_tile_overlayer_lowered:
.L_overlay_start_2:
0x233: {  	(tag) =	ssettag $0x2  }
0x234: {  	s0 =	rddreg [dreg:$0x0];
	s2 =	stileid.u32  }
0x235: {  	s1 =	rddreg [dreg:$0x1];
	p0 =	sne.s32 s2, $0x0  }
0x236: {  	s3 =	rddreg [dreg:$0x2];
	[bflag:$0x3] =	sbarrier.arrive $0xFFFF;
	s2 =	simm.s32 @!p0 $0x1C03  }
0x237: {  	[timem:s3], [sflag:s2] =	dma.local @!p0 [hbm:s0], s1  }
0x238: {  	s0 =	simm.s32 @!p0 $0x3  }
0x239: {  	_ =	swait.ge @!p0 [sflag:s0], s1  }
0x23a: {  	s1 =	ssub.s32 @!p0 $0x0, s1;
	[sflag:s0] =	ssyncset.done @!p0 $0x0  }
0x23b: {  	[sflag:s0] =	ssyncadd.s32 @!p0 s1  }
0x23c: {  	[bflag:$0x3] =	sbarrier.arrive $0xFFFF  }
0x23d: {  	_ =	shalt  }

</sc_bundles>
